<compile_context>
chip_gen: v7x
topology: tpu7x:2x2x1
jax: 0.10.2.dev20260603
libtpu: 0.0.44.dev20260713+nightly
codegen_flags: <defaults>
</compile_context>

<pallas_src>
import functools

import jax
import jax.numpy as jnp
from jax import lax
from jax.experimental import pallas as pl
from jax.experimental.pallas import tpu as pltpu
from jax.experimental.pallas import tpu_sc as plsc

N = 10000
D = 128
D_HID = 256

NC = 2
NS = 16
NW = NC * NS

N_PAD = 10240
ROWS_PER_TILE = N_PAD // NS
E_PAD = 327680
EPW = E_PAD // NW
CHUNK = 128
NCHUNK = EPW // CHUNK
NBLOCK = 2
BLKCH = NCHUNK // NBLOCK

_mesh = plsc.VectorSubcoreMesh(
    core_axis_name="c", subcore_axis_name="s", num_cores=NC, num_subcores=NS)


def _zero_vmem_rows(buf, nrows, ncols):
    z = jnp.zeros((16,), jnp.float32)

    def body(i, _):
        for j in range(ncols // 16):
            buf[i, pl.ds(j * 16, 16)] = z
        return 0

    lax.fori_loop(0, nrows, body, 0)


@functools.partial(
    pl.kernel,
    out_type=jax.ShapeDtypeStruct((NC * N_PAD,), jnp.float32),
    mesh=_mesh,
    scratch_types=[
        pltpu.VMEM((BLKCH, CHUNK), jnp.int32),
        pltpu.VMEM((CHUNK,), jnp.float32),
        pltpu.VMEM((ROWS_PER_TILE,), jnp.float32),
        pltpu.SemaphoreType.DMA,
        pltpu.VMEM_SHARED((N_PAD,), jnp.float32),
    ],
)
def _deg_kernel(dst_hbm, out_hbm, didx_v, ones_v, zstage_v, sem, acc):
    c = lax.axis_index("c")
    s = lax.axis_index("s")
    w = c * NS + s

    one = jnp.full((16,), 1.0, jnp.float32)
    zero = jnp.zeros((16,), jnp.float32)
    for j in range(CHUNK // 16):
        ones_v[pl.ds(j * 16, 16)] = one

    def zbody(i, _):
        zstage_v[pl.ds(i * 16, 16)] = zero
        return 0

    lax.fori_loop(0, ROWS_PER_TILE // 16, zbody, 0)
    pltpu.sync_copy(zstage_v, acc.at[pl.ds(s * ROWS_PER_TILE, ROWS_PER_TILE)])
    plsc.subcore_barrier()

    def body(k, _):
        pltpu.async_copy(ones_v, acc.at[didx_v.at[k]], sem, add=True)
        return 0

    def drain(k, _):
        pltpu.make_async_copy(ones_v, acc.at[didx_v.at[0]], sem).wait()
        return 0

    for b in range(NBLOCK):
        pltpu.sync_copy(dst_hbm.at[w, b], didx_v)
        lax.fori_loop(0, BLKCH, body, 0)
        lax.fori_loop(0, BLKCH, drain, 0)
    plsc.subcore_barrier()
    row0 = s * ROWS_PER_TILE
    pltpu.sync_copy(acc.at[pl.ds(row0, ROWS_PER_TILE)],
                    out_hbm.at[pl.ds(c * N_PAD + row0, ROWS_PER_TILE)])


@functools.partial(
    pl.kernel,
    out_type=jax.ShapeDtypeStruct((NC * N_PAD, D), jnp.float32),
    mesh=_mesh,
    scratch_types=[
        pltpu.VMEM((BLKCH, CHUNK), jnp.int32),
        pltpu.VMEM((BLKCH, CHUNK), jnp.int32),
        [pltpu.VMEM((CHUNK, D), jnp.float32)] * 2,
        [pltpu.SemaphoreType.DMA] * 2,
        pltpu.VMEM_SHARED((N_PAD, D), jnp.float32),
    ],
)
def _msg_kernel(table_hbm, src_hbm, dst_hbm, out_hbm, sidx, didx, rows,
                sem_g, acc):
    c = lax.axis_index("c")
    s = lax.axis_index("s")
    w = c * NS + s

    _zero_vmem_rows(rows[0], CHUNK, D)
    row0 = s * ROWS_PER_TILE
    for j in range(ROWS_PER_TILE // CHUNK):
        pltpu.sync_copy(rows[0], acc.at[pl.ds(row0 + j * CHUNK, CHUNK)])
    plsc.subcore_barrier()

    rows_a, rows_b = rows
    sem_a, sem_b = sem_g

    def body(j, _):
        k0 = 2 * j
        pltpu.async_copy(table_hbm.at[sidx.at[k0 + 1]], rows_b, sem_b)
        pltpu.make_async_copy(table_hbm.at[sidx.at[k0]], rows_a, sem_a).wait()
        pltpu.sync_copy(rows_a, acc.at[didx.at[k0]], add=True)
        k2 = jnp.minimum(k0 + 2, BLKCH - 1)
        pltpu.async_copy(table_hbm.at[sidx.at[k2]], rows_a, sem_a)
        pltpu.make_async_copy(table_hbm.at[sidx.at[k0 + 1]], rows_b,
                              sem_b).wait()
        pltpu.sync_copy(rows_b, acc.at[didx.at[k0 + 1]], add=True)
        return 0

    for b in range(NBLOCK):
        pltpu.sync_copy(src_hbm.at[w, b], sidx)
        pltpu.sync_copy(dst_hbm.at[w, b], didx)
        pltpu.async_copy(table_hbm.at[sidx.at[0]], rows_a, sem_a)
        lax.fori_loop(0, BLKCH // 2, body, 0)
        pltpu.make_async_copy(table_hbm.at[sidx.at[BLKCH - 1]], rows_a,
                              sem_a).wait()

    plsc.subcore_barrier()
    pltpu.sync_copy(acc.at[pl.ds(row0, ROWS_PER_TILE)],
                    out_hbm.at[pl.ds(c * N_PAD + row0, ROWS_PER_TILE)])


_BLK = 1024
_GRID = N_PAD // _BLK


def _dis_block(deg_ref):
    deg = deg_ref[0, :] + deg_ref[1, :] + 1.0
    return lax.rsqrt(deg)[:, None]


def _tc0_body(deg_ref, x_ref, xs_ref):
    xs_ref[...] = _dis_block(deg_ref) * x_ref[...]


def _tc1_body(deg_ref, msg_ref, xs_ref, w1_ref, b1_ref, a_ref, w2_ref,
              h2s_ref):
    dis = _dis_block(deg_ref)
    a = a_ref[0, 0]
    t = dis * (msg_ref[0] + msg_ref[1] + xs_ref[...])
    c1 = jnp.dot(t, w1_ref[...], preferred_element_type=jnp.float32)
    c1 = c1 + b1_ref[...]
    o1 = jnp.where(c1 >= 0, c1, a * c1)
    h2 = jnp.dot(o1, w2_ref[...], preferred_element_type=jnp.float32)
    h2s_ref[...] = dis * h2


def _tc2_body(deg_ref, msg_ref, h2s_ref, b2_ref, a_ref, f1w_ref, f1b_ref,
              f2w_ref, f2b_ref, out_ref, proj_ref):
    dis = _dis_block(deg_ref)
    a = a_ref[0, 0]
    t = dis * (msg_ref[0] + msg_ref[1] + h2s_ref[...]) + b2_ref[...]
    out = jnp.where(t >= 0, t, a * t)
    out_ref[...] = out
    p = jnp.dot(out, f1w_ref[...], preferred_element_type=jnp.float32)
    p = jnp.maximum(p + f1b_ref[...], 0.0)
    proj_ref[...] = jnp.dot(p, f2w_ref[...],
                            preferred_element_type=jnp.float32) + f2b_ref[...]


def _deg_spec():
    return pl.BlockSpec((2, _BLK), lambda i: (0, i))


def _row_spec(d=D):
    return pl.BlockSpec((_BLK, d), lambda i: (i, 0))


def _msg_spec():
    return pl.BlockSpec((2, _BLK, D), lambda i: (0, i, 0))


def _full_spec(shape):
    return pl.BlockSpec(shape, lambda i: tuple(0 for _ in shape))


def _smem_spec():
    return pl.BlockSpec(memory_space=pltpu.SMEM)


def kernel(x, edge_index, W1, b1, W2, b2, a, fc1_W, fc1_b, fc2_W, fc2_b):
    f32 = jnp.float32
    src = edge_index[0].astype(jnp.int32)
    dst = edge_index[1].astype(jnp.int32)
    pad = N + jnp.arange(E_PAD - src.shape[0], dtype=jnp.int32) % (N_PAD - N)
    src_p = jnp.concatenate([src, pad]).reshape(NW, NBLOCK, BLKCH, CHUNK)
    dst_p = jnp.concatenate([dst, pad]).reshape(NW, NBLOCK, BLKCH, CHUNK)

    deg_p = _deg_kernel(dst_p).reshape(NC, N_PAD)

    xs = pl.pallas_call(
        _tc0_body,
        grid=(_GRID,),
        in_specs=[_deg_spec(), _row_spec()],
        out_specs=_row_spec(),
        out_shape=jax.ShapeDtypeStruct((N_PAD, D), f32),
    )(deg_p, x)

    msg1 = _msg_kernel(xs, src_p, dst_p).reshape(NC, N_PAD, D)

    h2s = pl.pallas_call(
        _tc1_body,
        grid=(_GRID,),
        in_specs=[
            _deg_spec(), _msg_spec(), _row_spec(),
            _full_spec((D, D_HID)), _full_spec((1, D_HID)), _smem_spec(),
            _full_spec((D_HID, D)),
        ],
        out_specs=_row_spec(),
        out_shape=jax.ShapeDtypeStruct((N_PAD, D), f32),
    )(deg_p, msg1, xs, W1, b1.reshape(1, D_HID), a.reshape(1, 1), W2)

    msg2 = _msg_kernel(h2s, src_p, dst_p).reshape(NC, N_PAD, D)

    out, proj = pl.pallas_call(
        _tc2_body,
        grid=(_GRID,),
        in_specs=[
            _deg_spec(), _msg_spec(), _row_spec(),
            _full_spec((1, D)), _smem_spec(),
            _full_spec((D, D)), _full_spec((1, D)),
            _full_spec((D, D)), _full_spec((1, D)),
        ],
        out_specs=[_row_spec(), _row_spec()],
        out_shape=[
            jax.ShapeDtypeStruct((N, D), f32),
            jax.ShapeDtypeStruct((N, D), f32),
        ],
    )(deg_p, msg2, h2s, b2.reshape(1, D), a.reshape(1, 1), fc1_W,
      fc1_b.reshape(1, D), fc2_W, fc2_b.reshape(1, D))

    return (out, proj)

# --- scband reference (transcript-rebuilt; emitter-appended) ---
"""Pipeline reference for scband-my-model-17884243821103 (READ-ONLY COPY).

The authoritative reference and input builder live on the scoring server;
editing this copy changes nothing except your own understanding.
"""

import jax, jax.numpy as jnp
import numpy as np

N = 10000
E = 320000
D_IN = 128
D_OUT = 128
D_HID = 2 * D_OUT
D_PROJ = 128


def prelu(x, a):
    return jnp.where(x >= 0, x, a * x)


def gcn_conv(x, W, b, edge_index, num_nodes):
    # PyG GCNConv (normalize=True, add_self_loops=True):
    # h = x @ W; add self loops with weight 1; sym-normalize; scatter-add; + bias
    h = x @ W
    src = edge_index[0]
    dst = edge_index[1]
    loop = jnp.arange(num_nodes, dtype=src.dtype)
    src = jnp.concatenate([src, loop])
    dst = jnp.concatenate([dst, loop])
    w = jnp.ones(src.shape[0], dtype=x.dtype)
    deg = jnp.zeros(num_nodes, dtype=x.dtype).at[dst].add(w)
    deg_inv_sqrt = jnp.where(deg > 0, 1.0 / jnp.sqrt(deg), 0.0)
    norm = deg_inv_sqrt[src] * w * deg_inv_sqrt[dst]
    out = jnp.zeros_like(h).at[dst].add(norm[:, None] * h[src])
    return out + b


def setup_inputs(seed: int = 0) -> dict:
    key = jax.random.key(seed)
    ks = jax.random.split(key, 12)
    x = jax.random.normal(ks[0], (N, D_IN), dtype=jnp.float32)
    edge_index = jax.random.randint(ks[1], (2, E), 0, N)
    # learned params (weights stored [in, out] so forward uses x @ W)
    W1 = jax.random.normal(ks[2], (D_IN, D_HID), dtype=jnp.float32) / np.sqrt(D_IN)
    b1 = jnp.zeros((D_HID,), dtype=jnp.float32)
    W2 = jax.random.normal(ks[3], (D_HID, D_OUT), dtype=jnp.float32) / np.sqrt(D_HID)
    b2 = jnp.zeros((D_OUT,), dtype=jnp.float32)
    a = jnp.asarray(0.25, dtype=jnp.float32)  # shared PReLU parameter (num_parameters=1)
    fc1_W = jax.random.normal(ks[4], (D_OUT, D_PROJ), dtype=jnp.float32) / np.sqrt(D_OUT)
    fc1_b = jax.random.normal(ks[5], (D_PROJ,), dtype=jnp.float32) * 0.01
    fc2_W = jax.random.normal(ks[6], (D_PROJ, D_OUT), dtype=jnp.float32) / np.sqrt(D_PROJ)
    fc2_b = jax.random.normal(ks[7], (D_OUT,), dtype=jnp.float32) * 0.01
    return {"x": x, "edge_index": edge_index, "W1": W1, "b1": b1, "W2": W2, "b2": b2,
            "a": a, "fc1_W": fc1_W, "fc1_b": fc1_b, "fc2_W": fc2_W, "fc2_b": fc2_b}


def reference(x, edge_index, W1, b1, W2, b2, a, fc1_W, fc1_b, fc2_W, fc2_b):
    h = prelu(gcn_conv(x, W1, b1, edge_index, N), a)
    out = prelu(gcn_conv(h, W2, b2, edge_index, N), a)
    proj = jax.nn.relu(out @ fc1_W + fc1_b)
    proj = proj @ fc2_W + fc2_b
    return (out, proj)

if __name__ == "__main__":
    import jax
    _d = setup_inputs()
    print(jax.jit(kernel)(*tuple(_d.values())))

</pallas_src>

<mosaic_0001>
#map = affine_map<(d0, d1) -> (0, 0, 0, 0)>
#map1 = affine_map<(d0, d1) -> (0)>
module attributes {stable_mosaic.version = 14 : i64} {
  func.func @_deg_kernel(%arg0: i32, %arg1: i32, %arg2: memref<32x2x40x128xi32, #tpu.memory_space<hbm>>, %arg3: memref<20480xf32, #tpu.memory_space<hbm>>, %arg4: memref<40x128xi32, #tpu.memory_space<vmem>>, %arg5: memref<128xf32, #tpu.memory_space<vmem>>, %arg6: memref<640xf32, #tpu.memory_space<vmem>>, %arg7: memref<!tpu.dma_semaphore, #tpu.memory_space<semaphore_mem>>, %arg8: memref<10240xf32, #tpu.memory_space<vmem_shared>>) attributes {dimension_semantics = [#tpu.dimension_semantics<core_parallel>, #tpu.dimension_semantics<subcore_parallel>], iteration_bounds = array<i64: 2, 16>, scalar_prefetch = 0 : i64, scratch_operands = 5 : i64, tpu.core_type = #tpu.core_type<sc_vector_subcore>, window_params = [{transform_indices = #map}, {transform_indices = #map1}]} {
    %mul3A = arith.constant 16 : i32
    %mul3A_0 = arith.muli %arg0, %mul3A : i32
    %add3A = arith.addi %mul3A_0, %arg1 : i32
    %broadcast_in_dim3A = arith.constant 1.000000e+00 : f32
    %broadcast_in_dim3A_1 = vector.broadcast %broadcast_in_dim3A : f32 to vector<16xf32>
    %broadcast_in_dim3A_2 = arith.constant 0.000000e+00 : f32
    %broadcast_in_dim3A_3 = vector.broadcast %broadcast_in_dim3A_2 : f32 to vector<16xf32>
    %swap3A = arith.constant 0 : index
    %swap3A_4 = tpu.vector_load %arg5[%swap3A] {strides = array<i32>} : memref<128xf32, #tpu.memory_space<vmem>>, vector<16xf32>,
    %swap3A_5 = vector.shape_cast %swap3A_4 : vector<16xf32> to vector<16xf32>
    %swap3A_6 = vector.shape_cast %broadcast_in_dim3A_1 : vector<16xf32> to vector<16xf32>
    tpu.vector_store %arg5[%swap3A], %swap3A_6 {strides = array<i32>} : memref<128xf32, #tpu.memory_space<vmem>>, vector<16xf32>,
    %swap3A_7 = arith.constant 16 : index
    %swap3A_8 = tpu.vector_load %arg5[%swap3A_7] {strides = array<i32>} : memref<128xf32, #tpu.memory_space<vmem>>, vector<16xf32>,
    %swap3A_9 = vector.shape_cast %swap3A_8 : vector<16xf32> to vector<16xf32>
    %swap3A_10 = vector.shape_cast %broadcast_in_dim3A_1 : vector<16xf32> to vector<16xf32>
    tpu.vector_store %arg5[%swap3A_7], %swap3A_10 {strides = array<i32>} : memref<128xf32, #tpu.memory_space<vmem>>, vector<16xf32>,
    %swap3A_11 = arith.constant 32 : index
    %swap3A_12 = tpu.vector_load %arg5[%swap3A_11] {strides = array<i32>} : memref<128xf32, #tpu.memory_space<vmem>>, vector<16xf32>,
    %swap3A_13 = vector.shape_cast %swap3A_12 : vector<16xf32> to vector<16xf32>
    %swap3A_14 = vector.shape_cast %broadcast_in_dim3A_1 : vector<16xf32> to vector<16xf32>
    tpu.vector_store %arg5[%swap3A_11], %swap3A_14 {strides = array<i32>} : memref<128xf32, #tpu.memory_space<vmem>>, vector<16xf32>,
    %swap3A_15 = arith.constant 48 : index
    %swap3A_16 = tpu.vector_load %arg5[%swap3A_15] {strides = array<i32>} : memref<128xf32, #tpu.memory_space<vmem>>, vector<16xf32>,
    %swap3A_17 = vector.shape_cast %swap3A_16 : vector<16xf32> to vector<16xf32>
    %swap3A_18 = vector.shape_cast %broadcast_in_dim3A_1 : vector<16xf32> to vector<16xf32>
    tpu.vector_store %arg5[%swap3A_15], %swap3A_18 {strides = array<i32>} : memref<128xf32, #tpu.memory_space<vmem>>, vector<16xf32>,
    %swap3A_19 = arith.constant 64 : index
    %swap3A_20 = tpu.vector_load %arg5[%swap3A_19] {strides = array<i32>} : memref<128xf32, #tpu.memory_space<vmem>>, vector<16xf32>,
    %swap3A_21 = vector.shape_cast %swap3A_20 : vector<16xf32> to vector<16xf32>
    %swap3A_22 = vector.shape_cast %broadcast_in_dim3A_1 : vector<16xf32> to vector<16xf32>
    tpu.vector_store %arg5[%swap3A_19], %swap3A_22 {strides = array<i32>} : memref<128xf32, #tpu.memory_space<vmem>>, vector<16xf32>,
    %swap3A_23 = arith.constant 80 : index
    %swap3A_24 = tpu.vector_load %arg5[%swap3A_23] {strides = array<i32>} : memref<128xf32, #tpu.memory_space<vmem>>, vector<16xf32>,
    %swap3A_25 = vector.shape_cast %swap3A_24 : vector<16xf32> to vector<16xf32>
    %swap3A_26 = vector.shape_cast %broadcast_in_dim3A_1 : vector<16xf32> to vector<16xf32>
    tpu.vector_store %arg5[%swap3A_23], %swap3A_26 {strides = array<i32>} : memref<128xf32, #tpu.memory_space<vmem>>, vector<16xf32>,
    %swap3A_27 = arith.constant 96 : index
    %swap3A_28 = tpu.vector_load %arg5[%swap3A_27] {strides = array<i32>} : memref<128xf32, #tpu.memory_space<vmem>>, vector<16xf32>,
    %swap3A_29 = vector.shape_cast %swap3A_28 : vector<16xf32> to vector<16xf32>
    %swap3A_30 = vector.shape_cast %broadcast_in_dim3A_1 : vector<16xf32> to vector<16xf32>
    tpu.vector_store %arg5[%swap3A_27], %swap3A_30 {strides = array<i32>} : memref<128xf32, #tpu.memory_space<vmem>>, vector<16xf32>,
    %swap3A_31 = arith.constant 112 : index
    %swap3A_32 = tpu.vector_load %arg5[%swap3A_31] {strides = array<i32>} : memref<128xf32, #tpu.memory_space<vmem>>, vector<16xf32>,
    %swap3A_33 = vector.shape_cast %swap3A_32 : vector<16xf32> to vector<16xf32>
    %swap3A_34 = vector.shape_cast %broadcast_in_dim3A_1 : vector<16xf32> to vector<16xf32>
    tpu.vector_store %arg5[%swap3A_31], %swap3A_34 {strides = array<i32>} : memref<128xf32, #tpu.memory_space<vmem>>, vector<16xf32>,
    %scan3A = arith.constant 0 : i32
    %scan3A_35 = arith.constant 0 : i32
    %scan3A_36 = arith.constant 40 : i32
    %scan3A_37 = arith.addi %scan3A_35, %scan3A_36 : i32
    %scan3A_38 = arith.constant 1 : i32
    %scan3A_39 = scf.for %scan3A_78 = %scan3A_35 to %scan3A_37 step %scan3A_38 iter_args(%scan3A_79 = %scan3A) -> (i32)  : i32 {
      %mul3A_80 = arith.constant 16 : i32
      %mul3A_81 = arith.muli %scan3A_78, %mul3A_80 : i32
      %swap3A_82 = arith.index_cast %mul3A_81 : i32 to index
      %swap3A_83 = tpu.vector_load %arg6[%swap3A_82] {strides = array<i32>} : memref<640xf32, #tpu.memory_space<vmem>>, vector<16xf32>,
      %swap3A_84 = vector.shape_cast %swap3A_83 : vector<16xf32> to vector<16xf32>
      %swap3A_85 = vector.shape_cast %broadcast_in_dim3A_3 : vector<16xf32> to vector<16xf32>
      tpu.vector_store %arg6[%swap3A_82], %swap3A_85 {strides = array<i32>} : memref<640xf32, #tpu.memory_space<vmem>>, vector<16xf32>,
      %scan3A_86 = arith.constant 0 : i32
      scf.yield %scan3A_86 : i32
    }
    %scan3A_40 = arith.constant 40 : i32
    %mul3A_41 = arith.constant 640 : i32
    %mul3A_42 = arith.muli %arg1, %mul3A_41 : i32
    "tpu.region"() ({
      %run_scoped3A_78 = tpu.sem_alloc : memref<!tpu.dma_semaphore, #tpu.memory_space<semaphore_mem>>
      %dma_start3A = tpu.memref_slice %arg8[%mul3A_42] : memref<10240xf32, #tpu.memory_space<vmem_shared>> -> memref<640xf32, #tpu.memory_space<vmem_shared>>
      %dma_start3A_79 = tpu.memref_slice %arg8[%mul3A_42] : memref<10240xf32, #tpu.memory_space<vmem_shared>> -> memref<640xf32, #tpu.memory_space<vmem_shared>>
      tpu.enqueue_dma source(%arg6 : memref<640xf32, #tpu.memory_space<vmem>>) target(%dma_start3A_79 : memref<640xf32, #tpu.memory_space<vmem_shared>>) target_semaphore(%run_scoped3A_78 : memref<!tpu.dma_semaphore, #tpu.memory_space<semaphore_mem>>)
      %dma_wait3A = tpu.memref_slice %arg8[%mul3A_42] : memref<10240xf32, #tpu.memory_space<vmem_shared>> -> memref<640xf32, #tpu.memory_space<vmem_shared>>
      %dma_wait3A_80 = tpu.memref_slice %arg8[%mul3A_42] : memref<10240xf32, #tpu.memory_space<vmem_shared>> -> memref<640xf32, #tpu.memory_space<vmem_shared>>
      tpu.wait_dma2 semaphore(%run_scoped3A_78 : memref<!tpu.dma_semaphore, #tpu.memory_space<semaphore_mem>>) src(%arg6 : memref<640xf32, #tpu.memory_space<vmem>>) dst(%dma_wait3A_80 : memref<640xf32, #tpu.memory_space<vmem_shared>>)
      tpu.yield
    }) : () -> ()
    %barrier3A = arith.constant 0 : index
    tpu.barrier barrier_id(%barrier3A)
    %run_scoped3A = arith.constant 0 : i32
    "tpu.region"() ({
      %run_scoped3A_78 = tpu.sem_alloc : memref<!tpu.dma_semaphore, #tpu.memory_space<semaphore_mem>>
      %dma_start3A = arith.constant 0 : i32
      %dma_start3A_79 = arith.constant 0 : i32
      %dma_start3A_80 = tpu.memref_slice %arg2[%add3A, %run_scoped3A, %dma_start3A, %dma_start3A_79] : memref<32x2x40x128xi32, #tpu.memory_space<hbm>> -> memref<1x1x40x128xi32, #tpu.memory_space<hbm>>
      %dma_start3A_81 = tpu.memref_squeeze %dma_start3A_80 : memref<1x1x40x128xi32, #tpu.memory_space<hbm>> -> memref<40x128xi32, #tpu.memory_space<hbm>>
      %dma_start3A_82 = arith.constant 0 : i32
      %dma_start3A_83 = arith.constant 0 : i32
      %dma_start3A_84 = tpu.memref_slice %arg2[%add3A, %run_scoped3A, %dma_start3A_82, %dma_start3A_83] : memref<32x2x40x128xi32, #tpu.memory_space<hbm>> -> memref<1x1x40x128xi32, #tpu.memory_space<hbm>>
      %dma_start3A_85 = tpu.memref_squeeze %dma_start3A_84 : memref<1x1x40x128xi32, #tpu.memory_space<hbm>> -> memref<40x128xi32, #tpu.memory_space<hbm>>
      tpu.enqueue_dma source(%dma_start3A_85 : memref<40x128xi32, #tpu.memory_space<hbm>>) target(%arg4 : memref<40x128xi32, #tpu.memory_space<vmem>>) target_semaphore(%run_scoped3A_78 : memref<!tpu.dma_semaphore, #tpu.memory_space<semaphore_mem>>)
      %dma_wait3A = arith.constant 0 : i32
      %dma_wait3A_86 = arith.constant 0 : i32
      %dma_wait3A_87 = tpu.memref_slice %arg2[%add3A, %run_scoped3A, %dma_wait3A, %dma_wait3A_86] : memref<32x2x40x128xi32, #tpu.memory_space<hbm>> -> memref<1x1x40x128xi32, #tpu.memory_space<hbm>>
      %dma_wait3A_88 = tpu.memref_squeeze %dma_wait3A_87 : memref<1x1x40x128xi32, #tpu.memory_space<hbm>> -> memref<40x128xi32, #tpu.memory_space<hbm>>
      %dma_wait3A_89 = arith.constant 0 : i32
      %dma_wait3A_90 = arith.constant 0 : i32
      %dma_wait3A_91 = tpu.memref_slice %arg2[%add3A, %run_scoped3A, %dma_wait3A_89, %dma_wait3A_90] : memref<32x2x40x128xi32, #tpu.memory_space<hbm>> -> memref<1x1x40x128xi32, #tpu.memory_space<hbm>>
      %dma_wait3A_92 = tpu.memref_squeeze %dma_wait3A_91 : memref<1x1x40x128xi32, #tpu.memory_space<hbm>> -> memref<40x128xi32, #tpu.memory_space<hbm>>
      tpu.wait_dma2 semaphore(%run_scoped3A_78 : memref<!tpu.dma_semaphore, #tpu.memory_space<semaphore_mem>>) src(%dma_wait3A_92 : memref<40x128xi32, #tpu.memory_space<hbm>>) dst(%arg4 : memref<40x128xi32, #tpu.memory_space<vmem>>)
      tpu.yield
    }) : () -> ()
    %scan3A_43 = arith.constant 0 : i32
    %scan3A_44 = arith.constant 0 : i32
    %scan3A_45 = arith.constant 40 : i32
    %scan3A_46 = arith.addi %scan3A_44, %scan3A_45 : i32
    %scan3A_47 = arith.constant 1 : i32
    %scan3A_48 = scf.for %scan3A_78 = %scan3A_44 to %scan3A_46 step %scan3A_47 iter_args(%scan3A_79 = %scan3A_43) -> (i32)  : i32 {
      %dma_start3A = arith.constant 0 : i32
      %dma_start3A_80 = tpu.memref_slice %arg4[%scan3A_78, %dma_start3A] : memref<40x128xi32, #tpu.memory_space<vmem>> -> memref<1x128xi32, #tpu.memory_space<vmem>>
      %dma_start3A_81 = tpu.memref_squeeze %dma_start3A_80 : memref<1x128xi32, #tpu.memory_space<vmem>> -> memref<128xi32, #tpu.memory_space<vmem>>
      %dma_start3A_82 = arith.constant 0 : i32
      %dma_start3A_83 = tpu.memref_slice %arg8[%dma_start3A_82] : memref<10240xf32, #tpu.memory_space<vmem_shared>> -> memref<10240xf32, #tpu.memory_space<vmem_shared>>
      tpu.enqueue_indirect_dma source(%arg5 : memref<128xf32, #tpu.memory_space<vmem>>) target(%dma_start3A_83 : memref<10240xf32, #tpu.memory_space<vmem_shared>>) offsets(%dma_start3A_81 : memref<128xi32, #tpu.memory_space<vmem>>) semaphore(%arg7 : memref<!tpu.dma_semaphore, #tpu.memory_space<semaphore_mem>>) {add = true}
      %scan3A_84 = arith.constant 0 : i32
      scf.yield %scan3A_84 : i32
    }
    %scan3A_49 = arith.constant 40 : i32
    %scan3A_50 = arith.constant 0 : i32
    %scan3A_51 = arith.constant 0 : i32
    %scan3A_52 = arith.constant 40 : i32
    %scan3A_53 = arith.addi %scan3A_51, %scan3A_52 : i32
    %scan3A_54 = arith.constant 1 : i32
    %scan3A_55 = scf.for %scan3A_78 = %scan3A_51 to %scan3A_53 step %scan3A_54 iter_args(%scan3A_79 = %scan3A_50) -> (i32)  : i32 {
      %dma_wait3A = arith.constant 0 : i32
      %dma_wait3A_80 = arith.constant 0 : i32
      %dma_wait3A_81 = tpu.memref_slice %arg4[%dma_wait3A, %dma_wait3A_80] : memref<40x128xi32, #tpu.memory_space<vmem>> -> memref<1x128xi32, #tpu.memory_space<vmem>>
      %dma_wait3A_82 = tpu.memref_squeeze %dma_wait3A_81 : memref<1x128xi32, #tpu.memory_space<vmem>> -> memref<128xi32, #tpu.memory_space<vmem>>
      %dma_wait3A_83 = arith.constant 0 : i32
      %dma_wait3A_84 = tpu.memref_slice %arg8[%dma_wait3A_83] : memref<10240xf32, #tpu.memory_space<vmem_shared>> -> memref<10240xf32, #tpu.memory_space<vmem_shared>>
      tpu.wait_indirect_dma semaphore(%arg7 : memref<!tpu.dma_semaphore, #tpu.memory_space<semaphore_mem>>) src(%arg5 : memref<128xf32, #tpu.memory_space<vmem>>) dst(%dma_wait3A_84 : memref<10240xf32, #tpu.memory_space<vmem_shared>>)
      %scan3A_85 = arith.constant 0 : i32
      scf.yield %scan3A_85 : i32
    }
    %scan3A_56 = arith.constant 40 : i32
    %run_scoped3A_57 = arith.constant 1 : i32
    "tpu.region"() ({
      %run_scoped3A_78 = tpu.sem_alloc : memref<!tpu.dma_semaphore, #tpu.memory_space<semaphore_mem>>
      %dma_start3A = arith.constant 0 : i32
      %dma_start3A_79 = arith.constant 0 : i32
      %dma_start3A_80 = tpu.memref_slice %arg2[%add3A, %run_scoped3A_57, %dma_start3A, %dma_start3A_79] : memref<32x2x40x128xi32, #tpu.memory_space<hbm>> -> memref<1x1x40x128xi32, #tpu.memory_space<hbm>>
      %dma_start3A_81 = tpu.memref_squeeze %dma_start3A_80 : memref<1x1x40x128xi32, #tpu.memory_space<hbm>> -> memref<40x128xi32, #tpu.memory_space<hbm>>
      %dma_start3A_82 = arith.constant 0 : i32
      %dma_start3A_83 = arith.constant 0 : i32
      %dma_start3A_84 = tpu.memref_slice %arg2[%add3A, %run_scoped3A_57, %dma_start3A_82, %dma_start3A_83] : memref<32x2x40x128xi32, #tpu.memory_space<hbm>> -> memref<1x1x40x128xi32, #tpu.memory_space<hbm>>
      %dma_start3A_85 = tpu.memref_squeeze %dma_start3A_84 : memref<1x1x40x128xi32, #tpu.memory_space<hbm>> -> memref<40x128xi32, #tpu.memory_space<hbm>>
      tpu.enqueue_dma source(%dma_start3A_85 : memref<40x128xi32, #tpu.memory_space<hbm>>) target(%arg4 : memref<40x128xi32, #tpu.memory_space<vmem>>) target_semaphore(%run_scoped3A_78 : memref<!tpu.dma_semaphore, #tpu.memory_space<semaphore_mem>>)
      %dma_wait3A = arith.constant 0 : i32
      %dma_wait3A_86 = arith.constant 0 : i32
      %dma_wait3A_87 = tpu.memref_slice %arg2[%add3A, %run_scoped3A_57, %dma_wait3A, %dma_wait3A_86] : memref<32x2x40x128xi32, #tpu.memory_space<hbm>> -> memref<1x1x40x128xi32, #tpu.memory_space<hbm>>
      %dma_wait3A_88 = tpu.memref_squeeze %dma_wait3A_87 : memref<1x1x40x128xi32, #tpu.memory_space<hbm>> -> memref<40x128xi32, #tpu.memory_space<hbm>>
      %dma_wait3A_89 = arith.constant 0 : i32
      %dma_wait3A_90 = arith.constant 0 : i32
      %dma_wait3A_91 = tpu.memref_slice %arg2[%add3A, %run_scoped3A_57, %dma_wait3A_89, %dma_wait3A_90] : memref<32x2x40x128xi32, #tpu.memory_space<hbm>> -> memref<1x1x40x128xi32, #tpu.memory_space<hbm>>
      %dma_wait3A_92 = tpu.memref_squeeze %dma_wait3A_91 : memref<1x1x40x128xi32, #tpu.memory_space<hbm>> -> memref<40x128xi32, #tpu.memory_space<hbm>>
      tpu.wait_dma2 semaphore(%run_scoped3A_78 : memref<!tpu.dma_semaphore, #tpu.memory_space<semaphore_mem>>) src(%dma_wait3A_92 : memref<40x128xi32, #tpu.memory_space<hbm>>) dst(%arg4 : memref<40x128xi32, #tpu.memory_space<vmem>>)
      tpu.yield
    }) : () -> ()
    %scan3A_58 = arith.constant 0 : i32
    %scan3A_59 = arith.constant 0 : i32
    %scan3A_60 = arith.constant 40 : i32
    %scan3A_61 = arith.addi %scan3A_59, %scan3A_60 : i32
    %scan3A_62 = arith.constant 1 : i32
    %scan3A_63 = scf.for %scan3A_78 = %scan3A_59 to %scan3A_61 step %scan3A_62 iter_args(%scan3A_79 = %scan3A_58) -> (i32)  : i32 {
      %dma_start3A = arith.constant 0 : i32
      %dma_start3A_80 = tpu.memref_slice %arg4[%scan3A_78, %dma_start3A] : memref<40x128xi32, #tpu.memory_space<vmem>> -> memref<1x128xi32, #tpu.memory_space<vmem>>
      %dma_start3A_81 = tpu.memref_squeeze %dma_start3A_80 : memref<1x128xi32, #tpu.memory_space<vmem>> -> memref<128xi32, #tpu.memory_space<vmem>>
      %dma_start3A_82 = arith.constant 0 : i32
      %dma_start3A_83 = tpu.memref_slice %arg8[%dma_start3A_82] : memref<10240xf32, #tpu.memory_space<vmem_shared>> -> memref<10240xf32, #tpu.memory_space<vmem_shared>>
      tpu.enqueue_indirect_dma source(%arg5 : memref<128xf32, #tpu.memory_space<vmem>>) target(%dma_start3A_83 : memref<10240xf32, #tpu.memory_space<vmem_shared>>) offsets(%dma_start3A_81 : memref<128xi32, #tpu.memory_space<vmem>>) semaphore(%arg7 : memref<!tpu.dma_semaphore, #tpu.memory_space<semaphore_mem>>) {add = true}
      %scan3A_84 = arith.constant 0 : i32
      scf.yield %scan3A_84 : i32
    }
    %scan3A_64 = arith.constant 40 : i32
    %scan3A_65 = arith.constant 0 : i32
    %scan3A_66 = arith.constant 0 : i32
    %scan3A_67 = arith.constant 40 : i32
    %scan3A_68 = arith.addi %scan3A_66, %scan3A_67 : i32
    %scan3A_69 = arith.constant 1 : i32
    %scan3A_70 = scf.for %scan3A_78 = %scan3A_66 to %scan3A_68 step %scan3A_69 iter_args(%scan3A_79 = %scan3A_65) -> (i32)  : i32 {
      %dma_wait3A = arith.constant 0 : i32
      %dma_wait3A_80 = arith.constant 0 : i32
      %dma_wait3A_81 = tpu.memref_slice %arg4[%dma_wait3A, %dma_wait3A_80] : memref<40x128xi32, #tpu.memory_space<vmem>> -> memref<1x128xi32, #tpu.memory_space<vmem>>
      %dma_wait3A_82 = tpu.memref_squeeze %dma_wait3A_81 : memref<1x128xi32, #tpu.memory_space<vmem>> -> memref<128xi32, #tpu.memory_space<vmem>>
      %dma_wait3A_83 = arith.constant 0 : i32
      %dma_wait3A_84 = tpu.memref_slice %arg8[%dma_wait3A_83] : memref<10240xf32, #tpu.memory_space<vmem_shared>> -> memref<10240xf32, #tpu.memory_space<vmem_shared>>
      tpu.wait_indirect_dma semaphore(%arg7 : memref<!tpu.dma_semaphore, #tpu.memory_space<semaphore_mem>>) src(%arg5 : memref<128xf32, #tpu.memory_space<vmem>>) dst(%dma_wait3A_84 : memref<10240xf32, #tpu.memory_space<vmem_shared>>)
      %scan3A_85 = arith.constant 0 : i32
      scf.yield %scan3A_85 : i32
    }
    %scan3A_71 = arith.constant 40 : i32
    %barrier3A_72 = arith.constant 0 : index
    tpu.barrier barrier_id(%barrier3A_72)
    %mul3A_73 = arith.constant 640 : i32
    %mul3A_74 = arith.muli %arg1, %mul3A_73 : i32
    %mul3A_75 = arith.constant 10240 : i32
    %mul3A_76 = arith.muli %arg0, %mul3A_75 : i32
    %add3A_77 = arith.addi %mul3A_76, %mul3A_74 : i32
    "tpu.region"() ({
      %run_scoped3A_78 = tpu.sem_alloc : memref<!tpu.dma_semaphore, #tpu.memory_space<semaphore_mem>>
      %dma_start3A = tpu.memref_slice %arg3[%add3A_77] : memref<20480xf32, #tpu.memory_space<hbm>> -> memref<640xf32, #tpu.memory_space<hbm>>
      %dma_start3A_79 = tpu.memref_slice %arg8[%mul3A_74] : memref<10240xf32, #tpu.memory_space<vmem_shared>> -> memref<640xf32, #tpu.memory_space<vmem_shared>>
      tpu.enqueue_dma source(%dma_start3A_79 : memref<640xf32, #tpu.memory_space<vmem_shared>>) target(%dma_start3A : memref<640xf32, #tpu.memory_space<hbm>>) target_semaphore(%run_scoped3A_78 : memref<!tpu.dma_semaphore, #tpu.memory_space<semaphore_mem>>)
      %dma_wait3A = tpu.memref_slice %arg3[%add3A_77] : memref<20480xf32, #tpu.memory_space<hbm>> -> memref<640xf32, #tpu.memory_space<hbm>>
      %dma_wait3A_80 = tpu.memref_slice %arg8[%mul3A_74] : memref<10240xf32, #tpu.memory_space<vmem_shared>> -> memref<640xf32, #tpu.memory_space<vmem_shared>>
      tpu.wait_dma2 semaphore(%run_scoped3A_78 : memref<!tpu.dma_semaphore, #tpu.memory_space<semaphore_mem>>) src(%dma_wait3A_80 : memref<640xf32, #tpu.memory_space<vmem_shared>>) dst(%dma_wait3A : memref<640xf32, #tpu.memory_space<hbm>>)
      tpu.yield
    }) : () -> ()
    return
  }
}

#map = affine_map<(d0, d1) -> (0, 0)>
#map1 = affine_map<(d0, d1) -> (0, 0, 0, 0)>
module attributes {stable_mosaic.version = 14 : i64} {
  func.func @_msg_kernel(%arg0: i32, %arg1: i32, %arg2: memref<10240x128xf32, #tpu.memory_space<hbm>>, %arg3: memref<32x2x40x128xi32, #tpu.memory_space<hbm>>, %arg4: memref<32x2x40x128xi32, #tpu.memory_space<hbm>>, %arg5: memref<20480x128xf32, #tpu.memory_space<hbm>>, %arg6: memref<40x128xi32, #tpu.memory_space<vmem>>, %arg7: memref<40x128xi32, #tpu.memory_space<vmem>>, %arg8: memref<128x128xf32, #tpu.memory_space<vmem>>, %arg9: memref<128x128xf32, #tpu.memory_space<vmem>>, %arg10: memref<!tpu.dma_semaphore, #tpu.memory_space<semaphore_mem>>, %arg11: memref<!tpu.dma_semaphore, #tpu.memory_space<semaphore_mem>>, %arg12: memref<10240x128xf32, #tpu.memory_space<vmem_shared>>) attributes {dimension_semantics = [#tpu.dimension_semantics<core_parallel>, #tpu.dimension_semantics<subcore_parallel>], iteration_bounds = array<i64: 2, 16>, scalar_prefetch = 0 : i64, scratch_operands = 7 : i64, tpu.core_type = #tpu.core_type<sc_vector_subcore>, window_params = [{transform_indices = #map}, {transform_indices = #map1}, {transform_indices = #map1}, {transform_indices = #map}]} {
    %mul3A = arith.constant 16 : i32
    %mul3A_0 = arith.muli %arg0, %mul3A : i32
    %add3A = arith.addi %mul3A_0, %arg1 : i32
    %broadcast_in_dim3A = arith.constant 0.000000e+00 : f32
    %broadcast_in_dim3A_1 = vector.broadcast %broadcast_in_dim3A : f32 to vector<16xf32>
    %scan3A = arith.constant 0 : i32
    %scan3A_2 = arith.constant 0 : i32
    %scan3A_3 = arith.constant 128 : i32
    %scan3A_4 = arith.addi %scan3A_2, %scan3A_3 : i32
    %scan3A_5 = arith.constant 1 : i32
    %scan3A_6 = scf.for %scan3A_67 = %scan3A_2 to %scan3A_4 step %scan3A_5 iter_args(%scan3A_68 = %scan3A) -> (i32)  : i32 {
      %swap3A = arith.index_cast %scan3A_67 : i32 to index
      %swap3A_69 = arith.constant 0 : index
      %swap3A_70 = tpu.vector_load %arg8[%swap3A, %swap3A_69] {strides = array<i32>} : memref<128x128xf32, #tpu.memory_space<vmem>>, vector<1x16xf32>,
      %swap3A_71 = vector.shape_cast %swap3A_70 : vector<1x16xf32> to vector<16xf32>
      %swap3A_72 = vector.shape_cast %broadcast_in_dim3A_1 : vector<16xf32> to vector<1x16xf32>
      tpu.vector_store %arg8[%swap3A, %swap3A_69], %swap3A_72 {strides = array<i32>} : memref<128x128xf32, #tpu.memory_space<vmem>>, vector<1x16xf32>,
      %swap3A_73 = arith.index_cast %scan3A_67 : i32 to index
      %swap3A_74 = arith.constant 16 : index
      %swap3A_75 = tpu.vector_load %arg8[%swap3A_73, %swap3A_74] {strides = array<i32>} : memref<128x128xf32, #tpu.memory_space<vmem>>, vector<1x16xf32>,
      %swap3A_76 = vector.shape_cast %swap3A_75 : vector<1x16xf32> to vector<16xf32>
      %swap3A_77 = vector.shape_cast %broadcast_in_dim3A_1 : vector<16xf32> to vector<1x16xf32>
      tpu.vector_store %arg8[%swap3A_73, %swap3A_74], %swap3A_77 {strides = array<i32>} : memref<128x128xf32, #tpu.memory_space<vmem>>, vector<1x16xf32>,
      %swap3A_78 = arith.index_cast %scan3A_67 : i32 to index
      %swap3A_79 = arith.constant 32 : index
      %swap3A_80 = tpu.vector_load %arg8[%swap3A_78, %swap3A_79] {strides = array<i32>} : memref<128x128xf32, #tpu.memory_space<vmem>>, vector<1x16xf32>,
      %swap3A_81 = vector.shape_cast %swap3A_80 : vector<1x16xf32> to vector<16xf32>
      %swap3A_82 = vector.shape_cast %broadcast_in_dim3A_1 : vector<16xf32> to vector<1x16xf32>
      tpu.vector_store %arg8[%swap3A_78, %swap3A_79], %swap3A_82 {strides = array<i32>} : memref<128x128xf32, #tpu.memory_space<vmem>>, vector<1x16xf32>,
      %swap3A_83 = arith.index_cast %scan3A_67 : i32 to index
      %swap3A_84 = arith.constant 48 : index
      %swap3A_85 = tpu.vector_load %arg8[%swap3A_83, %swap3A_84] {strides = array<i32>} : memref<128x128xf32, #tpu.memory_space<vmem>>, vector<1x16xf32>,
      %swap3A_86 = vector.shape_cast %swap3A_85 : vector<1x16xf32> to vector<16xf32>
      %swap3A_87 = vector.shape_cast %broadcast_in_dim3A_1 : vector<16xf32> to vector<1x16xf32>
      tpu.vector_store %arg8[%swap3A_83, %swap3A_84], %swap3A_87 {strides = array<i32>} : memref<128x128xf32, #tpu.memory_space<vmem>>, vector<1x16xf32>,
      %swap3A_88 = arith.index_cast %scan3A_67 : i32 to index
      %swap3A_89 = arith.constant 64 : index
      %swap3A_90 = tpu.vector_load %arg8[%swap3A_88, %swap3A_89] {strides = array<i32>} : memref<128x128xf32, #tpu.memory_space<vmem>>, vector<1x16xf32>,
      %swap3A_91 = vector.shape_cast %swap3A_90 : vector<1x16xf32> to vector<16xf32>
      %swap3A_92 = vector.shape_cast %broadcast_in_dim3A_1 : vector<16xf32> to vector<1x16xf32>
      tpu.vector_store %arg8[%swap3A_88, %swap3A_89], %swap3A_92 {strides = array<i32>} : memref<128x128xf32, #tpu.memory_space<vmem>>, vector<1x16xf32>,
      %swap3A_93 = arith.index_cast %scan3A_67 : i32 to index
      %swap3A_94 = arith.constant 80 : index
      %swap3A_95 = tpu.vector_load %arg8[%swap3A_93, %swap3A_94] {strides = array<i32>} : memref<128x128xf32, #tpu.memory_space<vmem>>, vector<1x16xf32>,
      %swap3A_96 = vector.shape_cast %swap3A_95 : vector<1x16xf32> to vector<16xf32>
      %swap3A_97 = vector.shape_cast %broadcast_in_dim3A_1 : vector<16xf32> to vector<1x16xf32>
      tpu.vector_store %arg8[%swap3A_93, %swap3A_94], %swap3A_97 {strides = array<i32>} : memref<128x128xf32, #tpu.memory_space<vmem>>, vector<1x16xf32>,
      %swap3A_98 = arith.index_cast %scan3A_67 : i32 to index
      %swap3A_99 = arith.constant 96 : index
      %swap3A_100 = tpu.vector_load %arg8[%swap3A_98, %swap3A_99] {strides = array<i32>} : memref<128x128xf32, #tpu.memory_space<vmem>>, vector<1x16xf32>,
      %swap3A_101 = vector.shape_cast %swap3A_100 : vector<1x16xf32> to vector<16xf32>
      %swap3A_102 = vector.shape_cast %broadcast_in_dim3A_1 : vector<16xf32> to vector<1x16xf32>
      tpu.vector_store %arg8[%swap3A_98, %swap3A_99], %swap3A_102 {strides = array<i32>} : memref<128x128xf32, #tpu.memory_space<vmem>>, vector<1x16xf32>,
      %swap3A_103 = arith.index_cast %scan3A_67 : i32 to index
      %swap3A_104 = arith.constant 112 : index
      %swap3A_105 = tpu.vector_load %arg8[%swap3A_103, %swap3A_104] {strides = array<i32>} : memref<128x128xf32, #tpu.memory_space<vmem>>, vector<1x16xf32>,
      %swap3A_106 = vector.shape_cast %swap3A_105 : vector<1x16xf32> to vector<16xf32>
      %swap3A_107 = vector.shape_cast %broadcast_in_dim3A_1 : vector<16xf32> to vector<1x16xf32>
      tpu.vector_store %arg8[%swap3A_103, %swap3A_104], %swap3A_107 {strides = array<i32>} : memref<128x128xf32, #tpu.memory_space<vmem>>, vector<1x16xf32>,
      %scan3A_108 = arith.constant 0 : i32
      scf.yield %scan3A_108 : i32
    }
    %scan3A_7 = arith.constant 128 : i32
    %mul3A_8 = arith.constant 640 : i32
    %mul3A_9 = arith.muli %arg1, %mul3A_8 : i32
    %add3A_10 = arith.constant 0 : i32
    %add3A_11 = arith.addi %mul3A_9, %add3A_10 : i32
    "tpu.region"() ({
      %run_scoped3A_67 = tpu.sem_alloc : memref<!tpu.dma_semaphore, #tpu.memory_space<semaphore_mem>>
      %dma_start3A_68 = arith.constant 0 : i32
      %dma_start3A_69 = tpu.memref_slice %arg12[%add3A_11, %dma_start3A_68] : memref<10240x128xf32, #tpu.memory_space<vmem_shared>> -> memref<128x128xf32, #tpu.memory_space<vmem_shared>>
      %dma_start3A_70 = arith.constant 0 : i32
      %dma_start3A_71 = tpu.memref_slice %arg12[%add3A_11, %dma_start3A_70] : memref<10240x128xf32, #tpu.memory_space<vmem_shared>> -> memref<128x128xf32, #tpu.memory_space<vmem_shared>>
      tpu.enqueue_dma source(%arg8 : memref<128x128xf32, #tpu.memory_space<vmem>>) target(%dma_start3A_71 : memref<128x128xf32, #tpu.memory_space<vmem_shared>>) target_semaphore(%run_scoped3A_67 : memref<!tpu.dma_semaphore, #tpu.memory_space<semaphore_mem>>)
      %dma_wait3A_72 = arith.constant 0 : i32
      %dma_wait3A_73 = tpu.memref_slice %arg12[%add3A_11, %dma_wait3A_72] : memref<10240x128xf32, #tpu.memory_space<vmem_shared>> -> memref<128x128xf32, #tpu.memory_space<vmem_shared>>
      %dma_wait3A_74 = arith.constant 0 : i32
      %dma_wait3A_75 = tpu.memref_slice %arg12[%add3A_11, %dma_wait3A_74] : memref<10240x128xf32, #tpu.memory_space<vmem_shared>> -> memref<128x128xf32, #tpu.memory_space<vmem_shared>>
      tpu.wait_dma2 semaphore(%run_scoped3A_67 : memref<!tpu.dma_semaphore, #tpu.memory_space<semaphore_mem>>) src(%arg8 : memref<128x128xf32, #tpu.memory_space<vmem>>) dst(%dma_wait3A_75 : memref<128x128xf32, #tpu.memory_space<vmem_shared>>)
      tpu.yield
    }) : () -> ()
    %add3A_12 = arith.constant 128 : i32
    %add3A_13 = arith.addi %mul3A_9, %add3A_12 : i32
    "tpu.region"() ({
      %run_scoped3A_67 = tpu.sem_alloc : memref<!tpu.dma_semaphore, #tpu.memory_space<semaphore_mem>>
      %dma_start3A_68 = arith.constant 0 : i32
      %dma_start3A_69 = tpu.memref_slice %arg12[%add3A_13, %dma_start3A_68] : memref<10240x128xf32, #tpu.memory_space<vmem_shared>> -> memref<128x128xf32, #tpu.memory_space<vmem_shared>>
      %dma_start3A_70 = arith.constant 0 : i32
      %dma_start3A_71 = tpu.memref_slice %arg12[%add3A_13, %dma_start3A_70] : memref<10240x128xf32, #tpu.memory_space<vmem_shared>> -> memref<128x128xf32, #tpu.memory_space<vmem_shared>>
      tpu.enqueue_dma source(%arg8 : memref<128x128xf32, #tpu.memory_space<vmem>>) target(%dma_start3A_71 : memref<128x128xf32, #tpu.memory_space<vmem_shared>>) target_semaphore(%run_scoped3A_67 : memref<!tpu.dma_semaphore, #tpu.memory_space<semaphore_mem>>)
      %dma_wait3A_72 = arith.constant 0 : i32
      %dma_wait3A_73 = tpu.memref_slice %arg12[%add3A_13, %dma_wait3A_72] : memref<10240x128xf32, #tpu.memory_space<vmem_shared>> -> memref<128x128xf32, #tpu.memory_space<vmem_shared>>
      %dma_wait3A_74 = arith.constant 0 : i32
      %dma_wait3A_75 = tpu.memref_slice %arg12[%add3A_13, %dma_wait3A_74] : memref<10240x128xf32, #tpu.memory_space<vmem_shared>> -> memref<128x128xf32, #tpu.memory_space<vmem_shared>>
      tpu.wait_dma2 semaphore(%run_scoped3A_67 : memref<!tpu.dma_semaphore, #tpu.memory_space<semaphore_mem>>) src(%arg8 : memref<128x128xf32, #tpu.memory_space<vmem>>) dst(%dma_wait3A_75 : memref<128x128xf32, #tpu.memory_space<vmem_shared>>)
      tpu.yield
    }) : () -> ()
    %add3A_14 = arith.constant 256 : i32
    %add3A_15 = arith.addi %mul3A_9, %add3A_14 : i32
    "tpu.region"() ({
      %run_scoped3A_67 = tpu.sem_alloc : memref<!tpu.dma_semaphore, #tpu.memory_space<semaphore_mem>>
      %dma_start3A_68 = arith.constant 0 : i32
      %dma_start3A_69 = tpu.memref_slice %arg12[%add3A_15, %dma_start3A_68] : memref<10240x128xf32, #tpu.memory_space<vmem_shared>> -> memref<128x128xf32, #tpu.memory_space<vmem_shared>>
      %dma_start3A_70 = arith.constant 0 : i32
      %dma_start3A_71 = tpu.memref_slice %arg12[%add3A_15, %dma_start3A_70] : memref<10240x128xf32, #tpu.memory_space<vmem_shared>> -> memref<128x128xf32, #tpu.memory_space<vmem_shared>>
      tpu.enqueue_dma source(%arg8 : memref<128x128xf32, #tpu.memory_space<vmem>>) target(%dma_start3A_71 : memref<128x128xf32, #tpu.memory_space<vmem_shared>>) target_semaphore(%run_scoped3A_67 : memref<!tpu.dma_semaphore, #tpu.memory_space<semaphore_mem>>)
      %dma_wait3A_72 = arith.constant 0 : i32
      %dma_wait3A_73 = tpu.memref_slice %arg12[%add3A_15, %dma_wait3A_72] : memref<10240x128xf32, #tpu.memory_space<vmem_shared>> -> memref<128x128xf32, #tpu.memory_space<vmem_shared>>
      %dma_wait3A_74 = arith.constant 0 : i32
      %dma_wait3A_75 = tpu.memref_slice %arg12[%add3A_15, %dma_wait3A_74] : memref<10240x128xf32, #tpu.memory_space<vmem_shared>> -> memref<128x128xf32, #tpu.memory_space<vmem_shared>>
      tpu.wait_dma2 semaphore(%run_scoped3A_67 : memref<!tpu.dma_semaphore, #tpu.memory_space<semaphore_mem>>) src(%arg8 : memref<128x128xf32, #tpu.memory_space<vmem>>) dst(%dma_wait3A_75 : memref<128x128xf32, #tpu.memory_space<vmem_shared>>)
      tpu.yield
    }) : () -> ()
    %add3A_16 = arith.constant 384 : i32
    %add3A_17 = arith.addi %mul3A_9, %add3A_16 : i32
    "tpu.region"() ({
      %run_scoped3A_67 = tpu.sem_alloc : memref<!tpu.dma_semaphore, #tpu.memory_space<semaphore_mem>>
      %dma_start3A_68 = arith.constant 0 : i32
      %dma_start3A_69 = tpu.memref_slice %arg12[%add3A_17, %dma_start3A_68] : memref<10240x128xf32, #tpu.memory_space<vmem_shared>> -> memref<128x128xf32, #tpu.memory_space<vmem_shared>>
      %dma_start3A_70 = arith.constant 0 : i32
      %dma_start3A_71 = tpu.memref_slice %arg12[%add3A_17, %dma_start3A_70] : memref<10240x128xf32, #tpu.memory_space<vmem_shared>> -> memref<128x128xf32, #tpu.memory_space<vmem_shared>>
      tpu.enqueue_dma source(%arg8 : memref<128x128xf32, #tpu.memory_space<vmem>>) target(%dma_start3A_71 : memref<128x128xf32, #tpu.memory_space<vmem_shared>>) target_semaphore(%run_scoped3A_67 : memref<!tpu.dma_semaphore, #tpu.memory_space<semaphore_mem>>)
      %dma_wait3A_72 = arith.constant 0 : i32
      %dma_wait3A_73 = tpu.memref_slice %arg12[%add3A_17, %dma_wait3A_72] : memref<10240x128xf32, #tpu.memory_space<vmem_shared>> -> memref<128x128xf32, #tpu.memory_space<vmem_shared>>
      %dma_wait3A_74 = arith.constant 0 : i32
      %dma_wait3A_75 = tpu.memref_slice %arg12[%add3A_17, %dma_wait3A_74] : memref<10240x128xf32, #tpu.memory_space<vmem_shared>> -> memref<128x128xf32, #tpu.memory_space<vmem_shared>>
      tpu.wait_dma2 semaphore(%run_scoped3A_67 : memref<!tpu.dma_semaphore, #tpu.memory_space<semaphore_mem>>) src(%arg8 : memref<128x128xf32, #tpu.memory_space<vmem>>) dst(%dma_wait3A_75 : memref<128x128xf32, #tpu.memory_space<vmem_shared>>)
      tpu.yield
    }) : () -> ()
    %add3A_18 = arith.constant 512 : i32
    %add3A_19 = arith.addi %mul3A_9, %add3A_18 : i32
    "tpu.region"() ({
      %run_scoped3A_67 = tpu.sem_alloc : memref<!tpu.dma_semaphore, #tpu.memory_space<semaphore_mem>>
      %dma_start3A_68 = arith.constant 0 : i32
      %dma_start3A_69 = tpu.memref_slice %arg12[%add3A_19, %dma_start3A_68] : memref<10240x128xf32, #tpu.memory_space<vmem_shared>> -> memref<128x128xf32, #tpu.memory_space<vmem_shared>>
      %dma_start3A_70 = arith.constant 0 : i32
      %dma_start3A_71 = tpu.memref_slice %arg12[%add3A_19, %dma_start3A_70] : memref<10240x128xf32, #tpu.memory_space<vmem_shared>> -> memref<128x128xf32, #tpu.memory_space<vmem_shared>>
      tpu.enqueue_dma source(%arg8 : memref<128x128xf32, #tpu.memory_space<vmem>>) target(%dma_start3A_71 : memref<128x128xf32, #tpu.memory_space<vmem_shared>>) target_semaphore(%run_scoped3A_67 : memref<!tpu.dma_semaphore, #tpu.memory_space<semaphore_mem>>)
      %dma_wait3A_72 = arith.constant 0 : i32
      %dma_wait3A_73 = tpu.memref_slice %arg12[%add3A_19, %dma_wait3A_72] : memref<10240x128xf32, #tpu.memory_space<vmem_shared>> -> memref<128x128xf32, #tpu.memory_space<vmem_shared>>
      %dma_wait3A_74 = arith.constant 0 : i32
      %dma_wait3A_75 = tpu.memref_slice %arg12[%add3A_19, %dma_wait3A_74] : memref<10240x128xf32, #tpu.memory_space<vmem_shared>> -> memref<128x128xf32, #tpu.memory_space<vmem_shared>>
      tpu.wait_dma2 semaphore(%run_scoped3A_67 : memref<!tpu.dma_semaphore, #tpu.memory_space<semaphore_mem>>) src(%arg8 : memref<128x128xf32, #tpu.memory_space<vmem>>) dst(%dma_wait3A_75 : memref<128x128xf32, #tpu.memory_space<vmem_shared>>)
      tpu.yield
    }) : () -> ()
    %barrier3A = arith.constant 0 : index
    tpu.barrier barrier_id(%barrier3A)
    %run_scoped3A = arith.constant 0 : i32
    "tpu.region"() ({
      %run_scoped3A_67 = tpu.sem_alloc : memref<!tpu.dma_semaphore, #tpu.memory_space<semaphore_mem>>
      %dma_start3A_68 = arith.constant 0 : i32
      %dma_start3A_69 = arith.constant 0 : i32
      %dma_start3A_70 = tpu.memref_slice %arg3[%add3A, %run_scoped3A, %dma_start3A_68, %dma_start3A_69] : memref<32x2x40x128xi32, #tpu.memory_space<hbm>> -> memref<1x1x40x128xi32, #tpu.memory_space<hbm>>
      %dma_start3A_71 = tpu.memref_squeeze %dma_start3A_70 : memref<1x1x40x128xi32, #tpu.memory_space<hbm>> -> memref<40x128xi32, #tpu.memory_space<hbm>>
      %dma_start3A_72 = arith.constant 0 : i32
      %dma_start3A_73 = arith.constant 0 : i32
      %dma_start3A_74 = tpu.memref_slice %arg3[%add3A, %run_scoped3A, %dma_start3A_72, %dma_start3A_73] : memref<32x2x40x128xi32, #tpu.memory_space<hbm>> -> memref<1x1x40x128xi32, #tpu.memory_space<hbm>>
      %dma_start3A_75 = tpu.memref_squeeze %dma_start3A_74 : memref<1x1x40x128xi32, #tpu.memory_space<hbm>> -> memref<40x128xi32, #tpu.memory_space<hbm>>
      tpu.enqueue_dma source(%dma_start3A_75 : memref<40x128xi32, #tpu.memory_space<hbm>>) target(%arg6 : memref<40x128xi32, #tpu.memory_space<vmem>>) target_semaphore(%run_scoped3A_67 : memref<!tpu.dma_semaphore, #tpu.memory_space<semaphore_mem>>)
      %dma_wait3A_76 = arith.constant 0 : i32
      %dma_wait3A_77 = arith.constant 0 : i32
      %dma_wait3A_78 = tpu.memref_slice %arg3[%add3A, %run_scoped3A, %dma_wait3A_76, %dma_wait3A_77] : memref<32x2x40x128xi32, #tpu.memory_space<hbm>> -> memref<1x1x40x128xi32, #tpu.memory_space<hbm>>
      %dma_wait3A_79 = tpu.memref_squeeze %dma_wait3A_78 : memref<1x1x40x128xi32, #tpu.memory_space<hbm>> -> memref<40x128xi32, #tpu.memory_space<hbm>>
      %dma_wait3A_80 = arith.constant 0 : i32
      %dma_wait3A_81 = arith.constant 0 : i32
      %dma_wait3A_82 = tpu.memref_slice %arg3[%add3A, %run_scoped3A, %dma_wait3A_80, %dma_wait3A_81] : memref<32x2x40x128xi32, #tpu.memory_space<hbm>> -> memref<1x1x40x128xi32, #tpu.memory_space<hbm>>
      %dma_wait3A_83 = tpu.memref_squeeze %dma_wait3A_82 : memref<1x1x40x128xi32, #tpu.memory_space<hbm>> -> memref<40x128xi32, #tpu.memory_space<hbm>>
      tpu.wait_dma2 semaphore(%run_scoped3A_67 : memref<!tpu.dma_semaphore, #tpu.memory_space<semaphore_mem>>) src(%dma_wait3A_83 : memref<40x128xi32, #tpu.memory_space<hbm>>) dst(%arg6 : memref<40x128xi32, #tpu.memory_space<vmem>>)
      tpu.yield
    }) : () -> ()
    %run_scoped3A_20 = arith.constant 0 : i32
    "tpu.region"() ({
      %run_scoped3A_67 = tpu.sem_alloc : memref<!tpu.dma_semaphore, #tpu.memory_space<semaphore_mem>>
      %dma_start3A_68 = arith.constant 0 : i32
      %dma_start3A_69 = arith.constant 0 : i32
      %dma_start3A_70 = tpu.memref_slice %arg4[%add3A, %run_scoped3A_20, %dma_start3A_68, %dma_start3A_69] : memref<32x2x40x128xi32, #tpu.memory_space<hbm>> -> memref<1x1x40x128xi32, #tpu.memory_space<hbm>>
      %dma_start3A_71 = tpu.memref_squeeze %dma_start3A_70 : memref<1x1x40x128xi32, #tpu.memory_space<hbm>> -> memref<40x128xi32, #tpu.memory_space<hbm>>
      %dma_start3A_72 = arith.constant 0 : i32
      %dma_start3A_73 = arith.constant 0 : i32
      %dma_start3A_74 = tpu.memref_slice %arg4[%add3A, %run_scoped3A_20, %dma_start3A_72, %dma_start3A_73] : memref<32x2x40x128xi32, #tpu.memory_space<hbm>> -> memref<1x1x40x128xi32, #tpu.memory_space<hbm>>
      %dma_start3A_75 = tpu.memref_squeeze %dma_start3A_74 : memref<1x1x40x128xi32, #tpu.memory_space<hbm>> -> memref<40x128xi32, #tpu.memory_space<hbm>>
      tpu.enqueue_dma source(%dma_start3A_75 : memref<40x128xi32, #tpu.memory_space<hbm>>) target(%arg7 : memref<40x128xi32, #tpu.memory_space<vmem>>) target_semaphore(%run_scoped3A_67 : memref<!tpu.dma_semaphore, #tpu.memory_space<semaphore_mem>>)
      %dma_wait3A_76 = arith.constant 0 : i32
      %dma_wait3A_77 = arith.constant 0 : i32
      %dma_wait3A_78 = tpu.memref_slice %arg4[%add3A, %run_scoped3A_20, %dma_wait3A_76, %dma_wait3A_77] : memref<32x2x40x128xi32, #tpu.memory_space<hbm>> -> memref<1x1x40x128xi32, #tpu.memory_space<hbm>>
      %dma_wait3A_79 = tpu.memref_squeeze %dma_wait3A_78 : memref<1x1x40x128xi32, #tpu.memory_space<hbm>> -> memref<40x128xi32, #tpu.memory_space<hbm>>
      %dma_wait3A_80 = arith.constant 0 : i32
      %dma_wait3A_81 = arith.constant 0 : i32
      %dma_wait3A_82 = tpu.memref_slice %arg4[%add3A, %run_scoped3A_20, %dma_wait3A_80, %dma_wait3A_81] : memref<32x2x40x128xi32, #tpu.memory_space<hbm>> -> memref<1x1x40x128xi32, #tpu.memory_space<hbm>>
      %dma_wait3A_83 = tpu.memref_squeeze %dma_wait3A_82 : memref<1x1x40x128xi32, #tpu.memory_space<hbm>> -> memref<40x128xi32, #tpu.memory_space<hbm>>
      tpu.wait_dma2 semaphore(%run_scoped3A_67 : memref<!tpu.dma_semaphore, #tpu.memory_space<semaphore_mem>>) src(%dma_wait3A_83 : memref<40x128xi32, #tpu.memory_space<hbm>>) dst(%arg7 : memref<40x128xi32, #tpu.memory_space<vmem>>)
      tpu.yield
    }) : () -> ()
    %dma_start3A = arith.constant 0 : i32
    %dma_start3A_21 = arith.constant 0 : i32
    %dma_start3A_22 = tpu.memref_slice %arg6[%dma_start3A, %dma_start3A_21] : memref<40x128xi32, #tpu.memory_space<vmem>> -> memref<1x128xi32, #tpu.memory_space<vmem>>
    %dma_start3A_23 = tpu.memref_squeeze %dma_start3A_22 : memref<1x128xi32, #tpu.memory_space<vmem>> -> memref<128xi32, #tpu.memory_space<vmem>>
    %dma_start3A_24 = arith.constant 0 : i32
    %dma_start3A_25 = arith.constant 0 : i32
    %dma_start3A_26 = tpu.memref_slice %arg2[%dma_start3A_24, %dma_start3A_25] : memref<10240x128xf32, #tpu.memory_space<hbm>> -> memref<10240x128xf32, #tpu.memory_space<hbm>>
    tpu.enqueue_indirect_dma source(%dma_start3A_26 : memref<10240x128xf32, #tpu.memory_space<hbm>>) target(%arg8 : memref<128x128xf32, #tpu.memory_space<vmem>>) offsets(%dma_start3A_23 : memref<128xi32, #tpu.memory_space<vmem>>) semaphore(%arg10 : memref<!tpu.dma_semaphore, #tpu.memory_space<semaphore_mem>>)
    %scan3A_27 = arith.constant 0 : i32
    %scan3A_28 = arith.constant 0 : i32
    %scan3A_29 = arith.constant 20 : i32
    %scan3A_30 = arith.addi %scan3A_28, %scan3A_29 : i32
    %scan3A_31 = arith.constant 1 : i32
    %scan3A_32 = scf.for %scan3A_67 = %scan3A_28 to %scan3A_30 step %scan3A_31 iter_args(%scan3A_68 = %scan3A_27) -> (i32)  : i32 {
      %mul3A_69 = arith.constant 2 : i32
      %mul3A_70 = arith.muli %mul3A_69, %scan3A_67 : i32
      %add3A_71 = arith.constant 1 : i32
      %add3A_72 = arith.addi %mul3A_70, %add3A_71 : i32
      %dma_start3A_73 = arith.constant 0 : i32
      %dma_start3A_74 = tpu.memref_slice %arg6[%add3A_72, %dma_start3A_73] : memref<40x128xi32, #tpu.memory_space<vmem>> -> memref<1x128xi32, #tpu.memory_space<vmem>>
      %dma_start3A_75 = tpu.memref_squeeze %dma_start3A_74 : memref<1x128xi32, #tpu.memory_space<vmem>> -> memref<128xi32, #tpu.memory_space<vmem>>
      %dma_start3A_76 = arith.constant 0 : i32
      %dma_start3A_77 = arith.constant 0 : i32
      %dma_start3A_78 = tpu.memref_slice %arg2[%dma_start3A_76, %dma_start3A_77] : memref<10240x128xf32, #tpu.memory_space<hbm>> -> memref<10240x128xf32, #tpu.memory_space<hbm>>
      tpu.enqueue_indirect_dma source(%dma_start3A_78 : memref<10240x128xf32, #tpu.memory_space<hbm>>) target(%arg9 : memref<128x128xf32, #tpu.memory_space<vmem>>) offsets(%dma_start3A_75 : memref<128xi32, #tpu.memory_space<vmem>>) semaphore(%arg11 : memref<!tpu.dma_semaphore, #tpu.memory_space<semaphore_mem>>)
      %dma_wait3A_79 = arith.constant 0 : i32
      %dma_wait3A_80 = tpu.memref_slice %arg6[%mul3A_70, %dma_wait3A_79] : memref<40x128xi32, #tpu.memory_space<vmem>> -> memref<1x128xi32, #tpu.memory_space<vmem>>
      %dma_wait3A_81 = tpu.memref_squeeze %dma_wait3A_80 : memref<1x128xi32, #tpu.memory_space<vmem>> -> memref<128xi32, #tpu.memory_space<vmem>>
      %dma_wait3A_82 = arith.constant 0 : i32
      %dma_wait3A_83 = arith.constant 0 : i32
      %dma_wait3A_84 = tpu.memref_slice %arg2[%dma_wait3A_82, %dma_wait3A_83] : memref<10240x128xf32, #tpu.memory_space<hbm>> -> memref<10240x128xf32, #tpu.memory_space<hbm>>
      tpu.wait_indirect_dma semaphore(%arg10 : memref<!tpu.dma_semaphore, #tpu.memory_space<semaphore_mem>>) src(%dma_wait3A_84 : memref<10240x128xf32, #tpu.memory_space<hbm>>) dst(%arg8 : memref<128x128xf32, #tpu.memory_space<vmem>>)
      "tpu.region"() ({
        %run_scoped3A_105 = tpu.sem_alloc : memref<!tpu.dma_semaphore, #tpu.memory_space<semaphore_mem>>
        %dma_start3A_106 = arith.constant 0 : i32
        %dma_start3A_107 = tpu.memref_slice %arg7[%mul3A_70, %dma_start3A_106] : memref<40x128xi32, #tpu.memory_space<vmem>> -> memref<1x128xi32, #tpu.memory_space<vmem>>
        %dma_start3A_108 = tpu.memref_squeeze %dma_start3A_107 : memref<1x128xi32, #tpu.memory_space<vmem>> -> memref<128xi32, #tpu.memory_space<vmem>>
        %dma_start3A_109 = arith.constant 0 : i32
        %dma_start3A_110 = arith.constant 0 : i32
        %dma_start3A_111 = tpu.memref_slice %arg12[%dma_start3A_109, %dma_start3A_110] : memref<10240x128xf32, #tpu.memory_space<vmem_shared>> -> memref<10240x128xf32, #tpu.memory_space<vmem_shared>>
        tpu.enqueue_indirect_dma source(%arg8 : memref<128x128xf32, #tpu.memory_space<vmem>>) target(%dma_start3A_111 : memref<10240x128xf32, #tpu.memory_space<vmem_shared>>) offsets(%dma_start3A_108 : memref<128xi32, #tpu.memory_space<vmem>>) semaphore(%run_scoped3A_105 : memref<!tpu.dma_semaphore, #tpu.memory_space<semaphore_mem>>) {add = true}
        %dma_wait3A_112 = arith.constant 0 : i32
        %dma_wait3A_113 = tpu.memref_slice %arg7[%mul3A_70, %dma_wait3A_112] : memref<40x128xi32, #tpu.memory_space<vmem>> -> memref<1x128xi32, #tpu.memory_space<vmem>>
        %dma_wait3A_114 = tpu.memref_squeeze %dma_wait3A_113 : memref<1x128xi32, #tpu.memory_space<vmem>> -> memref<128xi32, #tpu.memory_space<vmem>>
        %dma_wait3A_115 = arith.constant 0 : i32
        %dma_wait3A_116 = arith.constant 0 : i32
        %dma_wait3A_117 = tpu.memref_slice %arg12[%dma_wait3A_115, %dma_wait3A_116] : memref<10240x128xf32, #tpu.memory_space<vmem_shared>> -> memref<10240x128xf32, #tpu.memory_space<vmem_shared>>
        tpu.wait_indirect_dma semaphore(%run_scoped3A_105 : memref<!tpu.dma_semaphore, #tpu.memory_space<semaphore_mem>>) src(%arg8 : memref<128x128xf32, #tpu.memory_space<vmem>>) dst(%dma_wait3A_117 : memref<10240x128xf32, #tpu.memory_space<vmem_shared>>)
        tpu.yield
      }) : () -> ()
      %add3A_85 = arith.constant 2 : i32
      %add3A_86 = arith.addi %mul3A_70, %add3A_85 : i32
      %min3A = arith.constant 39 : i32
      %min3A_87 = arith.minsi %add3A_86, %min3A : i32
      %dma_start3A_88 = arith.constant 0 : i32
      %dma_start3A_89 = tpu.memref_slice %arg6[%min3A_87, %dma_start3A_88] : memref<40x128xi32, #tpu.memory_space<vmem>> -> memref<1x128xi32, #tpu.memory_space<vmem>>
      %dma_start3A_90 = tpu.memref_squeeze %dma_start3A_89 : memref<1x128xi32, #tpu.memory_space<vmem>> -> memref<128xi32, #tpu.memory_space<vmem>>
      %dma_start3A_91 = arith.constant 0 : i32
      %dma_start3A_92 = arith.constant 0 : i32
      %dma_start3A_93 = tpu.memref_slice %arg2[%dma_start3A_91, %dma_start3A_92] : memref<10240x128xf32, #tpu.memory_space<hbm>> -> memref<10240x128xf32, #tpu.memory_space<hbm>>
      tpu.enqueue_indirect_dma source(%dma_start3A_93 : memref<10240x128xf32, #tpu.memory_space<hbm>>) target(%arg8 : memref<128x128xf32, #tpu.memory_space<vmem>>) offsets(%dma_start3A_90 : memref<128xi32, #tpu.memory_space<vmem>>) semaphore(%arg10 : memref<!tpu.dma_semaphore, #tpu.memory_space<semaphore_mem>>)
      %add3A_94 = arith.constant 1 : i32
      %add3A_95 = arith.addi %mul3A_70, %add3A_94 : i32
      %dma_wait3A_96 = arith.constant 0 : i32
      %dma_wait3A_97 = tpu.memref_slice %arg6[%add3A_95, %dma_wait3A_96] : memref<40x128xi32, #tpu.memory_space<vmem>> -> memref<1x128xi32, #tpu.memory_space<vmem>>
      %dma_wait3A_98 = tpu.memref_squeeze %dma_wait3A_97 : memref<1x128xi32, #tpu.memory_space<vmem>> -> memref<128xi32, #tpu.memory_space<vmem>>
      %dma_wait3A_99 = arith.constant 0 : i32
      %dma_wait3A_100 = arith.constant 0 : i32
      %dma_wait3A_101 = tpu.memref_slice %arg2[%dma_wait3A_99, %dma_wait3A_100] : memref<10240x128xf32, #tpu.memory_space<hbm>> -> memref<10240x128xf32, #tpu.memory_space<hbm>>
      tpu.wait_indirect_dma semaphore(%arg11 : memref<!tpu.dma_semaphore, #tpu.memory_space<semaphore_mem>>) src(%dma_wait3A_101 : memref<10240x128xf32, #tpu.memory_space<hbm>>) dst(%arg9 : memref<128x128xf32, #tpu.memory_space<vmem>>)
      %add3A_102 = arith.constant 1 : i32
      %add3A_103 = arith.addi %mul3A_70, %add3A_102 : i32
      "tpu.region"() ({
        %run_scoped3A_105 = tpu.sem_alloc : memref<!tpu.dma_semaphore, #tpu.memory_space<semaphore_mem>>
        %dma_start3A_106 = arith.constant 0 : i32
        %dma_start3A_107 = tpu.memref_slice %arg7[%add3A_103, %dma_start3A_106] : memref<40x128xi32, #tpu.memory_space<vmem>> -> memref<1x128xi32, #tpu.memory_space<vmem>>
        %dma_start3A_108 = tpu.memref_squeeze %dma_start3A_107 : memref<1x128xi32, #tpu.memory_space<vmem>> -> memref<128xi32, #tpu.memory_space<vmem>>
        %dma_start3A_109 = arith.constant 0 : i32
        %dma_start3A_110 = arith.constant 0 : i32
        %dma_start3A_111 = tpu.memref_slice %arg12[%dma_start3A_109, %dma_start3A_110] : memref<10240x128xf32, #tpu.memory_space<vmem_shared>> -> memref<10240x128xf32, #tpu.memory_space<vmem_shared>>
        tpu.enqueue_indirect_dma source(%arg9 : memref<128x128xf32, #tpu.memory_space<vmem>>) target(%dma_start3A_111 : memref<10240x128xf32, #tpu.memory_space<vmem_shared>>) offsets(%dma_start3A_108 : memref<128xi32, #tpu.memory_space<vmem>>) semaphore(%run_scoped3A_105 : memref<!tpu.dma_semaphore, #tpu.memory_space<semaphore_mem>>) {add = true}
        %dma_wait3A_112 = arith.constant 0 : i32
        %dma_wait3A_113 = tpu.memref_slice %arg7[%add3A_103, %dma_wait3A_112] : memref<40x128xi32, #tpu.memory_space<vmem>> -> memref<1x128xi32, #tpu.memory_space<vmem>>
        %dma_wait3A_114 = tpu.memref_squeeze %dma_wait3A_113 : memref<1x128xi32, #tpu.memory_space<vmem>> -> memref<128xi32, #tpu.memory_space<vmem>>
        %dma_wait3A_115 = arith.constant 0 : i32
        %dma_wait3A_116 = arith.constant 0 : i32
        %dma_wait3A_117 = tpu.memref_slice %arg12[%dma_wait3A_115, %dma_wait3A_116] : memref<10240x128xf32, #tpu.memory_space<vmem_shared>> -> memref<10240x128xf32, #tpu.memory_space<vmem_shared>>
        tpu.wait_indirect_dma semaphore(%run_scoped3A_105 : memref<!tpu.dma_semaphore, #tpu.memory_space<semaphore_mem>>) src(%arg9 : memref<128x128xf32, #tpu.memory_space<vmem>>) dst(%dma_wait3A_117 : memref<10240x128xf32, #tpu.memory_space<vmem_shared>>)
        tpu.yield
      }) : () -> ()
      %scan3A_104 = arith.constant 0 : i32
      scf.yield %scan3A_104 : i32
    }
    %scan3A_33 = arith.constant 20 : i32
    %dma_wait3A = arith.constant 39 : i32
    %dma_wait3A_34 = arith.constant 0 : i32
    %dma_wait3A_35 = tpu.memref_slice %arg6[%dma_wait3A, %dma_wait3A_34] : memref<40x128xi32, #tpu.memory_space<vmem>> -> memref<1x128xi32, #tpu.memory_space<vmem>>
    %dma_wait3A_36 = tpu.memref_squeeze %dma_wait3A_35 : memref<1x128xi32, #tpu.memory_space<vmem>> -> memref<128xi32, #tpu.memory_space<vmem>>
    %dma_wait3A_37 = arith.constant 0 : i32
    %dma_wait3A_38 = arith.constant 0 : i32
    %dma_wait3A_39 = tpu.memref_slice %arg2[%dma_wait3A_37, %dma_wait3A_38] : memref<10240x128xf32, #tpu.memory_space<hbm>> -> memref<10240x128xf32, #tpu.memory_space<hbm>>
    tpu.wait_indirect_dma semaphore(%arg10 : memref<!tpu.dma_semaphore, #tpu.memory_space<semaphore_mem>>) src(%dma_wait3A_39 : memref<10240x128xf32, #tpu.memory_space<hbm>>) dst(%arg8 : memref<128x128xf32, #tpu.memory_space<vmem>>)
    %run_scoped3A_40 = arith.constant 1 : i32
    "tpu.region"() ({
      %run_scoped3A_67 = tpu.sem_alloc : memref<!tpu.dma_semaphore, #tpu.memory_space<semaphore_mem>>
      %dma_start3A_68 = arith.constant 0 : i32
      %dma_start3A_69 = arith.constant 0 : i32
      %dma_start3A_70 = tpu.memref_slice %arg3[%add3A, %run_scoped3A_40, %dma_start3A_68, %dma_start3A_69] : memref<32x2x40x128xi32, #tpu.memory_space<hbm>> -> memref<1x1x40x128xi32, #tpu.memory_space<hbm>>
      %dma_start3A_71 = tpu.memref_squeeze %dma_start3A_70 : memref<1x1x40x128xi32, #tpu.memory_space<hbm>> -> memref<40x128xi32, #tpu.memory_space<hbm>>
      %dma_start3A_72 = arith.constant 0 : i32
      %dma_start3A_73 = arith.constant 0 : i32
      %dma_start3A_74 = tpu.memref_slice %arg3[%add3A, %run_scoped3A_40, %dma_start3A_72, %dma_start3A_73] : memref<32x2x40x128xi32, #tpu.memory_space<hbm>> -> memref<1x1x40x128xi32, #tpu.memory_space<hbm>>
      %dma_start3A_75 = tpu.memref_squeeze %dma_start3A_74 : memref<1x1x40x128xi32, #tpu.memory_space<hbm>> -> memref<40x128xi32, #tpu.memory_space<hbm>>
      tpu.enqueue_dma source(%dma_start3A_75 : memref<40x128xi32, #tpu.memory_space<hbm>>) target(%arg6 : memref<40x128xi32, #tpu.memory_space<vmem>>) target_semaphore(%run_scoped3A_67 : memref<!tpu.dma_semaphore, #tpu.memory_space<semaphore_mem>>)
      %dma_wait3A_76 = arith.constant 0 : i32
      %dma_wait3A_77 = arith.constant 0 : i32
      %dma_wait3A_78 = tpu.memref_slice %arg3[%add3A, %run_scoped3A_40, %dma_wait3A_76, %dma_wait3A_77] : memref<32x2x40x128xi32, #tpu.memory_space<hbm>> -> memref<1x1x40x128xi32, #tpu.memory_space<hbm>>
      %dma_wait3A_79 = tpu.memref_squeeze %dma_wait3A_78 : memref<1x1x40x128xi32, #tpu.memory_space<hbm>> -> memref<40x128xi32, #tpu.memory_space<hbm>>
      %dma_wait3A_80 = arith.constant 0 : i32
      %dma_wait3A_81 = arith.constant 0 : i32
      %dma_wait3A_82 = tpu.memref_slice %arg3[%add3A, %run_scoped3A_40, %dma_wait3A_80, %dma_wait3A_81] : memref<32x2x40x128xi32, #tpu.memory_space<hbm>> -> memref<1x1x40x128xi32, #tpu.memory_space<hbm>>
      %dma_wait3A_83 = tpu.memref_squeeze %dma_wait3A_82 : memref<1x1x40x128xi32, #tpu.memory_space<hbm>> -> memref<40x128xi32, #tpu.memory_space<hbm>>
      tpu.wait_dma2 semaphore(%run_scoped3A_67 : memref<!tpu.dma_semaphore, #tpu.memory_space<semaphore_mem>>) src(%dma_wait3A_83 : memref<40x128xi32, #tpu.memory_space<hbm>>) dst(%arg6 : memref<40x128xi32, #tpu.memory_space<vmem>>)
      tpu.yield
    }) : () -> ()
    %run_scoped3A_41 = arith.constant 1 : i32
    "tpu.region"() ({
      %run_scoped3A_67 = tpu.sem_alloc : memref<!tpu.dma_semaphore, #tpu.memory_space<semaphore_mem>>
      %dma_start3A_68 = arith.constant 0 : i32
      %dma_start3A_69 = arith.constant 0 : i32
      %dma_start3A_70 = tpu.memref_slice %arg4[%add3A, %run_scoped3A_41, %dma_start3A_68, %dma_start3A_69] : memref<32x2x40x128xi32, #tpu.memory_space<hbm>> -> memref<1x1x40x128xi32, #tpu.memory_space<hbm>>
      %dma_start3A_71 = tpu.memref_squeeze %dma_start3A_70 : memref<1x1x40x128xi32, #tpu.memory_space<hbm>> -> memref<40x128xi32, #tpu.memory_space<hbm>>
      %dma_start3A_72 = arith.constant 0 : i32
      %dma_start3A_73 = arith.constant 0 : i32
      %dma_start3A_74 = tpu.memref_slice %arg4[%add3A, %run_scoped3A_41, %dma_start3A_72, %dma_start3A_73] : memref<32x2x40x128xi32, #tpu.memory_space<hbm>> -> memref<1x1x40x128xi32, #tpu.memory_space<hbm>>
      %dma_start3A_75 = tpu.memref_squeeze %dma_start3A_74 : memref<1x1x40x128xi32, #tpu.memory_space<hbm>> -> memref<40x128xi32, #tpu.memory_space<hbm>>
      tpu.enqueue_dma source(%dma_start3A_75 : memref<40x128xi32, #tpu.memory_space<hbm>>) target(%arg7 : memref<40x128xi32, #tpu.memory_space<vmem>>) target_semaphore(%run_scoped3A_67 : memref<!tpu.dma_semaphore, #tpu.memory_space<semaphore_mem>>)
      %dma_wait3A_76 = arith.constant 0 : i32
      %dma_wait3A_77 = arith.constant 0 : i32
      %dma_wait3A_78 = tpu.memref_slice %arg4[%add3A, %run_scoped3A_41, %dma_wait3A_76, %dma_wait3A_77] : memref<32x2x40x128xi32, #tpu.memory_space<hbm>> -> memref<1x1x40x128xi32, #tpu.memory_space<hbm>>
      %dma_wait3A_79 = tpu.memref_squeeze %dma_wait3A_78 : memref<1x1x40x128xi32, #tpu.memory_space<hbm>> -> memref<40x128xi32, #tpu.memory_space<hbm>>
      %dma_wait3A_80 = arith.constant 0 : i32
      %dma_wait3A_81 = arith.constant 0 : i32
      %dma_wait3A_82 = tpu.memref_slice %arg4[%add3A, %run_scoped3A_41, %dma_wait3A_80, %dma_wait3A_81] : memref<32x2x40x128xi32, #tpu.memory_space<hbm>> -> memref<1x1x40x128xi32, #tpu.memory_space<hbm>>
      %dma_wait3A_83 = tpu.memref_squeeze %dma_wait3A_82 : memref<1x1x40x128xi32, #tpu.memory_space<hbm>> -> memref<40x128xi32, #tpu.memory_space<hbm>>
      tpu.wait_dma2 semaphore(%run_scoped3A_67 : memref<!tpu.dma_semaphore, #tpu.memory_space<semaphore_mem>>) src(%dma_wait3A_83 : memref<40x128xi32, #tpu.memory_space<hbm>>) dst(%arg7 : memref<40x128xi32, #tpu.memory_space<vmem>>)
      tpu.yield
    }) : () -> ()
    %dma_start3A_42 = arith.constant 0 : i32
    %dma_start3A_43 = arith.constant 0 : i32
    %dma_start3A_44 = tpu.memref_slice %arg6[%dma_start3A_42, %dma_start3A_43] : memref<40x128xi32, #tpu.memory_space<vmem>> -> memref<1x128xi32, #tpu.memory_space<vmem>>
    %dma_start3A_45 = tpu.memref_squeeze %dma_start3A_44 : memref<1x128xi32, #tpu.memory_space<vmem>> -> memref<128xi32, #tpu.memory_space<vmem>>
    %dma_start3A_46 = arith.constant 0 : i32
    %dma_start3A_47 = arith.constant 0 : i32
    %dma_start3A_48 = tpu.memref_slice %arg2[%dma_start3A_46, %dma_start3A_47] : memref<10240x128xf32, #tpu.memory_space<hbm>> -> memref<10240x128xf32, #tpu.memory_space<hbm>>
    tpu.enqueue_indirect_dma source(%dma_start3A_48 : memref<10240x128xf32, #tpu.memory_space<hbm>>) target(%arg8 : memref<128x128xf32, #tpu.memory_space<vmem>>) offsets(%dma_start3A_45 : memref<128xi32, #tpu.memory_space<vmem>>) semaphore(%arg10 : memref<!tpu.dma_semaphore, #tpu.memory_space<semaphore_mem>>)
    %scan3A_49 = arith.constant 0 : i32
    %scan3A_50 = arith.constant 0 : i32
    %scan3A_51 = arith.constant 20 : i32
    %scan3A_52 = arith.addi %scan3A_50, %scan3A_51 : i32
    %scan3A_53 = arith.constant 1 : i32
    %scan3A_54 = scf.for %scan3A_67 = %scan3A_50 to %scan3A_52 step %scan3A_53 iter_args(%scan3A_68 = %scan3A_49) -> (i32)  : i32 {
      %mul3A_69 = arith.constant 2 : i32
      %mul3A_70 = arith.muli %mul3A_69, %scan3A_67 : i32
      %add3A_71 = arith.constant 1 : i32
      %add3A_72 = arith.addi %mul3A_70, %add3A_71 : i32
      %dma_start3A_73 = arith.constant 0 : i32
      %dma_start3A_74 = tpu.memref_slice %arg6[%add3A_72, %dma_start3A_73] : memref<40x128xi32, #tpu.memory_space<vmem>> -> memref<1x128xi32, #tpu.memory_space<vmem>>
      %dma_start3A_75 = tpu.memref_squeeze %dma_start3A_74 : memref<1x128xi32, #tpu.memory_space<vmem>> -> memref<128xi32, #tpu.memory_space<vmem>>
      %dma_start3A_76 = arith.constant 0 : i32
      %dma_start3A_77 = arith.constant 0 : i32
      %dma_start3A_78 = tpu.memref_slice %arg2[%dma_start3A_76, %dma_start3A_77] : memref<10240x128xf32, #tpu.memory_space<hbm>> -> memref<10240x128xf32, #tpu.memory_space<hbm>>
      tpu.enqueue_indirect_dma source(%dma_start3A_78 : memref<10240x128xf32, #tpu.memory_space<hbm>>) target(%arg9 : memref<128x128xf32, #tpu.memory_space<vmem>>) offsets(%dma_start3A_75 : memref<128xi32, #tpu.memory_space<vmem>>) semaphore(%arg11 : memref<!tpu.dma_semaphore, #tpu.memory_space<semaphore_mem>>)
      %dma_wait3A_79 = arith.constant 0 : i32
      %dma_wait3A_80 = tpu.memref_slice %arg6[%mul3A_70, %dma_wait3A_79] : memref<40x128xi32, #tpu.memory_space<vmem>> -> memref<1x128xi32, #tpu.memory_space<vmem>>
      %dma_wait3A_81 = tpu.memref_squeeze %dma_wait3A_80 : memref<1x128xi32, #tpu.memory_space<vmem>> -> memref<128xi32, #tpu.memory_space<vmem>>
      %dma_wait3A_82 = arith.constant 0 : i32
      %dma_wait3A_83 = arith.constant 0 : i32
      %dma_wait3A_84 = tpu.memref_slice %arg2[%dma_wait3A_82, %dma_wait3A_83] : memref<10240x128xf32, #tpu.memory_space<hbm>> -> memref<10240x128xf32, #tpu.memory_space<hbm>>
      tpu.wait_indirect_dma semaphore(%arg10 : memref<!tpu.dma_semaphore, #tpu.memory_space<semaphore_mem>>) src(%dma_wait3A_84 : memref<10240x128xf32, #tpu.memory_space<hbm>>) dst(%arg8 : memref<128x128xf32, #tpu.memory_space<vmem>>)
      "tpu.region"() ({
        %run_scoped3A_105 = tpu.sem_alloc : memref<!tpu.dma_semaphore, #tpu.memory_space<semaphore_mem>>
        %dma_start3A_106 = arith.constant 0 : i32
        %dma_start3A_107 = tpu.memref_slice %arg7[%mul3A_70, %dma_start3A_106] : memref<40x128xi32, #tpu.memory_space<vmem>> -> memref<1x128xi32, #tpu.memory_space<vmem>>
        %dma_start3A_108 = tpu.memref_squeeze %dma_start3A_107 : memref<1x128xi32, #tpu.memory_space<vmem>> -> memref<128xi32, #tpu.memory_space<vmem>>
        %dma_start3A_109 = arith.constant 0 : i32
        %dma_start3A_110 = arith.constant 0 : i32
        %dma_start3A_111 = tpu.memref_slice %arg12[%dma_start3A_109, %dma_start3A_110] : memref<10240x128xf32, #tpu.memory_space<vmem_shared>> -> memref<10240x128xf32, #tpu.memory_space<vmem_shared>>
        tpu.enqueue_indirect_dma source(%arg8 : memref<128x128xf32, #tpu.memory_space<vmem>>) target(%dma_start3A_111 : memref<10240x128xf32, #tpu.memory_space<vmem_shared>>) offsets(%dma_start3A_108 : memref<128xi32, #tpu.memory_space<vmem>>) semaphore(%run_scoped3A_105 : memref<!tpu.dma_semaphore, #tpu.memory_space<semaphore_mem>>) {add = true}
        %dma_wait3A_112 = arith.constant 0 : i32
        %dma_wait3A_113 = tpu.memref_slice %arg7[%mul3A_70, %dma_wait3A_112] : memref<40x128xi32, #tpu.memory_space<vmem>> -> memref<1x128xi32, #tpu.memory_space<vmem>>
        %dma_wait3A_114 = tpu.memref_squeeze %dma_wait3A_113 : memref<1x128xi32, #tpu.memory_space<vmem>> -> memref<128xi32, #tpu.memory_space<vmem>>
        %dma_wait3A_115 = arith.constant 0 : i32
        %dma_wait3A_116 = arith.constant 0 : i32
        %dma_wait3A_117 = tpu.memref_slice %arg12[%dma_wait3A_115, %dma_wait3A_116] : memref<10240x128xf32, #tpu.memory_space<vmem_shared>> -> memref<10240x128xf32, #tpu.memory_space<vmem_shared>>
        tpu.wait_indirect_dma semaphore(%run_scoped3A_105 : memref<!tpu.dma_semaphore, #tpu.memory_space<semaphore_mem>>) src(%arg8 : memref<128x128xf32, #tpu.memory_space<vmem>>) dst(%dma_wait3A_117 : memref<10240x128xf32, #tpu.memory_space<vmem_shared>>)
        tpu.yield
      }) : () -> ()
      %add3A_85 = arith.constant 2 : i32
      %add3A_86 = arith.addi %mul3A_70, %add3A_85 : i32
      %min3A = arith.constant 39 : i32
      %min3A_87 = arith.minsi %add3A_86, %min3A : i32
      %dma_start3A_88 = arith.constant 0 : i32
      %dma_start3A_89 = tpu.memref_slice %arg6[%min3A_87, %dma_start3A_88] : memref<40x128xi32, #tpu.memory_space<vmem>> -> memref<1x128xi32, #tpu.memory_space<vmem>>
      %dma_start3A_90 = tpu.memref_squeeze %dma_start3A_89 : memref<1x128xi32, #tpu.memory_space<vmem>> -> memref<128xi32, #tpu.memory_space<vmem>>
      %dma_start3A_91 = arith.constant 0 : i32
      %dma_start3A_92 = arith.constant 0 : i32
      %dma_start3A_93 = tpu.memref_slice %arg2[%dma_start3A_91, %dma_start3A_92] : memref<10240x128xf32, #tpu.memory_space<hbm>> -> memref<10240x128xf32, #tpu.memory_space<hbm>>
      tpu.enqueue_indirect_dma source(%dma_start3A_93 : memref<10240x128xf32, #tpu.memory_space<hbm>>) target(%arg8 : memref<128x128xf32, #tpu.memory_space<vmem>>) offsets(%dma_start3A_90 : memref<128xi32, #tpu.memory_space<vmem>>) semaphore(%arg10 : memref<!tpu.dma_semaphore, #tpu.memory_space<semaphore_mem>>)
      %add3A_94 = arith.constant 1 : i32
      %add3A_95 = arith.addi %mul3A_70, %add3A_94 : i32
      %dma_wait3A_96 = arith.constant 0 : i32
      %dma_wait3A_97 = tpu.memref_slice %arg6[%add3A_95, %dma_wait3A_96] : memref<40x128xi32, #tpu.memory_space<vmem>> -> memref<1x128xi32, #tpu.memory_space<vmem>>
      %dma_wait3A_98 = tpu.memref_squeeze %dma_wait3A_97 : memref<1x128xi32, #tpu.memory_space<vmem>> -> memref<128xi32, #tpu.memory_space<vmem>>
      %dma_wait3A_99 = arith.constant 0 : i32
      %dma_wait3A_100 = arith.constant 0 : i32
      %dma_wait3A_101 = tpu.memref_slice %arg2[%dma_wait3A_99, %dma_wait3A_100] : memref<10240x128xf32, #tpu.memory_space<hbm>> -> memref<10240x128xf32, #tpu.memory_space<hbm>>
      tpu.wait_indirect_dma semaphore(%arg11 : memref<!tpu.dma_semaphore, #tpu.memory_space<semaphore_mem>>) src(%dma_wait3A_101 : memref<10240x128xf32, #tpu.memory_space<hbm>>) dst(%arg9 : memref<128x128xf32, #tpu.memory_space<vmem>>)
      %add3A_102 = arith.constant 1 : i32
      %add3A_103 = arith.addi %mul3A_70, %add3A_102 : i32
      "tpu.region"() ({
        %run_scoped3A_105 = tpu.sem_alloc : memref<!tpu.dma_semaphore, #tpu.memory_space<semaphore_mem>>
        %dma_start3A_106 = arith.constant 0 : i32
        %dma_start3A_107 = tpu.memref_slice %arg7[%add3A_103, %dma_start3A_106] : memref<40x128xi32, #tpu.memory_space<vmem>> -> memref<1x128xi32, #tpu.memory_space<vmem>>
        %dma_start3A_108 = tpu.memref_squeeze %dma_start3A_107 : memref<1x128xi32, #tpu.memory_space<vmem>> -> memref<128xi32, #tpu.memory_space<vmem>>
        %dma_start3A_109 = arith.constant 0 : i32
        %dma_start3A_110 = arith.constant 0 : i32
        %dma_start3A_111 = tpu.memref_slice %arg12[%dma_start3A_109, %dma_start3A_110] : memref<10240x128xf32, #tpu.memory_space<vmem_shared>> -> memref<10240x128xf32, #tpu.memory_space<vmem_shared>>
        tpu.enqueue_indirect_dma source(%arg9 : memref<128x128xf32, #tpu.memory_space<vmem>>) target(%dma_start3A_111 : memref<10240x128xf32, #tpu.memory_space<vmem_shared>>) offsets(%dma_start3A_108 : memref<128xi32, #tpu.memory_space<vmem>>) semaphore(%run_scoped3A_105 : memref<!tpu.dma_semaphore, #tpu.memory_space<semaphore_mem>>) {add = true}
        %dma_wait3A_112 = arith.constant 0 : i32
        %dma_wait3A_113 = tpu.memref_slice %arg7[%add3A_103, %dma_wait3A_112] : memref<40x128xi32, #tpu.memory_space<vmem>> -> memref<1x128xi32, #tpu.memory_space<vmem>>
        %dma_wait3A_114 = tpu.memref_squeeze %dma_wait3A_113 : memref<1x128xi32, #tpu.memory_space<vmem>> -> memref<128xi32, #tpu.memory_space<vmem>>
        %dma_wait3A_115 = arith.constant 0 : i32
        %dma_wait3A_116 = arith.constant 0 : i32
        %dma_wait3A_117 = tpu.memref_slice %arg12[%dma_wait3A_115, %dma_wait3A_116] : memref<10240x128xf32, #tpu.memory_space<vmem_shared>> -> memref<10240x128xf32, #tpu.memory_space<vmem_shared>>
        tpu.wait_indirect_dma semaphore(%run_scoped3A_105 : memref<!tpu.dma_semaphore, #tpu.memory_space<semaphore_mem>>) src(%arg9 : memref<128x128xf32, #tpu.memory_space<vmem>>) dst(%dma_wait3A_117 : memref<10240x128xf32, #tpu.memory_space<vmem_shared>>)
        tpu.yield
      }) : () -> ()
      %scan3A_104 = arith.constant 0 : i32
      scf.yield %scan3A_104 : i32
    }
    %scan3A_55 = arith.constant 20 : i32
    %dma_wait3A_56 = arith.constant 39 : i32
    %dma_wait3A_57 = arith.constant 0 : i32
    %dma_wait3A_58 = tpu.memref_slice %arg6[%dma_wait3A_56, %dma_wait3A_57] : memref<40x128xi32, #tpu.memory_space<vmem>> -> memref<1x128xi32, #tpu.memory_space<vmem>>
    %dma_wait3A_59 = tpu.memref_squeeze %dma_wait3A_58 : memref<1x128xi32, #tpu.memory_space<vmem>> -> memref<128xi32, #tpu.memory_space<vmem>>
    %dma_wait3A_60 = arith.constant 0 : i32
    %dma_wait3A_61 = arith.constant 0 : i32
    %dma_wait3A_62 = tpu.memref_slice %arg2[%dma_wait3A_60, %dma_wait3A_61] : memref<10240x128xf32, #tpu.memory_space<hbm>> -> memref<10240x128xf32, #tpu.memory_space<hbm>>
    tpu.wait_indirect_dma semaphore(%arg10 : memref<!tpu.dma_semaphore, #tpu.memory_space<semaphore_mem>>) src(%dma_wait3A_62 : memref<10240x128xf32, #tpu.memory_space<hbm>>) dst(%arg8 : memref<128x128xf32, #tpu.memory_space<vmem>>)
    %barrier3A_63 = arith.constant 0 : index
    tpu.barrier barrier_id(%barrier3A_63)
    %mul3A_64 = arith.constant 10240 : i32
    %mul3A_65 = arith.muli %arg0, %mul3A_64 : i32
    %add3A_66 = arith.addi %mul3A_65, %mul3A_9 : i32
    "tpu.region"() ({
      %run_scoped3A_67 = tpu.sem_alloc : memref<!tpu.dma_semaphore, #tpu.memory_space<semaphore_mem>>
      %dma_start3A_68 = arith.constant 0 : i32
      %dma_start3A_69 = tpu.memref_slice %arg5[%add3A_66, %dma_start3A_68] : memref<20480x128xf32, #tpu.memory_space<hbm>> -> memref<640x128xf32, #tpu.memory_space<hbm>>
      %dma_start3A_70 = arith.constant 0 : i32
      %dma_start3A_71 = tpu.memref_slice %arg12[%mul3A_9, %dma_start3A_70] : memref<10240x128xf32, #tpu.memory_space<vmem_shared>> -> memref<640x128xf32, #tpu.memory_space<vmem_shared>>
      tpu.enqueue_dma source(%dma_start3A_71 : memref<640x128xf32, #tpu.memory_space<vmem_shared>>) target(%dma_start3A_69 : memref<640x128xf32, #tpu.memory_space<hbm>>) target_semaphore(%run_scoped3A_67 : memref<!tpu.dma_semaphore, #tpu.memory_space<semaphore_mem>>)
      %dma_wait3A_72 = arith.constant 0 : i32
      %dma_wait3A_73 = tpu.memref_slice %arg5[%add3A_66, %dma_wait3A_72] : memref<20480x128xf32, #tpu.memory_space<hbm>> -> memref<640x128xf32, #tpu.memory_space<hbm>>
      %dma_wait3A_74 = arith.constant 0 : i32
      %dma_wait3A_75 = tpu.memref_slice %arg12[%mul3A_9, %dma_wait3A_74] : memref<10240x128xf32, #tpu.memory_space<vmem_shared>> -> memref<640x128xf32, #tpu.memory_space<vmem_shared>>
      tpu.wait_dma2 semaphore(%run_scoped3A_67 : memref<!tpu.dma_semaphore, #tpu.memory_space<semaphore_mem>>) src(%dma_wait3A_75 : memref<640x128xf32, #tpu.memory_space<vmem_shared>>) dst(%dma_wait3A_73 : memref<640x128xf32, #tpu.memory_space<hbm>>)
      tpu.yield
    }) : () -> ()
    return
  }
}

#map = affine_map<(d0, d1) -> (0, 0)>
#map1 = affine_map<(d0, d1) -> (0, 0, 0, 0)>
module attributes {stable_mosaic.version = 14 : i64} {
  func.func @_msg_kernel(%arg0: i32, %arg1: i32, %arg2: memref<10240x128xf32, #tpu.memory_space<hbm>>, %arg3: memref<32x2x40x128xi32, #tpu.memory_space<hbm>>, %arg4: memref<32x2x40x128xi32, #tpu.memory_space<hbm>>, %arg5: memref<20480x128xf32, #tpu.memory_space<hbm>>, %arg6: memref<40x128xi32, #tpu.memory_space<vmem>>, %arg7: memref<40x128xi32, #tpu.memory_space<vmem>>, %arg8: memref<128x128xf32, #tpu.memory_space<vmem>>, %arg9: memref<128x128xf32, #tpu.memory_space<vmem>>, %arg10: memref<!tpu.dma_semaphore, #tpu.memory_space<semaphore_mem>>, %arg11: memref<!tpu.dma_semaphore, #tpu.memory_space<semaphore_mem>>, %arg12: memref<10240x128xf32, #tpu.memory_space<vmem_shared>>) attributes {dimension_semantics = [#tpu.dimension_semantics<core_parallel>, #tpu.dimension_semantics<subcore_parallel>], iteration_bounds = array<i64: 2, 16>, scalar_prefetch = 0 : i64, scratch_operands = 7 : i64, tpu.core_type = #tpu.core_type<sc_vector_subcore>, window_params = [{transform_indices = #map}, {transform_indices = #map1}, {transform_indices = #map1}, {transform_indices = #map}]} {
    %mul3A = arith.constant 16 : i32
    %mul3A_0 = arith.muli %arg0, %mul3A : i32
    %add3A = arith.addi %mul3A_0, %arg1 : i32
    %broadcast_in_dim3A = arith.constant 0.000000e+00 : f32
    %broadcast_in_dim3A_1 = vector.broadcast %broadcast_in_dim3A : f32 to vector<16xf32>
    %scan3A = arith.constant 0 : i32
    %scan3A_2 = arith.constant 0 : i32
    %scan3A_3 = arith.constant 128 : i32
    %scan3A_4 = arith.addi %scan3A_2, %scan3A_3 : i32
    %scan3A_5 = arith.constant 1 : i32
    %scan3A_6 = scf.for %scan3A_67 = %scan3A_2 to %scan3A_4 step %scan3A_5 iter_args(%scan3A_68 = %scan3A) -> (i32)  : i32 {
      %swap3A = arith.index_cast %scan3A_67 : i32 to index
      %swap3A_69 = arith.constant 0 : index
      %swap3A_70 = tpu.vector_load %arg8[%swap3A, %swap3A_69] {strides = array<i32>} : memref<128x128xf32, #tpu.memory_space<vmem>>, vector<1x16xf32>,
      %swap3A_71 = vector.shape_cast %swap3A_70 : vector<1x16xf32> to vector<16xf32>
      %swap3A_72 = vector.shape_cast %broadcast_in_dim3A_1 : vector<16xf32> to vector<1x16xf32>
      tpu.vector_store %arg8[%swap3A, %swap3A_69], %swap3A_72 {strides = array<i32>} : memref<128x128xf32, #tpu.memory_space<vmem>>, vector<1x16xf32>,
      %swap3A_73 = arith.index_cast %scan3A_67 : i32 to index
      %swap3A_74 = arith.constant 16 : index
      %swap3A_75 = tpu.vector_load %arg8[%swap3A_73, %swap3A_74] {strides = array<i32>} : memref<128x128xf32, #tpu.memory_space<vmem>>, vector<1x16xf32>,
      %swap3A_76 = vector.shape_cast %swap3A_75 : vector<1x16xf32> to vector<16xf32>
      %swap3A_77 = vector.shape_cast %broadcast_in_dim3A_1 : vector<16xf32> to vector<1x16xf32>
      tpu.vector_store %arg8[%swap3A_73, %swap3A_74], %swap3A_77 {strides = array<i32>} : memref<128x128xf32, #tpu.memory_space<vmem>>, vector<1x16xf32>,
      %swap3A_78 = arith.index_cast %scan3A_67 : i32 to index
      %swap3A_79 = arith.constant 32 : index
      %swap3A_80 = tpu.vector_load %arg8[%swap3A_78, %swap3A_79] {strides = array<i32>} : memref<128x128xf32, #tpu.memory_space<vmem>>, vector<1x16xf32>,
      %swap3A_81 = vector.shape_cast %swap3A_80 : vector<1x16xf32> to vector<16xf32>
      %swap3A_82 = vector.shape_cast %broadcast_in_dim3A_1 : vector<16xf32> to vector<1x16xf32>
      tpu.vector_store %arg8[%swap3A_78, %swap3A_79], %swap3A_82 {strides = array<i32>} : memref<128x128xf32, #tpu.memory_space<vmem>>, vector<1x16xf32>,
      %swap3A_83 = arith.index_cast %scan3A_67 : i32 to index
      %swap3A_84 = arith.constant 48 : index
      %swap3A_85 = tpu.vector_load %arg8[%swap3A_83, %swap3A_84] {strides = array<i32>} : memref<128x128xf32, #tpu.memory_space<vmem>>, vector<1x16xf32>,
      %swap3A_86 = vector.shape_cast %swap3A_85 : vector<1x16xf32> to vector<16xf32>
      %swap3A_87 = vector.shape_cast %broadcast_in_dim3A_1 : vector<16xf32> to vector<1x16xf32>
      tpu.vector_store %arg8[%swap3A_83, %swap3A_84], %swap3A_87 {strides = array<i32>} : memref<128x128xf32, #tpu.memory_space<vmem>>, vector<1x16xf32>,
      %swap3A_88 = arith.index_cast %scan3A_67 : i32 to index
      %swap3A_89 = arith.constant 64 : index
      %swap3A_90 = tpu.vector_load %arg8[%swap3A_88, %swap3A_89] {strides = array<i32>} : memref<128x128xf32, #tpu.memory_space<vmem>>, vector<1x16xf32>,
      %swap3A_91 = vector.shape_cast %swap3A_90 : vector<1x16xf32> to vector<16xf32>
      %swap3A_92 = vector.shape_cast %broadcast_in_dim3A_1 : vector<16xf32> to vector<1x16xf32>
      tpu.vector_store %arg8[%swap3A_88, %swap3A_89], %swap3A_92 {strides = array<i32>} : memref<128x128xf32, #tpu.memory_space<vmem>>, vector<1x16xf32>,
      %swap3A_93 = arith.index_cast %scan3A_67 : i32 to index
      %swap3A_94 = arith.constant 80 : index
      %swap3A_95 = tpu.vector_load %arg8[%swap3A_93, %swap3A_94] {strides = array<i32>} : memref<128x128xf32, #tpu.memory_space<vmem>>, vector<1x16xf32>,
      %swap3A_96 = vector.shape_cast %swap3A_95 : vector<1x16xf32> to vector<16xf32>
      %swap3A_97 = vector.shape_cast %broadcast_in_dim3A_1 : vector<16xf32> to vector<1x16xf32>
      tpu.vector_store %arg8[%swap3A_93, %swap3A_94], %swap3A_97 {strides = array<i32>} : memref<128x128xf32, #tpu.memory_space<vmem>>, vector<1x16xf32>,
      %swap3A_98 = arith.index_cast %scan3A_67 : i32 to index
      %swap3A_99 = arith.constant 96 : index
      %swap3A_100 = tpu.vector_load %arg8[%swap3A_98, %swap3A_99] {strides = array<i32>} : memref<128x128xf32, #tpu.memory_space<vmem>>, vector<1x16xf32>,
      %swap3A_101 = vector.shape_cast %swap3A_100 : vector<1x16xf32> to vector<16xf32>
      %swap3A_102 = vector.shape_cast %broadcast_in_dim3A_1 : vector<16xf32> to vector<1x16xf32>
      tpu.vector_store %arg8[%swap3A_98, %swap3A_99], %swap3A_102 {strides = array<i32>} : memref<128x128xf32, #tpu.memory_space<vmem>>, vector<1x16xf32>,
      %swap3A_103 = arith.index_cast %scan3A_67 : i32 to index
      %swap3A_104 = arith.constant 112 : index
      %swap3A_105 = tpu.vector_load %arg8[%swap3A_103, %swap3A_104] {strides = array<i32>} : memref<128x128xf32, #tpu.memory_space<vmem>>, vector<1x16xf32>,
      %swap3A_106 = vector.shape_cast %swap3A_105 : vector<1x16xf32> to vector<16xf32>
      %swap3A_107 = vector.shape_cast %broadcast_in_dim3A_1 : vector<16xf32> to vector<1x16xf32>
      tpu.vector_store %arg8[%swap3A_103, %swap3A_104], %swap3A_107 {strides = array<i32>} : memref<128x128xf32, #tpu.memory_space<vmem>>, vector<1x16xf32>,
      %scan3A_108 = arith.constant 0 : i32
      scf.yield %scan3A_108 : i32
    }
    %scan3A_7 = arith.constant 128 : i32
    %mul3A_8 = arith.constant 640 : i32
    %mul3A_9 = arith.muli %arg1, %mul3A_8 : i32
    %add3A_10 = arith.constant 0 : i32
    %add3A_11 = arith.addi %mul3A_9, %add3A_10 : i32
    "tpu.region"() ({
      %run_scoped3A_67 = tpu.sem_alloc : memref<!tpu.dma_semaphore, #tpu.memory_space<semaphore_mem>>
      %dma_start3A_68 = arith.constant 0 : i32
      %dma_start3A_69 = tpu.memref_slice %arg12[%add3A_11, %dma_start3A_68] : memref<10240x128xf32, #tpu.memory_space<vmem_shared>> -> memref<128x128xf32, #tpu.memory_space<vmem_shared>>
      %dma_start3A_70 = arith.constant 0 : i32
      %dma_start3A_71 = tpu.memref_slice %arg12[%add3A_11, %dma_start3A_70] : memref<10240x128xf32, #tpu.memory_space<vmem_shared>> -> memref<128x128xf32, #tpu.memory_space<vmem_shared>>
      tpu.enqueue_dma source(%arg8 : memref<128x128xf32, #tpu.memory_space<vmem>>) target(%dma_start3A_71 : memref<128x128xf32, #tpu.memory_space<vmem_shared>>) target_semaphore(%run_scoped3A_67 : memref<!tpu.dma_semaphore, #tpu.memory_space<semaphore_mem>>)
      %dma_wait3A_72 = arith.constant 0 : i32
      %dma_wait3A_73 = tpu.memref_slice %arg12[%add3A_11, %dma_wait3A_72] : memref<10240x128xf32, #tpu.memory_space<vmem_shared>> -> memref<128x128xf32, #tpu.memory_space<vmem_shared>>
      %dma_wait3A_74 = arith.constant 0 : i32
      %dma_wait3A_75 = tpu.memref_slice %arg12[%add3A_11, %dma_wait3A_74] : memref<10240x128xf32, #tpu.memory_space<vmem_shared>> -> memref<128x128xf32, #tpu.memory_space<vmem_shared>>
      tpu.wait_dma2 semaphore(%run_scoped3A_67 : memref<!tpu.dma_semaphore, #tpu.memory_space<semaphore_mem>>) src(%arg8 : memref<128x128xf32, #tpu.memory_space<vmem>>) dst(%dma_wait3A_75 : memref<128x128xf32, #tpu.memory_space<vmem_shared>>)
      tpu.yield
    }) : () -> ()
    %add3A_12 = arith.constant 128 : i32
    %add3A_13 = arith.addi %mul3A_9, %add3A_12 : i32
    "tpu.region"() ({
      %run_scoped3A_67 = tpu.sem_alloc : memref<!tpu.dma_semaphore, #tpu.memory_space<semaphore_mem>>
      %dma_start3A_68 = arith.constant 0 : i32
      %dma_start3A_69 = tpu.memref_slice %arg12[%add3A_13, %dma_start3A_68] : memref<10240x128xf32, #tpu.memory_space<vmem_shared>> -> memref<128x128xf32, #tpu.memory_space<vmem_shared>>
      %dma_start3A_70 = arith.constant 0 : i32
      %dma_start3A_71 = tpu.memref_slice %arg12[%add3A_13, %dma_start3A_70] : memref<10240x128xf32, #tpu.memory_space<vmem_shared>> -> memref<128x128xf32, #tpu.memory_space<vmem_shared>>
      tpu.enqueue_dma source(%arg8 : memref<128x128xf32, #tpu.memory_space<vmem>>) target(%dma_start3A_71 : memref<128x128xf32, #tpu.memory_space<vmem_shared>>) target_semaphore(%run_scoped3A_67 : memref<!tpu.dma_semaphore, #tpu.memory_space<semaphore_mem>>)
      %dma_wait3A_72 = arith.constant 0 : i32
      %dma_wait3A_73 = tpu.memref_slice %arg12[%add3A_13, %dma_wait3A_72] : memref<10240x128xf32, #tpu.memory_space<vmem_shared>> -> memref<128x128xf32, #tpu.memory_space<vmem_shared>>
      %dma_wait3A_74 = arith.constant 0 : i32
      %dma_wait3A_75 = tpu.memref_slice %arg12[%add3A_13, %dma_wait3A_74] : memref<10240x128xf32, #tpu.memory_space<vmem_shared>> -> memref<128x128xf32, #tpu.memory_space<vmem_shared>>
      tpu.wait_dma2 semaphore(%run_scoped3A_67 : memref<!tpu.dma_semaphore, #tpu.memory_space<semaphore_mem>>) src(%arg8 : memref<128x128xf32, #tpu.memory_space<vmem>>) dst(%dma_wait3A_75 : memref<128x128xf32, #tpu.memory_space<vmem_shared>>)
      tpu.yield
    }) : () -> ()
    %add3A_14 = arith.constant 256 : i32
    %add3A_15 = arith.addi %mul3A_9, %add3A_14 : i32
    "tpu.region"() ({
      %run_scoped3A_67 = tpu.sem_alloc : memref<!tpu.dma_semaphore, #tpu.memory_space<semaphore_mem>>
      %dma_start3A_68 = arith.constant 0 : i32
      %dma_start3A_69 = tpu.memref_slice %arg12[%add3A_15, %dma_start3A_68] : memref<10240x128xf32, #tpu.memory_space<vmem_shared>> -> memref<128x128xf32, #tpu.memory_space<vmem_shared>>
      %dma_start3A_70 = arith.constant 0 : i32
      %dma_start3A_71 = tpu.memref_slice %arg12[%add3A_15, %dma_start3A_70] : memref<10240x128xf32, #tpu.memory_space<vmem_shared>> -> memref<128x128xf32, #tpu.memory_space<vmem_shared>>
      tpu.enqueue_dma source(%arg8 : memref<128x128xf32, #tpu.memory_space<vmem>>) target(%dma_start3A_71 : memref<128x128xf32, #tpu.memory_space<vmem_shared>>) target_semaphore(%run_scoped3A_67 : memref<!tpu.dma_semaphore, #tpu.memory_space<semaphore_mem>>)
      %dma_wait3A_72 = arith.constant 0 : i32
      %dma_wait3A_73 = tpu.memref_slice %arg12[%add3A_15, %dma_wait3A_72] : memref<10240x128xf32, #tpu.memory_space<vmem_shared>> -> memref<128x128xf32, #tpu.memory_space<vmem_shared>>
      %dma_wait3A_74 = arith.constant 0 : i32
      %dma_wait3A_75 = tpu.memref_slice %arg12[%add3A_15, %dma_wait3A_74] : memref<10240x128xf32, #tpu.memory_space<vmem_shared>> -> memref<128x128xf32, #tpu.memory_space<vmem_shared>>
      tpu.wait_dma2 semaphore(%run_scoped3A_67 : memref<!tpu.dma_semaphore, #tpu.memory_space<semaphore_mem>>) src(%arg8 : memref<128x128xf32, #tpu.memory_space<vmem>>) dst(%dma_wait3A_75 : memref<128x128xf32, #tpu.memory_space<vmem_shared>>)
      tpu.yield
    }) : () -> ()
    %add3A_16 = arith.constant 384 : i32
    %add3A_17 = arith.addi %mul3A_9, %add3A_16 : i32
    "tpu.region"() ({
      %run_scoped3A_67 = tpu.sem_alloc : memref<!tpu.dma_semaphore, #tpu.memory_space<semaphore_mem>>
      %dma_start3A_68 = arith.constant 0 : i32
      %dma_start3A_69 = tpu.memref_slice %arg12[%add3A_17, %dma_start3A_68] : memref<10240x128xf32, #tpu.memory_space<vmem_shared>> -> memref<128x128xf32, #tpu.memory_space<vmem_shared>>
      %dma_start3A_70 = arith.constant 0 : i32
      %dma_start3A_71 = tpu.memref_slice %arg12[%add3A_17, %dma_start3A_70] : memref<10240x128xf32, #tpu.memory_space<vmem_shared>> -> memref<128x128xf32, #tpu.memory_space<vmem_shared>>
      tpu.enqueue_dma source(%arg8 : memref<128x128xf32, #tpu.memory_space<vmem>>) target(%dma_start3A_71 : memref<128x128xf32, #tpu.memory_space<vmem_shared>>) target_semaphore(%run_scoped3A_67 : memref<!tpu.dma_semaphore, #tpu.memory_space<semaphore_mem>>)
      %dma_wait3A_72 = arith.constant 0 : i32
      %dma_wait3A_73 = tpu.memref_slice %arg12[%add3A_17, %dma_wait3A_72] : memref<10240x128xf32, #tpu.memory_space<vmem_shared>> -> memref<128x128xf32, #tpu.memory_space<vmem_shared>>
      %dma_wait3A_74 = arith.constant 0 : i32
      %dma_wait3A_75 = tpu.memref_slice %arg12[%add3A_17, %dma_wait3A_74] : memref<10240x128xf32, #tpu.memory_space<vmem_shared>> -> memref<128x128xf32, #tpu.memory_space<vmem_shared>>
      tpu.wait_dma2 semaphore(%run_scoped3A_67 : memref<!tpu.dma_semaphore, #tpu.memory_space<semaphore_mem>>) src(%arg8 : memref<128x128xf32, #tpu.memory_space<vmem>>) dst(%dma_wait3A_75 : memref<128x128xf32, #tpu.memory_space<vmem_shared>>)
      tpu.yield
    }) : () -> ()
    %add3A_18 = arith.constant 512 : i32
    %add3A_19 = arith.addi %mul3A_9, %add3A_18 : i32
    "tpu.region"() ({
      %run_scoped3A_67 = tpu.sem_alloc : memref<!tpu.dma_semaphore, #tpu.memory_space<semaphore_mem>>
      %dma_start3A_68 = arith.constant 0 : i32
      %dma_start3A_69 = tpu.memref_slice %arg12[%add3A_19, %dma_start3A_68] : memref<10240x128xf32, #tpu.memory_space<vmem_shared>> -> memref<128x128xf32, #tpu.memory_space<vmem_shared>>
      %dma_start3A_70 = arith.constant 0 : i32
      %dma_start3A_71 = tpu.memref_slice %arg12[%add3A_19, %dma_start3A_70] : memref<10240x128xf32, #tpu.memory_space<vmem_shared>> -> memref<128x128xf32, #tpu.memory_space<vmem_shared>>
      tpu.enqueue_dma source(%arg8 : memref<128x128xf32, #tpu.memory_space<vmem>>) target(%dma_start3A_71 : memref<128x128xf32, #tpu.memory_space<vmem_shared>>) target_semaphore(%run_scoped3A_67 : memref<!tpu.dma_semaphore, #tpu.memory_space<semaphore_mem>>)
      %dma_wait3A_72 = arith.constant 0 : i32
      %dma_wait3A_73 = tpu.memref_slice %arg12[%add3A_19, %dma_wait3A_72] : memref<10240x128xf32, #tpu.memory_space<vmem_shared>> -> memref<128x128xf32, #tpu.memory_space<vmem_shared>>
      %dma_wait3A_74 = arith.constant 0 : i32
      %dma_wait3A_75 = tpu.memref_slice %arg12[%add3A_19, %dma_wait3A_74] : memref<10240x128xf32, #tpu.memory_space<vmem_shared>> -> memref<128x128xf32, #tpu.memory_space<vmem_shared>>
      tpu.wait_dma2 semaphore(%run_scoped3A_67 : memref<!tpu.dma_semaphore, #tpu.memory_space<semaphore_mem>>) src(%arg8 : memref<128x128xf32, #tpu.memory_space<vmem>>) dst(%dma_wait3A_75 : memref<128x128xf32, #tpu.memory_space<vmem_shared>>)
      tpu.yield
    }) : () -> ()
    %barrier3A = arith.constant 0 : index
    tpu.barrier barrier_id(%barrier3A)
    %run_scoped3A = arith.constant 0 : i32
    "tpu.region"() ({
      %run_scoped3A_67 = tpu.sem_alloc : memref<!tpu.dma_semaphore, #tpu.memory_space<semaphore_mem>>
      %dma_start3A_68 = arith.constant 0 : i32
      %dma_start3A_69 = arith.constant 0 : i32
      %dma_start3A_70 = tpu.memref_slice %arg3[%add3A, %run_scoped3A, %dma_start3A_68, %dma_start3A_69] : memref<32x2x40x128xi32, #tpu.memory_space<hbm>> -> memref<1x1x40x128xi32, #tpu.memory_space<hbm>>
      %dma_start3A_71 = tpu.memref_squeeze %dma_start3A_70 : memref<1x1x40x128xi32, #tpu.memory_space<hbm>> -> memref<40x128xi32, #tpu.memory_space<hbm>>
      %dma_start3A_72 = arith.constant 0 : i32
      %dma_start3A_73 = arith.constant 0 : i32
      %dma_start3A_74 = tpu.memref_slice %arg3[%add3A, %run_scoped3A, %dma_start3A_72, %dma_start3A_73] : memref<32x2x40x128xi32, #tpu.memory_space<hbm>> -> memref<1x1x40x128xi32, #tpu.memory_space<hbm>>
      %dma_start3A_75 = tpu.memref_squeeze %dma_start3A_74 : memref<1x1x40x128xi32, #tpu.memory_space<hbm>> -> memref<40x128xi32, #tpu.memory_space<hbm>>
      tpu.enqueue_dma source(%dma_start3A_75 : memref<40x128xi32, #tpu.memory_space<hbm>>) target(%arg6 : memref<40x128xi32, #tpu.memory_space<vmem>>) target_semaphore(%run_scoped3A_67 : memref<!tpu.dma_semaphore, #tpu.memory_space<semaphore_mem>>)
      %dma_wait3A_76 = arith.constant 0 : i32
      %dma_wait3A_77 = arith.constant 0 : i32
      %dma_wait3A_78 = tpu.memref_slice %arg3[%add3A, %run_scoped3A, %dma_wait3A_76, %dma_wait3A_77] : memref<32x2x40x128xi32, #tpu.memory_space<hbm>> -> memref<1x1x40x128xi32, #tpu.memory_space<hbm>>
      %dma_wait3A_79 = tpu.memref_squeeze %dma_wait3A_78 : memref<1x1x40x128xi32, #tpu.memory_space<hbm>> -> memref<40x128xi32, #tpu.memory_space<hbm>>
      %dma_wait3A_80 = arith.constant 0 : i32
      %dma_wait3A_81 = arith.constant 0 : i32
      %dma_wait3A_82 = tpu.memref_slice %arg3[%add3A, %run_scoped3A, %dma_wait3A_80, %dma_wait3A_81] : memref<32x2x40x128xi32, #tpu.memory_space<hbm>> -> memref<1x1x40x128xi32, #tpu.memory_space<hbm>>
      %dma_wait3A_83 = tpu.memref_squeeze %dma_wait3A_82 : memref<1x1x40x128xi32, #tpu.memory_space<hbm>> -> memref<40x128xi32, #tpu.memory_space<hbm>>
      tpu.wait_dma2 semaphore(%run_scoped3A_67 : memref<!tpu.dma_semaphore, #tpu.memory_space<semaphore_mem>>) src(%dma_wait3A_83 : memref<40x128xi32, #tpu.memory_space<hbm>>) dst(%arg6 : memref<40x128xi32, #tpu.memory_space<vmem>>)
      tpu.yield
    }) : () -> ()
    %run_scoped3A_20 = arith.constant 0 : i32
    "tpu.region"() ({
      %run_scoped3A_67 = tpu.sem_alloc : memref<!tpu.dma_semaphore, #tpu.memory_space<semaphore_mem>>
      %dma_start3A_68 = arith.constant 0 : i32
      %dma_start3A_69 = arith.constant 0 : i32
      %dma_start3A_70 = tpu.memref_slice %arg4[%add3A, %run_scoped3A_20, %dma_start3A_68, %dma_start3A_69] : memref<32x2x40x128xi32, #tpu.memory_space<hbm>> -> memref<1x1x40x128xi32, #tpu.memory_space<hbm>>
      %dma_start3A_71 = tpu.memref_squeeze %dma_start3A_70 : memref<1x1x40x128xi32, #tpu.memory_space<hbm>> -> memref<40x128xi32, #tpu.memory_space<hbm>>
      %dma_start3A_72 = arith.constant 0 : i32
      %dma_start3A_73 = arith.constant 0 : i32
      %dma_start3A_74 = tpu.memref_slice %arg4[%add3A, %run_scoped3A_20, %dma_start3A_72, %dma_start3A_73] : memref<32x2x40x128xi32, #tpu.memory_space<hbm>> -> memref<1x1x40x128xi32, #tpu.memory_space<hbm>>
      %dma_start3A_75 = tpu.memref_squeeze %dma_start3A_74 : memref<1x1x40x128xi32, #tpu.memory_space<hbm>> -> memref<40x128xi32, #tpu.memory_space<hbm>>
      tpu.enqueue_dma source(%dma_start3A_75 : memref<40x128xi32, #tpu.memory_space<hbm>>) target(%arg7 : memref<40x128xi32, #tpu.memory_space<vmem>>) target_semaphore(%run_scoped3A_67 : memref<!tpu.dma_semaphore, #tpu.memory_space<semaphore_mem>>)
      %dma_wait3A_76 = arith.constant 0 : i32
      %dma_wait3A_77 = arith.constant 0 : i32
      %dma_wait3A_78 = tpu.memref_slice %arg4[%add3A, %run_scoped3A_20, %dma_wait3A_76, %dma_wait3A_77] : memref<32x2x40x128xi32, #tpu.memory_space<hbm>> -> memref<1x1x40x128xi32, #tpu.memory_space<hbm>>
      %dma_wait3A_79 = tpu.memref_squeeze %dma_wait3A_78 : memref<1x1x40x128xi32, #tpu.memory_space<hbm>> -> memref<40x128xi32, #tpu.memory_space<hbm>>
      %dma_wait3A_80 = arith.constant 0 : i32
      %dma_wait3A_81 = arith.constant 0 : i32
      %dma_wait3A_82 = tpu.memref_slice %arg4[%add3A, %run_scoped3A_20, %dma_wait3A_80, %dma_wait3A_81] : memref<32x2x40x128xi32, #tpu.memory_space<hbm>> -> memref<1x1x40x128xi32, #tpu.memory_space<hbm>>
      %dma_wait3A_83 = tpu.memref_squeeze %dma_wait3A_82 : memref<1x1x40x128xi32, #tpu.memory_space<hbm>> -> memref<40x128xi32, #tpu.memory_space<hbm>>
      tpu.wait_dma2 semaphore(%run_scoped3A_67 : memref<!tpu.dma_semaphore, #tpu.memory_space<semaphore_mem>>) src(%dma_wait3A_83 : memref<40x128xi32, #tpu.memory_space<hbm>>) dst(%arg7 : memref<40x128xi32, #tpu.memory_space<vmem>>)
      tpu.yield
    }) : () -> ()
    %dma_start3A = arith.constant 0 : i32
    %dma_start3A_21 = arith.constant 0 : i32
    %dma_start3A_22 = tpu.memref_slice %arg6[%dma_start3A, %dma_start3A_21] : memref<40x128xi32, #tpu.memory_space<vmem>> -> memref<1x128xi32, #tpu.memory_space<vmem>>
    %dma_start3A_23 = tpu.memref_squeeze %dma_start3A_22 : memref<1x128xi32, #tpu.memory_space<vmem>> -> memref<128xi32, #tpu.memory_space<vmem>>
    %dma_start3A_24 = arith.constant 0 : i32
    %dma_start3A_25 = arith.constant 0 : i32
    %dma_start3A_26 = tpu.memref_slice %arg2[%dma_start3A_24, %dma_start3A_25] : memref<10240x128xf32, #tpu.memory_space<hbm>> -> memref<10240x128xf32, #tpu.memory_space<hbm>>
    tpu.enqueue_indirect_dma source(%dma_start3A_26 : memref<10240x128xf32, #tpu.memory_space<hbm>>) target(%arg8 : memref<128x128xf32, #tpu.memory_space<vmem>>) offsets(%dma_start3A_23 : memref<128xi32, #tpu.memory_space<vmem>>) semaphore(%arg10 : memref<!tpu.dma_semaphore, #tpu.memory_space<semaphore_mem>>)
    %scan3A_27 = arith.constant 0 : i32
    %scan3A_28 = arith.constant 0 : i32
    %scan3A_29 = arith.constant 20 : i32
    %scan3A_30 = arith.addi %scan3A_28, %scan3A_29 : i32
    %scan3A_31 = arith.constant 1 : i32
    %scan3A_32 = scf.for %scan3A_67 = %scan3A_28 to %scan3A_30 step %scan3A_31 iter_args(%scan3A_68 = %scan3A_27) -> (i32)  : i32 {
      %mul3A_69 = arith.constant 2 : i32
      %mul3A_70 = arith.muli %mul3A_69, %scan3A_67 : i32
      %add3A_71 = arith.constant 1 : i32
      %add3A_72 = arith.addi %mul3A_70, %add3A_71 : i32
      %dma_start3A_73 = arith.constant 0 : i32
      %dma_start3A_74 = tpu.memref_slice %arg6[%add3A_72, %dma_start3A_73] : memref<40x128xi32, #tpu.memory_space<vmem>> -> memref<1x128xi32, #tpu.memory_space<vmem>>
      %dma_start3A_75 = tpu.memref_squeeze %dma_start3A_74 : memref<1x128xi32, #tpu.memory_space<vmem>> -> memref<128xi32, #tpu.memory_space<vmem>>
      %dma_start3A_76 = arith.constant 0 : i32
      %dma_start3A_77 = arith.constant 0 : i32
      %dma_start3A_78 = tpu.memref_slice %arg2[%dma_start3A_76, %dma_start3A_77] : memref<10240x128xf32, #tpu.memory_space<hbm>> -> memref<10240x128xf32, #tpu.memory_space<hbm>>
      tpu.enqueue_indirect_dma source(%dma_start3A_78 : memref<10240x128xf32, #tpu.memory_space<hbm>>) target(%arg9 : memref<128x128xf32, #tpu.memory_space<vmem>>) offsets(%dma_start3A_75 : memref<128xi32, #tpu.memory_space<vmem>>) semaphore(%arg11 : memref<!tpu.dma_semaphore, #tpu.memory_space<semaphore_mem>>)
      %dma_wait3A_79 = arith.constant 0 : i32
      %dma_wait3A_80 = tpu.memref_slice %arg6[%mul3A_70, %dma_wait3A_79] : memref<40x128xi32, #tpu.memory_space<vmem>> -> memref<1x128xi32, #tpu.memory_space<vmem>>
      %dma_wait3A_81 = tpu.memref_squeeze %dma_wait3A_80 : memref<1x128xi32, #tpu.memory_space<vmem>> -> memref<128xi32, #tpu.memory_space<vmem>>
      %dma_wait3A_82 = arith.constant 0 : i32
      %dma_wait3A_83 = arith.constant 0 : i32
      %dma_wait3A_84 = tpu.memref_slice %arg2[%dma_wait3A_82, %dma_wait3A_83] : memref<10240x128xf32, #tpu.memory_space<hbm>> -> memref<10240x128xf32, #tpu.memory_space<hbm>>
      tpu.wait_indirect_dma semaphore(%arg10 : memref<!tpu.dma_semaphore, #tpu.memory_space<semaphore_mem>>) src(%dma_wait3A_84 : memref<10240x128xf32, #tpu.memory_space<hbm>>) dst(%arg8 : memref<128x128xf32, #tpu.memory_space<vmem>>)
      "tpu.region"() ({
        %run_scoped3A_105 = tpu.sem_alloc : memref<!tpu.dma_semaphore, #tpu.memory_space<semaphore_mem>>
        %dma_start3A_106 = arith.constant 0 : i32
        %dma_start3A_107 = tpu.memref_slice %arg7[%mul3A_70, %dma_start3A_106] : memref<40x128xi32, #tpu.memory_space<vmem>> -> memref<1x128xi32, #tpu.memory_space<vmem>>
        %dma_start3A_108 = tpu.memref_squeeze %dma_start3A_107 : memref<1x128xi32, #tpu.memory_space<vmem>> -> memref<128xi32, #tpu.memory_space<vmem>>
        %dma_start3A_109 = arith.constant 0 : i32
        %dma_start3A_110 = arith.constant 0 : i32
        %dma_start3A_111 = tpu.memref_slice %arg12[%dma_start3A_109, %dma_start3A_110] : memref<10240x128xf32, #tpu.memory_space<vmem_shared>> -> memref<10240x128xf32, #tpu.memory_space<vmem_shared>>
        tpu.enqueue_indirect_dma source(%arg8 : memref<128x128xf32, #tpu.memory_space<vmem>>) target(%dma_start3A_111 : memref<10240x128xf32, #tpu.memory_space<vmem_shared>>) offsets(%dma_start3A_108 : memref<128xi32, #tpu.memory_space<vmem>>) semaphore(%run_scoped3A_105 : memref<!tpu.dma_semaphore, #tpu.memory_space<semaphore_mem>>) {add = true}
        %dma_wait3A_112 = arith.constant 0 : i32
        %dma_wait3A_113 = tpu.memref_slice %arg7[%mul3A_70, %dma_wait3A_112] : memref<40x128xi32, #tpu.memory_space<vmem>> -> memref<1x128xi32, #tpu.memory_space<vmem>>
        %dma_wait3A_114 = tpu.memref_squeeze %dma_wait3A_113 : memref<1x128xi32, #tpu.memory_space<vmem>> -> memref<128xi32, #tpu.memory_space<vmem>>
        %dma_wait3A_115 = arith.constant 0 : i32
        %dma_wait3A_116 = arith.constant 0 : i32
        %dma_wait3A_117 = tpu.memref_slice %arg12[%dma_wait3A_115, %dma_wait3A_116] : memref<10240x128xf32, #tpu.memory_space<vmem_shared>> -> memref<10240x128xf32, #tpu.memory_space<vmem_shared>>
        tpu.wait_indirect_dma semaphore(%run_scoped3A_105 : memref<!tpu.dma_semaphore, #tpu.memory_space<semaphore_mem>>) src(%arg8 : memref<128x128xf32, #tpu.memory_space<vmem>>) dst(%dma_wait3A_117 : memref<10240x128xf32, #tpu.memory_space<vmem_shared>>)
        tpu.yield
      }) : () -> ()
      %add3A_85 = arith.constant 2 : i32
      %add3A_86 = arith.addi %mul3A_70, %add3A_85 : i32
      %min3A = arith.constant 39 : i32
      %min3A_87 = arith.minsi %add3A_86, %min3A : i32
      %dma_start3A_88 = arith.constant 0 : i32
      %dma_start3A_89 = tpu.memref_slice %arg6[%min3A_87, %dma_start3A_88] : memref<40x128xi32, #tpu.memory_space<vmem>> -> memref<1x128xi32, #tpu.memory_space<vmem>>
      %dma_start3A_90 = tpu.memref_squeeze %dma_start3A_89 : memref<1x128xi32, #tpu.memory_space<vmem>> -> memref<128xi32, #tpu.memory_space<vmem>>
      %dma_start3A_91 = arith.constant 0 : i32
      %dma_start3A_92 = arith.constant 0 : i32
      %dma_start3A_93 = tpu.memref_slice %arg2[%dma_start3A_91, %dma_start3A_92] : memref<10240x128xf32, #tpu.memory_space<hbm>> -> memref<10240x128xf32, #tpu.memory_space<hbm>>
      tpu.enqueue_indirect_dma source(%dma_start3A_93 : memref<10240x128xf32, #tpu.memory_space<hbm>>) target(%arg8 : memref<128x128xf32, #tpu.memory_space<vmem>>) offsets(%dma_start3A_90 : memref<128xi32, #tpu.memory_space<vmem>>) semaphore(%arg10 : memref<!tpu.dma_semaphore, #tpu.memory_space<semaphore_mem>>)
      %add3A_94 = arith.constant 1 : i32
      %add3A_95 = arith.addi %mul3A_70, %add3A_94 : i32
      %dma_wait3A_96 = arith.constant 0 : i32
      %dma_wait3A_97 = tpu.memref_slice %arg6[%add3A_95, %dma_wait3A_96] : memref<40x128xi32, #tpu.memory_space<vmem>> -> memref<1x128xi32, #tpu.memory_space<vmem>>
      %dma_wait3A_98 = tpu.memref_squeeze %dma_wait3A_97 : memref<1x128xi32, #tpu.memory_space<vmem>> -> memref<128xi32, #tpu.memory_space<vmem>>
      %dma_wait3A_99 = arith.constant 0 : i32
      %dma_wait3A_100 = arith.constant 0 : i32
      %dma_wait3A_101 = tpu.memref_slice %arg2[%dma_wait3A_99, %dma_wait3A_100] : memref<10240x128xf32, #tpu.memory_space<hbm>> -> memref<10240x128xf32, #tpu.memory_space<hbm>>
      tpu.wait_indirect_dma semaphore(%arg11 : memref<!tpu.dma_semaphore, #tpu.memory_space<semaphore_mem>>) src(%dma_wait3A_101 : memref<10240x128xf32, #tpu.memory_space<hbm>>) dst(%arg9 : memref<128x128xf32, #tpu.memory_space<vmem>>)
      %add3A_102 = arith.constant 1 : i32
      %add3A_103 = arith.addi %mul3A_70, %add3A_102 : i32
      "tpu.region"() ({
        %run_scoped3A_105 = tpu.sem_alloc : memref<!tpu.dma_semaphore, #tpu.memory_space<semaphore_mem>>
        %dma_start3A_106 = arith.constant 0 : i32
        %dma_start3A_107 = tpu.memref_slice %arg7[%add3A_103, %dma_start3A_106] : memref<40x128xi32, #tpu.memory_space<vmem>> -> memref<1x128xi32, #tpu.memory_space<vmem>>
        %dma_start3A_108 = tpu.memref_squeeze %dma_start3A_107 : memref<1x128xi32, #tpu.memory_space<vmem>> -> memref<128xi32, #tpu.memory_space<vmem>>
        %dma_start3A_109 = arith.constant 0 : i32
        %dma_start3A_110 = arith.constant 0 : i32
        %dma_start3A_111 = tpu.memref_slice %arg12[%dma_start3A_109, %dma_start3A_110] : memref<10240x128xf32, #tpu.memory_space<vmem_shared>> -> memref<10240x128xf32, #tpu.memory_space<vmem_shared>>
        tpu.enqueue_indirect_dma source(%arg9 : memref<128x128xf32, #tpu.memory_space<vmem>>) target(%dma_start3A_111 : memref<10240x128xf32, #tpu.memory_space<vmem_shared>>) offsets(%dma_start3A_108 : memref<128xi32, #tpu.memory_space<vmem>>) semaphore(%run_scoped3A_105 : memref<!tpu.dma_semaphore, #tpu.memory_space<semaphore_mem>>) {add = true}
        %dma_wait3A_112 = arith.constant 0 : i32
        %dma_wait3A_113 = tpu.memref_slice %arg7[%add3A_103, %dma_wait3A_112] : memref<40x128xi32, #tpu.memory_space<vmem>> -> memref<1x128xi32, #tpu.memory_space<vmem>>
        %dma_wait3A_114 = tpu.memref_squeeze %dma_wait3A_113 : memref<1x128xi32, #tpu.memory_space<vmem>> -> memref<128xi32, #tpu.memory_space<vmem>>
        %dma_wait3A_115 = arith.constant 0 : i32
        %dma_wait3A_116 = arith.constant 0 : i32
        %dma_wait3A_117 = tpu.memref_slice %arg12[%dma_wait3A_115, %dma_wait3A_116] : memref<10240x128xf32, #tpu.memory_space<vmem_shared>> -> memref<10240x128xf32, #tpu.memory_space<vmem_shared>>
        tpu.wait_indirect_dma semaphore(%run_scoped3A_105 : memref<!tpu.dma_semaphore, #tpu.memory_space<semaphore_mem>>) src(%arg9 : memref<128x128xf32, #tpu.memory_space<vmem>>) dst(%dma_wait3A_117 : memref<10240x128xf32, #tpu.memory_space<vmem_shared>>)
        tpu.yield
      }) : () -> ()
      %scan3A_104 = arith.constant 0 : i32
      scf.yield %scan3A_104 : i32
    }
    %scan3A_33 = arith.constant 20 : i32
    %dma_wait3A = arith.constant 39 : i32
    %dma_wait3A_34 = arith.constant 0 : i32
    %dma_wait3A_35 = tpu.memref_slice %arg6[%dma_wait3A, %dma_wait3A_34] : memref<40x128xi32, #tpu.memory_space<vmem>> -> memref<1x128xi32, #tpu.memory_space<vmem>>
    %dma_wait3A_36 = tpu.memref_squeeze %dma_wait3A_35 : memref<1x128xi32, #tpu.memory_space<vmem>> -> memref<128xi32, #tpu.memory_space<vmem>>
    %dma_wait3A_37 = arith.constant 0 : i32
    %dma_wait3A_38 = arith.constant 0 : i32
    %dma_wait3A_39 = tpu.memref_slice %arg2[%dma_wait3A_37, %dma_wait3A_38] : memref<10240x128xf32, #tpu.memory_space<hbm>> -> memref<10240x128xf32, #tpu.memory_space<hbm>>
    tpu.wait_indirect_dma semaphore(%arg10 : memref<!tpu.dma_semaphore, #tpu.memory_space<semaphore_mem>>) src(%dma_wait3A_39 : memref<10240x128xf32, #tpu.memory_space<hbm>>) dst(%arg8 : memref<128x128xf32, #tpu.memory_space<vmem>>)
    %run_scoped3A_40 = arith.constant 1 : i32
    "tpu.region"() ({
      %run_scoped3A_67 = tpu.sem_alloc : memref<!tpu.dma_semaphore, #tpu.memory_space<semaphore_mem>>
      %dma_start3A_68 = arith.constant 0 : i32
      %dma_start3A_69 = arith.constant 0 : i32
      %dma_start3A_70 = tpu.memref_slice %arg3[%add3A, %run_scoped3A_40, %dma_start3A_68, %dma_start3A_69] : memref<32x2x40x128xi32, #tpu.memory_space<hbm>> -> memref<1x1x40x128xi32, #tpu.memory_space<hbm>>
      %dma_start3A_71 = tpu.memref_squeeze %dma_start3A_70 : memref<1x1x40x128xi32, #tpu.memory_space<hbm>> -> memref<40x128xi32, #tpu.memory_space<hbm>>
      %dma_start3A_72 = arith.constant 0 : i32
      %dma_start3A_73 = arith.constant 0 : i32
      %dma_start3A_74 = tpu.memref_slice %arg3[%add3A, %run_scoped3A_40, %dma_start3A_72, %dma_start3A_73] : memref<32x2x40x128xi32, #tpu.memory_space<hbm>> -> memref<1x1x40x128xi32, #tpu.memory_space<hbm>>
      %dma_start3A_75 = tpu.memref_squeeze %dma_start3A_74 : memref<1x1x40x128xi32, #tpu.memory_space<hbm>> -> memref<40x128xi32, #tpu.memory_space<hbm>>
      tpu.enqueue_dma source(%dma_start3A_75 : memref<40x128xi32, #tpu.memory_space<hbm>>) target(%arg6 : memref<40x128xi32, #tpu.memory_space<vmem>>) target_semaphore(%run_scoped3A_67 : memref<!tpu.dma_semaphore, #tpu.memory_space<semaphore_mem>>)
      %dma_wait3A_76 = arith.constant 0 : i32
      %dma_wait3A_77 = arith.constant 0 : i32
      %dma_wait3A_78 = tpu.memref_slice %arg3[%add3A, %run_scoped3A_40, %dma_wait3A_76, %dma_wait3A_77] : memref<32x2x40x128xi32, #tpu.memory_space<hbm>> -> memref<1x1x40x128xi32, #tpu.memory_space<hbm>>
      %dma_wait3A_79 = tpu.memref_squeeze %dma_wait3A_78 : memref<1x1x40x128xi32, #tpu.memory_space<hbm>> -> memref<40x128xi32, #tpu.memory_space<hbm>>
      %dma_wait3A_80 = arith.constant 0 : i32
      %dma_wait3A_81 = arith.constant 0 : i32
      %dma_wait3A_82 = tpu.memref_slice %arg3[%add3A, %run_scoped3A_40, %dma_wait3A_80, %dma_wait3A_81] : memref<32x2x40x128xi32, #tpu.memory_space<hbm>> -> memref<1x1x40x128xi32, #tpu.memory_space<hbm>>
      %dma_wait3A_83 = tpu.memref_squeeze %dma_wait3A_82 : memref<1x1x40x128xi32, #tpu.memory_space<hbm>> -> memref<40x128xi32, #tpu.memory_space<hbm>>
      tpu.wait_dma2 semaphore(%run_scoped3A_67 : memref<!tpu.dma_semaphore, #tpu.memory_space<semaphore_mem>>) src(%dma_wait3A_83 : memref<40x128xi32, #tpu.memory_space<hbm>>) dst(%arg6 : memref<40x128xi32, #tpu.memory_space<vmem>>)
      tpu.yield
    }) : () -> ()
    %run_scoped3A_41 = arith.constant 1 : i32
    "tpu.region"() ({
      %run_scoped3A_67 = tpu.sem_alloc : memref<!tpu.dma_semaphore, #tpu.memory_space<semaphore_mem>>
      %dma_start3A_68 = arith.constant 0 : i32
      %dma_start3A_69 = arith.constant 0 : i32
      %dma_start3A_70 = tpu.memref_slice %arg4[%add3A, %run_scoped3A_41, %dma_start3A_68, %dma_start3A_69] : memref<32x2x40x128xi32, #tpu.memory_space<hbm>> -> memref<1x1x40x128xi32, #tpu.memory_space<hbm>>
      %dma_start3A_71 = tpu.memref_squeeze %dma_start3A_70 : memref<1x1x40x128xi32, #tpu.memory_space<hbm>> -> memref<40x128xi32, #tpu.memory_space<hbm>>
      %dma_start3A_72 = arith.constant 0 : i32
      %dma_start3A_73 = arith.constant 0 : i32
      %dma_start3A_74 = tpu.memref_slice %arg4[%add3A, %run_scoped3A_41, %dma_start3A_72, %dma_start3A_73] : memref<32x2x40x128xi32, #tpu.memory_space<hbm>> -> memref<1x1x40x128xi32, #tpu.memory_space<hbm>>
      %dma_start3A_75 = tpu.memref_squeeze %dma_start3A_74 : memref<1x1x40x128xi32, #tpu.memory_space<hbm>> -> memref<40x128xi32, #tpu.memory_space<hbm>>
      tpu.enqueue_dma source(%dma_start3A_75 : memref<40x128xi32, #tpu.memory_space<hbm>>) target(%arg7 : memref<40x128xi32, #tpu.memory_space<vmem>>) target_semaphore(%run_scoped3A_67 : memref<!tpu.dma_semaphore, #tpu.memory_space<semaphore_mem>>)
      %dma_wait3A_76 = arith.constant 0 : i32
      %dma_wait3A_77 = arith.constant 0 : i32
      %dma_wait3A_78 = tpu.memref_slice %arg4[%add3A, %run_scoped3A_41, %dma_wait3A_76, %dma_wait3A_77] : memref<32x2x40x128xi32, #tpu.memory_space<hbm>> -> memref<1x1x40x128xi32, #tpu.memory_space<hbm>>
      %dma_wait3A_79 = tpu.memref_squeeze %dma_wait3A_78 : memref<1x1x40x128xi32, #tpu.memory_space<hbm>> -> memref<40x128xi32, #tpu.memory_space<hbm>>
      %dma_wait3A_80 = arith.constant 0 : i32
      %dma_wait3A_81 = arith.constant 0 : i32
      %dma_wait3A_82 = tpu.memref_slice %arg4[%add3A, %run_scoped3A_41, %dma_wait3A_80, %dma_wait3A_81] : memref<32x2x40x128xi32, #tpu.memory_space<hbm>> -> memref<1x1x40x128xi32, #tpu.memory_space<hbm>>
      %dma_wait3A_83 = tpu.memref_squeeze %dma_wait3A_82 : memref<1x1x40x128xi32, #tpu.memory_space<hbm>> -> memref<40x128xi32, #tpu.memory_space<hbm>>
      tpu.wait_dma2 semaphore(%run_scoped3A_67 : memref<!tpu.dma_semaphore, #tpu.memory_space<semaphore_mem>>) src(%dma_wait3A_83 : memref<40x128xi32, #tpu.memory_space<hbm>>) dst(%arg7 : memref<40x128xi32, #tpu.memory_space<vmem>>)
      tpu.yield
    }) : () -> ()
    %dma_start3A_42 = arith.constant 0 : i32
    %dma_start3A_43 = arith.constant 0 : i32
    %dma_start3A_44 = tpu.memref_slice %arg6[%dma_start3A_42, %dma_start3A_43] : memref<40x128xi32, #tpu.memory_space<vmem>> -> memref<1x128xi32, #tpu.memory_space<vmem>>
    %dma_start3A_45 = tpu.memref_squeeze %dma_start3A_44 : memref<1x128xi32, #tpu.memory_space<vmem>> -> memref<128xi32, #tpu.memory_space<vmem>>
    %dma_start3A_46 = arith.constant 0 : i32
    %dma_start3A_47 = arith.constant 0 : i32
    %dma_start3A_48 = tpu.memref_slice %arg2[%dma_start3A_46, %dma_start3A_47] : memref<10240x128xf32, #tpu.memory_space<hbm>> -> memref<10240x128xf32, #tpu.memory_space<hbm>>
    tpu.enqueue_indirect_dma source(%dma_start3A_48 : memref<10240x128xf32, #tpu.memory_space<hbm>>) target(%arg8 : memref<128x128xf32, #tpu.memory_space<vmem>>) offsets(%dma_start3A_45 : memref<128xi32, #tpu.memory_space<vmem>>) semaphore(%arg10 : memref<!tpu.dma_semaphore, #tpu.memory_space<semaphore_mem>>)
    %scan3A_49 = arith.constant 0 : i32
    %scan3A_50 = arith.constant 0 : i32
    %scan3A_51 = arith.constant 20 : i32
    %scan3A_52 = arith.addi %scan3A_50, %scan3A_51 : i32
    %scan3A_53 = arith.constant 1 : i32
    %scan3A_54 = scf.for %scan3A_67 = %scan3A_50 to %scan3A_52 step %scan3A_53 iter_args(%scan3A_68 = %scan3A_49) -> (i32)  : i32 {
      %mul3A_69 = arith.constant 2 : i32
      %mul3A_70 = arith.muli %mul3A_69, %scan3A_67 : i32
      %add3A_71 = arith.constant 1 : i32
      %add3A_72 = arith.addi %mul3A_70, %add3A_71 : i32
      %dma_start3A_73 = arith.constant 0 : i32
      %dma_start3A_74 = tpu.memref_slice %arg6[%add3A_72, %dma_start3A_73] : memref<40x128xi32, #tpu.memory_space<vmem>> -> memref<1x128xi32, #tpu.memory_space<vmem>>
      %dma_start3A_75 = tpu.memref_squeeze %dma_start3A_74 : memref<1x128xi32, #tpu.memory_space<vmem>> -> memref<128xi32, #tpu.memory_space<vmem>>
      %dma_start3A_76 = arith.constant 0 : i32
      %dma_start3A_77 = arith.constant 0 : i32
      %dma_start3A_78 = tpu.memref_slice %arg2[%dma_start3A_76, %dma_start3A_77] : memref<10240x128xf32, #tpu.memory_space<hbm>> -> memref<10240x128xf32, #tpu.memory_space<hbm>>
      tpu.enqueue_indirect_dma source(%dma_start3A_78 : memref<10240x128xf32, #tpu.memory_space<hbm>>) target(%arg9 : memref<128x128xf32, #tpu.memory_space<vmem>>) offsets(%dma_start3A_75 : memref<128xi32, #tpu.memory_space<vmem>>) semaphore(%arg11 : memref<!tpu.dma_semaphore, #tpu.memory_space<semaphore_mem>>)
      %dma_wait3A_79 = arith.constant 0 : i32
      %dma_wait3A_80 = tpu.memref_slice %arg6[%mul3A_70, %dma_wait3A_79] : memref<40x128xi32, #tpu.memory_space<vmem>> -> memref<1x128xi32, #tpu.memory_space<vmem>>
      %dma_wait3A_81 = tpu.memref_squeeze %dma_wait3A_80 : memref<1x128xi32, #tpu.memory_space<vmem>> -> memref<128xi32, #tpu.memory_space<vmem>>
      %dma_wait3A_82 = arith.constant 0 : i32
      %dma_wait3A_83 = arith.constant 0 : i32
      %dma_wait3A_84 = tpu.memref_slice %arg2[%dma_wait3A_82, %dma_wait3A_83] : memref<10240x128xf32, #tpu.memory_space<hbm>> -> memref<10240x128xf32, #tpu.memory_space<hbm>>
      tpu.wait_indirect_dma semaphore(%arg10 : memref<!tpu.dma_semaphore, #tpu.memory_space<semaphore_mem>>) src(%dma_wait3A_84 : memref<10240x128xf32, #tpu.memory_space<hbm>>) dst(%arg8 : memref<128x128xf32, #tpu.memory_space<vmem>>)
      "tpu.region"() ({
        %run_scoped3A_105 = tpu.sem_alloc : memref<!tpu.dma_semaphore, #tpu.memory_space<semaphore_mem>>
        %dma_start3A_106 = arith.constant 0 : i32
        %dma_start3A_107 = tpu.memref_slice %arg7[%mul3A_70, %dma_start3A_106] : memref<40x128xi32, #tpu.memory_space<vmem>> -> memref<1x128xi32, #tpu.memory_space<vmem>>
        %dma_start3A_108 = tpu.memref_squeeze %dma_start3A_107 : memref<1x128xi32, #tpu.memory_space<vmem>> -> memref<128xi32, #tpu.memory_space<vmem>>
        %dma_start3A_109 = arith.constant 0 : i32
        %dma_start3A_110 = arith.constant 0 : i32
        %dma_start3A_111 = tpu.memref_slice %arg12[%dma_start3A_109, %dma_start3A_110] : memref<10240x128xf32, #tpu.memory_space<vmem_shared>> -> memref<10240x128xf32, #tpu.memory_space<vmem_shared>>
        tpu.enqueue_indirect_dma source(%arg8 : memref<128x128xf32, #tpu.memory_space<vmem>>) target(%dma_start3A_111 : memref<10240x128xf32, #tpu.memory_space<vmem_shared>>) offsets(%dma_start3A_108 : memref<128xi32, #tpu.memory_space<vmem>>) semaphore(%run_scoped3A_105 : memref<!tpu.dma_semaphore, #tpu.memory_space<semaphore_mem>>) {add = true}
        %dma_wait3A_112 = arith.constant 0 : i32
        %dma_wait3A_113 = tpu.memref_slice %arg7[%mul3A_70, %dma_wait3A_112] : memref<40x128xi32, #tpu.memory_space<vmem>> -> memref<1x128xi32, #tpu.memory_space<vmem>>
        %dma_wait3A_114 = tpu.memref_squeeze %dma_wait3A_113 : memref<1x128xi32, #tpu.memory_space<vmem>> -> memref<128xi32, #tpu.memory_space<vmem>>
        %dma_wait3A_115 = arith.constant 0 : i32
        %dma_wait3A_116 = arith.constant 0 : i32
        %dma_wait3A_117 = tpu.memref_slice %arg12[%dma_wait3A_115, %dma_wait3A_116] : memref<10240x128xf32, #tpu.memory_space<vmem_shared>> -> memref<10240x128xf32, #tpu.memory_space<vmem_shared>>
        tpu.wait_indirect_dma semaphore(%run_scoped3A_105 : memref<!tpu.dma_semaphore, #tpu.memory_space<semaphore_mem>>) src(%arg8 : memref<128x128xf32, #tpu.memory_space<vmem>>) dst(%dma_wait3A_117 : memref<10240x128xf32, #tpu.memory_space<vmem_shared>>)
        tpu.yield
      }) : () -> ()
      %add3A_85 = arith.constant 2 : i32
      %add3A_86 = arith.addi %mul3A_70, %add3A_85 : i32
      %min3A = arith.constant 39 : i32
      %min3A_87 = arith.minsi %add3A_86, %min3A : i32
      %dma_start3A_88 = arith.constant 0 : i32
      %dma_start3A_89 = tpu.memref_slice %arg6[%min3A_87, %dma_start3A_88] : memref<40x128xi32, #tpu.memory_space<vmem>> -> memref<1x128xi32, #tpu.memory_space<vmem>>
      %dma_start3A_90 = tpu.memref_squeeze %dma_start3A_89 : memref<1x128xi32, #tpu.memory_space<vmem>> -> memref<128xi32, #tpu.memory_space<vmem>>
      %dma_start3A_91 = arith.constant 0 : i32
      %dma_start3A_92 = arith.constant 0 : i32
      %dma_start3A_93 = tpu.memref_slice %arg2[%dma_start3A_91, %dma_start3A_92] : memref<10240x128xf32, #tpu.memory_space<hbm>> -> memref<10240x128xf32, #tpu.memory_space<hbm>>
      tpu.enqueue_indirect_dma source(%dma_start3A_93 : memref<10240x128xf32, #tpu.memory_space<hbm>>) target(%arg8 : memref<128x128xf32, #tpu.memory_space<vmem>>) offsets(%dma_start3A_90 : memref<128xi32, #tpu.memory_space<vmem>>) semaphore(%arg10 : memref<!tpu.dma_semaphore, #tpu.memory_space<semaphore_mem>>)
      %add3A_94 = arith.constant 1 : i32
      %add3A_95 = arith.addi %mul3A_70, %add3A_94 : i32
      %dma_wait3A_96 = arith.constant 0 : i32
      %dma_wait3A_97 = tpu.memref_slice %arg6[%add3A_95, %dma_wait3A_96] : memref<40x128xi32, #tpu.memory_space<vmem>> -> memref<1x128xi32, #tpu.memory_space<vmem>>
      %dma_wait3A_98 = tpu.memref_squeeze %dma_wait3A_97 : memref<1x128xi32, #tpu.memory_space<vmem>> -> memref<128xi32, #tpu.memory_space<vmem>>
      %dma_wait3A_99 = arith.constant 0 : i32
      %dma_wait3A_100 = arith.constant 0 : i32
      %dma_wait3A_101 = tpu.memref_slice %arg2[%dma_wait3A_99, %dma_wait3A_100] : memref<10240x128xf32, #tpu.memory_space<hbm>> -> memref<10240x128xf32, #tpu.memory_space<hbm>>
      tpu.wait_indirect_dma semaphore(%arg11 : memref<!tpu.dma_semaphore, #tpu.memory_space<semaphore_mem>>) src(%dma_wait3A_101 : memref<10240x128xf32, #tpu.memory_space<hbm>>) dst(%arg9 : memref<128x128xf32, #tpu.memory_space<vmem>>)
      %add3A_102 = arith.constant 1 : i32
      %add3A_103 = arith.addi %mul3A_70, %add3A_102 : i32
      "tpu.region"() ({
        %run_scoped3A_105 = tpu.sem_alloc : memref<!tpu.dma_semaphore, #tpu.memory_space<semaphore_mem>>
        %dma_start3A_106 = arith.constant 0 : i32
        %dma_start3A_107 = tpu.memref_slice %arg7[%add3A_103, %dma_start3A_106] : memref<40x128xi32, #tpu.memory_space<vmem>> -> memref<1x128xi32, #tpu.memory_space<vmem>>
        %dma_start3A_108 = tpu.memref_squeeze %dma_start3A_107 : memref<1x128xi32, #tpu.memory_space<vmem>> -> memref<128xi32, #tpu.memory_space<vmem>>
        %dma_start3A_109 = arith.constant 0 : i32
        %dma_start3A_110 = arith.constant 0 : i32
        %dma_start3A_111 = tpu.memref_slice %arg12[%dma_start3A_109, %dma_start3A_110] : memref<10240x128xf32, #tpu.memory_space<vmem_shared>> -> memref<10240x128xf32, #tpu.memory_space<vmem_shared>>
        tpu.enqueue_indirect_dma source(%arg9 : memref<128x128xf32, #tpu.memory_space<vmem>>) target(%dma_start3A_111 : memref<10240x128xf32, #tpu.memory_space<vmem_shared>>) offsets(%dma_start3A_108 : memref<128xi32, #tpu.memory_space<vmem>>) semaphore(%run_scoped3A_105 : memref<!tpu.dma_semaphore, #tpu.memory_space<semaphore_mem>>) {add = true}
        %dma_wait3A_112 = arith.constant 0 : i32
        %dma_wait3A_113 = tpu.memref_slice %arg7[%add3A_103, %dma_wait3A_112] : memref<40x128xi32, #tpu.memory_space<vmem>> -> memref<1x128xi32, #tpu.memory_space<vmem>>
        %dma_wait3A_114 = tpu.memref_squeeze %dma_wait3A_113 : memref<1x128xi32, #tpu.memory_space<vmem>> -> memref<128xi32, #tpu.memory_space<vmem>>
        %dma_wait3A_115 = arith.constant 0 : i32
        %dma_wait3A_116 = arith.constant 0 : i32
        %dma_wait3A_117 = tpu.memref_slice %arg12[%dma_wait3A_115, %dma_wait3A_116] : memref<10240x128xf32, #tpu.memory_space<vmem_shared>> -> memref<10240x128xf32, #tpu.memory_space<vmem_shared>>
        tpu.wait_indirect_dma semaphore(%run_scoped3A_105 : memref<!tpu.dma_semaphore, #tpu.memory_space<semaphore_mem>>) src(%arg9 : memref<128x128xf32, #tpu.memory_space<vmem>>) dst(%dma_wait3A_117 : memref<10240x128xf32, #tpu.memory_space<vmem_shared>>)
        tpu.yield
      }) : () -> ()
      %scan3A_104 = arith.constant 0 : i32
      scf.yield %scan3A_104 : i32
    }
    %scan3A_55 = arith.constant 20 : i32
    %dma_wait3A_56 = arith.constant 39 : i32
    %dma_wait3A_57 = arith.constant 0 : i32
    %dma_wait3A_58 = tpu.memref_slice %arg6[%dma_wait3A_56, %dma_wait3A_57] : memref<40x128xi32, #tpu.memory_space<vmem>> -> memref<1x128xi32, #tpu.memory_space<vmem>>
    %dma_wait3A_59 = tpu.memref_squeeze %dma_wait3A_58 : memref<1x128xi32, #tpu.memory_space<vmem>> -> memref<128xi32, #tpu.memory_space<vmem>>
    %dma_wait3A_60 = arith.constant 0 : i32
    %dma_wait3A_61 = arith.constant 0 : i32
    %dma_wait3A_62 = tpu.memref_slice %arg2[%dma_wait3A_60, %dma_wait3A_61] : memref<10240x128xf32, #tpu.memory_space<hbm>> -> memref<10240x128xf32, #tpu.memory_space<hbm>>
    tpu.wait_indirect_dma semaphore(%arg10 : memref<!tpu.dma_semaphore, #tpu.memory_space<semaphore_mem>>) src(%dma_wait3A_62 : memref<10240x128xf32, #tpu.memory_space<hbm>>) dst(%arg8 : memref<128x128xf32, #tpu.memory_space<vmem>>)
    %barrier3A_63 = arith.constant 0 : index
    tpu.barrier barrier_id(%barrier3A_63)
    %mul3A_64 = arith.constant 10240 : i32
    %mul3A_65 = arith.muli %arg0, %mul3A_64 : i32
    %add3A_66 = arith.addi %mul3A_65, %mul3A_9 : i32
    "tpu.region"() ({
      %run_scoped3A_67 = tpu.sem_alloc : memref<!tpu.dma_semaphore, #tpu.memory_space<semaphore_mem>>
      %dma_start3A_68 = arith.constant 0 : i32
      %dma_start3A_69 = tpu.memref_slice %arg5[%add3A_66, %dma_start3A_68] : memref<20480x128xf32, #tpu.memory_space<hbm>> -> memref<640x128xf32, #tpu.memory_space<hbm>>
      %dma_start3A_70 = arith.constant 0 : i32
      %dma_start3A_71 = tpu.memref_slice %arg12[%mul3A_9, %dma_start3A_70] : memref<10240x128xf32, #tpu.memory_space<vmem_shared>> -> memref<640x128xf32, #tpu.memory_space<vmem_shared>>
      tpu.enqueue_dma source(%dma_start3A_71 : memref<640x128xf32, #tpu.memory_space<vmem_shared>>) target(%dma_start3A_69 : memref<640x128xf32, #tpu.memory_space<hbm>>) target_semaphore(%run_scoped3A_67 : memref<!tpu.dma_semaphore, #tpu.memory_space<semaphore_mem>>)
      %dma_wait3A_72 = arith.constant 0 : i32
      %dma_wait3A_73 = tpu.memref_slice %arg5[%add3A_66, %dma_wait3A_72] : memref<20480x128xf32, #tpu.memory_space<hbm>> -> memref<640x128xf32, #tpu.memory_space<hbm>>
      %dma_wait3A_74 = arith.constant 0 : i32
      %dma_wait3A_75 = tpu.memref_slice %arg12[%mul3A_9, %dma_wait3A_74] : memref<10240x128xf32, #tpu.memory_space<vmem_shared>> -> memref<640x128xf32, #tpu.memory_space<vmem_shared>>
      tpu.wait_dma2 semaphore(%run_scoped3A_67 : memref<!tpu.dma_semaphore, #tpu.memory_space<semaphore_mem>>) src(%dma_wait3A_75 : memref<640x128xf32, #tpu.memory_space<vmem_shared>>) dst(%dma_wait3A_73 : memref<640x128xf32, #tpu.memory_space<hbm>>)
      tpu.yield
    }) : () -> ()
    return
  }
}

module attributes {stable_mosaic.version = 14 : i64} {
  func.func @_tc0_body(%arg0: i32, %arg1: memref<2x1024xf32, #tpu.memory_space<vmem>>, %arg2: memref<1024x128xf32, #tpu.memory_space<vmem>>, %arg3: memref<1024x128xf32, #tpu.memory_space<vmem>>) attributes {dimension_semantics = [#tpu.dimension_semantics<arbitrary>], iteration_bounds = array<i64: 10>, scalar_prefetch = 0 : i64, scratch_operands = 0 : i64, tpu.core_type = #tpu.core_type<tc>, window_params = [{transform_indices = @transform_0, window_bounds = array<i64: 2, 1024>}, {transform_indices = @transform_1, window_bounds = array<i64: 1024, 128>}, {transform_indices = @transform_2, window_bounds = array<i64: 1024, 128>}]} {
    %get3A = arith.constant 0 : index
    %get3A_0 = arith.constant 0 : index
    %get3A_1 = vector.load %arg1[%get3A, %get3A_0] : memref<2x1024xf32, #tpu.memory_space<vmem>>, vector<1x1024xf32>
    %get3A_2 = vector.shape_cast %get3A_1 : vector<1x1024xf32> to vector<1024xf32>
    %get3A_3 = arith.constant 1 : index
    %get3A_4 = arith.constant 0 : index
    %get3A_5 = vector.load %arg1[%get3A_3, %get3A_4] : memref<2x1024xf32, #tpu.memory_space<vmem>>, vector<1x1024xf32>
    %get3A_6 = vector.shape_cast %get3A_5 : vector<1x1024xf32> to vector<1024xf32>
    %add3A = arith.addf %get3A_2, %get3A_6 : vector<1024xf32>
    %add3A_7 = arith.constant 1.000000e+00 : f32
    %add3A_8 = vector.broadcast %add3A_7 : f32 to vector<1024xf32>
    %add3A_9 = arith.addf %add3A, %add3A_8 : vector<1024xf32>
    %rsqrt3A = math.rsqrt %add3A_9 : vector<1024xf32>
    %broadcast_in_dim3A = vector.shape_cast %rsqrt3A : vector<1024xf32> to vector<1024x1xf32>
    %get3A_10 = arith.constant 0 : index
    %get3A_11 = arith.constant 0 : index
    %get3A_12 = vector.load %arg2[%get3A_10, %get3A_11] : memref<1024x128xf32, #tpu.memory_space<vmem>>, vector<1024x128xf32>
    %mul3A = vector.broadcast %broadcast_in_dim3A : vector<1024x1xf32> to vector<1024x128xf32>
    %mul3A_13 = arith.mulf %mul3A, %get3A_12 : vector<1024x128xf32>
    %swap3A = arith.constant 0 : index
    %swap3A_14 = arith.constant 0 : index
    %swap3A_15 = vector.load %arg3[%swap3A, %swap3A_14] : memref<1024x128xf32, #tpu.memory_space<vmem>>, vector<1024x128xf32>
    tpu.vector_store %arg3[%swap3A, %swap3A_14], %mul3A_13 {strides = array<i32>} : memref<1024x128xf32, #tpu.memory_space<vmem>>, vector<1024x128xf32>,
    return
  }
  func.func @transform_0(%arg0: i32) -> (i32, i32) {
    %c0_i32 = arith.constant 0 : i32
    %c0_i32_0 = arith.constant 0 : i32
    return %c0_i32, %arg0 : i32, i32
  }
  func.func @transform_1(%arg0: i32) -> (i32, i32) {
    %c0_i32 = arith.constant 0 : i32
    %c0_i32_0 = arith.constant 0 : i32
    return %arg0, %c0_i32 : i32, i32
  }
  func.func @transform_2(%arg0: i32) -> (i32, i32) {
    %c0_i32 = arith.constant 0 : i32
    %c0_i32_0 = arith.constant 0 : i32
    return %arg0, %c0_i32 : i32, i32
  }
}

module attributes {stable_mosaic.version = 14 : i64} {
  func.func @_tc1_body(%arg0: i32, %arg1: memref<2x1024xf32, #tpu.memory_space<vmem>>, %arg2: memref<2x1024x128xf32, #tpu.memory_space<vmem>>, %arg3: memref<1024x128xf32, #tpu.memory_space<vmem>>, %arg4: memref<128x256xf32, #tpu.memory_space<vmem>>, %arg5: memref<1x256xf32, #tpu.memory_space<vmem>>, %arg6: memref<1x1xf32, #tpu.memory_space<smem>>, %arg7: memref<256x128xf32, #tpu.memory_space<vmem>>, %arg8: memref<1024x128xf32, #tpu.memory_space<vmem>>) attributes {dimension_semantics = [#tpu.dimension_semantics<arbitrary>], iteration_bounds = array<i64: 10>, scalar_prefetch = 0 : i64, scratch_operands = 0 : i64, tpu.core_type = #tpu.core_type<tc>, window_params = [{transform_indices = @transform_0, window_bounds = array<i64: 2, 1024>}, {transform_indices = @transform_1, window_bounds = array<i64: 2, 1024, 128>}, {transform_indices = @transform_2, window_bounds = array<i64: 1024, 128>}, {pipeline_mode = #tpu.pipeline_mode<synchronous>, transform_indices = @transform_3, window_bounds = array<i64: 128, 256>}, {pipeline_mode = #tpu.pipeline_mode<synchronous>, transform_indices = @transform_4, window_bounds = array<i64: 1, 256>}, {transform_indices = @transform_5, window_bounds = array<i64: 1, 1>}, {pipeline_mode = #tpu.pipeline_mode<synchronous>, transform_indices = @transform_6, window_bounds = array<i64: 256, 128>}, {transform_indices = @transform_7, window_bounds = array<i64: 1024, 128>}]} {
    %get3A = arith.constant 0 : index
    %get3A_0 = arith.constant 0 : index
    %get3A_1 = vector.load %arg1[%get3A, %get3A_0] : memref<2x1024xf32, #tpu.memory_space<vmem>>, vector<1x1024xf32>
    %get3A_2 = vector.shape_cast %get3A_1 : vector<1x1024xf32> to vector<1024xf32>
    %get3A_3 = arith.constant 1 : index
    %get3A_4 = arith.constant 0 : index
    %get3A_5 = vector.load %arg1[%get3A_3, %get3A_4] : memref<2x1024xf32, #tpu.memory_space<vmem>>, vector<1x1024xf32>
    %get3A_6 = vector.shape_cast %get3A_5 : vector<1x1024xf32> to vector<1024xf32>
    %add3A = arith.addf %get3A_2, %get3A_6 : vector<1024xf32>
    %add3A_7 = arith.constant 1.000000e+00 : f32
    %add3A_8 = vector.broadcast %add3A_7 : f32 to vector<1024xf32>
    %add3A_9 = arith.addf %add3A, %add3A_8 : vector<1024xf32>
    %rsqrt3A = math.rsqrt %add3A_9 : vector<1024xf32>
    %broadcast_in_dim3A = vector.shape_cast %rsqrt3A : vector<1024xf32> to vector<1024x1xf32>
    %get3A_10 = arith.constant 0 : index
    %get3A_11 = arith.constant 0 : index
    %get3A_12 = memref.load %arg6[%get3A_10, %get3A_11] : memref<1x1xf32, #tpu.memory_space<smem>>
    %get3A_13 = arith.constant 0 : index
    %get3A_14 = arith.constant 0 : index
    %get3A_15 = arith.constant 0 : index
    %get3A_16 = vector.load %arg2[%get3A_13, %get3A_14, %get3A_15] : memref<2x1024x128xf32, #tpu.memory_space<vmem>>, vector<1x1024x128xf32>
    %get3A_17 = vector.shape_cast %get3A_16 : vector<1x1024x128xf32> to vector<1024x128xf32>
    %get3A_18 = arith.constant 1 : index
    %get3A_19 = arith.constant 0 : index
    %get3A_20 = arith.constant 0 : index
    %get3A_21 = vector.load %arg2[%get3A_18, %get3A_19, %get3A_20] : memref<2x1024x128xf32, #tpu.memory_space<vmem>>, vector<1x1024x128xf32>
    %get3A_22 = vector.shape_cast %get3A_21 : vector<1x1024x128xf32> to vector<1024x128xf32>
    %add3A_23 = arith.addf %get3A_17, %get3A_22 : vector<1024x128xf32>
    %get3A_24 = arith.constant 0 : index
    %get3A_25 = arith.constant 0 : index
    %get3A_26 = vector.load %arg3[%get3A_24, %get3A_25] : memref<1024x128xf32, #tpu.memory_space<vmem>>, vector<1024x128xf32>
    %add3A_27 = arith.addf %add3A_23, %get3A_26 : vector<1024x128xf32>
    %mul3A = vector.broadcast %broadcast_in_dim3A : vector<1024x1xf32> to vector<1024x128xf32>
    %mul3A_28 = arith.mulf %mul3A, %add3A_27 : vector<1024x128xf32>
    %get3A_29 = arith.constant 0 : index
    %get3A_30 = arith.constant 0 : index
    %get3A_31 = vector.load %arg4[%get3A_29, %get3A_30] : memref<128x256xf32, #tpu.memory_space<vmem>>, vector<128x256xf32>
    %dot_general3A = arith.constant dense<0.000000e+00> : vector<1024x256xf32>
    %dot_general3A_32 = tpu.matmul %mul3A_28, %get3A_31, %dot_general3A {dimension_numbers = #tpu.dot_dimension_numbers<[1], [0], [0], [1], [0, 0, 1, 1], [], []>, transpose_lhs_hint = false} : vector<1024x128xf32>, vector<128x256xf32>, vector<1024x256xf32> -> vector<1024x256xf32>
    %get3A_33 = arith.constant 0 : index
    %get3A_34 = arith.constant 0 : index
    %get3A_35 = vector.load %arg5[%get3A_33, %get3A_34] : memref<1x256xf32, #tpu.memory_space<vmem>>, vector<1x256xf32>
    %add3A_36 = vector.broadcast %get3A_35 : vector<1x256xf32> to vector<1024x256xf32>
    %add3A_37 = arith.addf %dot_general3A_32, %add3A_36 : vector<1024x256xf32>
    %ge3A = arith.constant 0.000000e+00 : f32
    %ge3A_38 = vector.broadcast %ge3A : f32 to vector<1024x256xf32>
    %ge3A_39 = arith.cmpf oge, %add3A_37, %ge3A_38 : vector<1024x256xf32>
    %mul3A_40 = vector.broadcast %get3A_12 : f32 to vector<1024x256xf32>
    %mul3A_41 = arith.mulf %mul3A_40, %add3A_37 : vector<1024x256xf32>
    %select_n3A = arith.select %ge3A_39, %add3A_37, %mul3A_41 : vector<1024x256xi1>, vector<1024x256xf32>
    %get3A_42 = arith.constant 0 : index
    %get3A_43 = arith.constant 0 : index
    %get3A_44 = vector.load %arg7[%get3A_42, %get3A_43] : memref<256x128xf32, #tpu.memory_space<vmem>>, vector<256x128xf32>
    %dot_general3A_45 = arith.constant dense<0.000000e+00> : vector<1024x128xf32>
    %dot_general3A_46 = tpu.matmul %select_n3A, %get3A_44, %dot_general3A_45 {dimension_numbers = #tpu.dot_dimension_numbers<[1], [0], [0], [1], [0, 0, 1, 1], [], []>, transpose_lhs_hint = false} : vector<1024x256xf32>, vector<256x128xf32>, vector<1024x128xf32> -> vector<1024x128xf32>
    %mul3A_47 = vector.broadcast %broadcast_in_dim3A : vector<1024x1xf32> to vector<1024x128xf32>
    %mul3A_48 = arith.mulf %mul3A_47, %dot_general3A_46 : vector<1024x128xf32>
    %swap3A = arith.constant 0 : index
    %swap3A_49 = arith.constant 0 : index
    %swap3A_50 = vector.load %arg8[%swap3A, %swap3A_49] : memref<1024x128xf32, #tpu.memory_space<vmem>>, vector<1024x128xf32>
    tpu.vector_store %arg8[%swap3A, %swap3A_49], %mul3A_48 {strides = array<i32>} : memref<1024x128xf32, #tpu.memory_space<vmem>>, vector<1024x128xf32>,
    return
  }
  func.func @transform_0(%arg0: i32) -> (i32, i32) {
    %c0_i32 = arith.constant 0 : i32
    %c0_i32_0 = arith.constant 0 : i32
    return %c0_i32, %arg0 : i32, i32
  }
  func.func @transform_1(%arg0: i32) -> (i32, i32, i32) {
    %c0_i32 = arith.constant 0 : i32
    %c0_i32_0 = arith.constant 0 : i32
    %c0_i32_1 = arith.constant 0 : i32
    return %c0_i32, %arg0, %c0_i32_0 : i32, i32, i32
  }
  func.func @transform_2(%arg0: i32) -> (i32, i32) {
    %c0_i32 = arith.constant 0 : i32
    %c0_i32_0 = arith.constant 0 : i32
    return %arg0, %c0_i32 : i32, i32
  }
  func.func @transform_3(%arg0: i32) -> (i32, i32) {
    %c0_i32 = arith.constant 0 : i32
    %c0_i32_0 = arith.constant 0 : i32
    %c0_i32_1 = arith.constant 0 : i32
    return %c0_i32, %c0_i32_0 : i32, i32
  }
  func.func @transform_4(%arg0: i32) -> (i32, i32) {
    %c0_i32 = arith.constant 0 : i32
    %c0_i32_0 = arith.constant 0 : i32
    %c0_i32_1 = arith.constant 0 : i32
    return %c0_i32, %c0_i32_0 : i32, i32
  }
  func.func @transform_5(%arg0: i32) -> (i32, i32) {
    %c0_i32 = arith.constant 0 : i32
    %c0_i32_0 = arith.constant 0 : i32
    %c0_i32_1 = arith.constant 0 : i32
    return %c0_i32, %c0_i32_0 : i32, i32
  }
  func.func @transform_6(%arg0: i32) -> (i32, i32) {
    %c0_i32 = arith.constant 0 : i32
    %c0_i32_0 = arith.constant 0 : i32
    %c0_i32_1 = arith.constant 0 : i32
    return %c0_i32, %c0_i32_0 : i32, i32
  }
  func.func @transform_7(%arg0: i32) -> (i32, i32) {
    %c0_i32 = arith.constant 0 : i32
    %c0_i32_0 = arith.constant 0 : i32
    return %arg0, %c0_i32 : i32, i32
  }
}

module attributes {stable_mosaic.version = 14 : i64} {
  func.func @_tc2_body(%arg0: i32, %arg1: memref<2x1024xf32, #tpu.memory_space<vmem>>, %arg2: memref<2x1024x128xf32, #tpu.memory_space<vmem>>, %arg3: memref<1024x128xf32, #tpu.memory_space<vmem>>, %arg4: memref<1x128xf32, #tpu.memory_space<vmem>>, %arg5: memref<1x1xf32, #tpu.memory_space<smem>>, %arg6: memref<128x128xf32, #tpu.memory_space<vmem>>, %arg7: memref<1x128xf32, #tpu.memory_space<vmem>>, %arg8: memref<128x128xf32, #tpu.memory_space<vmem>>, %arg9: memref<1x128xf32, #tpu.memory_space<vmem>>, %arg10: memref<1024x128xf32, #tpu.memory_space<vmem>>, %arg11: memref<1024x128xf32, #tpu.memory_space<vmem>>) attributes {dimension_semantics = [#tpu.dimension_semantics<arbitrary>], iteration_bounds = array<i64: 10>, scalar_prefetch = 0 : i64, scratch_operands = 0 : i64, tpu.core_type = #tpu.core_type<tc>, window_params = [{transform_indices = @transform_0, window_bounds = array<i64: 2, 1024>}, {transform_indices = @transform_1, window_bounds = array<i64: 2, 1024, 128>}, {transform_indices = @transform_2, window_bounds = array<i64: 1024, 128>}, {pipeline_mode = #tpu.pipeline_mode<synchronous>, transform_indices = @transform_3, window_bounds = array<i64: 1, 128>}, {transform_indices = @transform_4, window_bounds = array<i64: 1, 1>}, {pipeline_mode = #tpu.pipeline_mode<synchronous>, transform_indices = @transform_5, window_bounds = array<i64: 128, 128>}, {pipeline_mode = #tpu.pipeline_mode<synchronous>, transform_indices = @transform_6, window_bounds = array<i64: 1, 128>}, {pipeline_mode = #tpu.pipeline_mode<synchronous>, transform_indices = @transform_7, window_bounds = array<i64: 128, 128>}, {pipeline_mode = #tpu.pipeline_mode<synchronous>, transform_indices = @transform_8, window_bounds = array<i64: 1, 128>}, {transform_indices = @transform_9, window_bounds = array<i64: 1024, 128>}, {transform_indices = @transform_10, window_bounds = array<i64: 1024, 128>}]} {
    %get3A = arith.constant 0 : index
    %get3A_0 = arith.constant 0 : index
    %get3A_1 = vector.load %arg1[%get3A, %get3A_0] : memref<2x1024xf32, #tpu.memory_space<vmem>>, vector<1x1024xf32>
    %get3A_2 = vector.shape_cast %get3A_1 : vector<1x1024xf32> to vector<1024xf32>
    %get3A_3 = arith.constant 1 : index
    %get3A_4 = arith.constant 0 : index
    %get3A_5 = vector.load %arg1[%get3A_3, %get3A_4] : memref<2x1024xf32, #tpu.memory_space<vmem>>, vector<1x1024xf32>
    %get3A_6 = vector.shape_cast %get3A_5 : vector<1x1024xf32> to vector<1024xf32>
    %add3A = arith.addf %get3A_2, %get3A_6 : vector<1024xf32>
    %add3A_7 = arith.constant 1.000000e+00 : f32
    %add3A_8 = vector.broadcast %add3A_7 : f32 to vector<1024xf32>
    %add3A_9 = arith.addf %add3A, %add3A_8 : vector<1024xf32>
    %rsqrt3A = math.rsqrt %add3A_9 : vector<1024xf32>
    %broadcast_in_dim3A = vector.shape_cast %rsqrt3A : vector<1024xf32> to vector<1024x1xf32>
    %get3A_10 = arith.constant 0 : index
    %get3A_11 = arith.constant 0 : index
    %get3A_12 = memref.load %arg5[%get3A_10, %get3A_11] : memref<1x1xf32, #tpu.memory_space<smem>>
    %get3A_13 = arith.constant 0 : index
    %get3A_14 = arith.constant 0 : index
    %get3A_15 = arith.constant 0 : index
    %get3A_16 = vector.load %arg2[%get3A_13, %get3A_14, %get3A_15] : memref<2x1024x128xf32, #tpu.memory_space<vmem>>, vector<1x1024x128xf32>
    %get3A_17 = vector.shape_cast %get3A_16 : vector<1x1024x128xf32> to vector<1024x128xf32>
    %get3A_18 = arith.constant 1 : index
    %get3A_19 = arith.constant 0 : index
    %get3A_20 = arith.constant 0 : index
    %get3A_21 = vector.load %arg2[%get3A_18, %get3A_19, %get3A_20] : memref<2x1024x128xf32, #tpu.memory_space<vmem>>, vector<1x1024x128xf32>
    %get3A_22 = vector.shape_cast %get3A_21 : vector<1x1024x128xf32> to vector<1024x128xf32>
    %add3A_23 = arith.addf %get3A_17, %get3A_22 : vector<1024x128xf32>
    %get3A_24 = arith.constant 0 : index
    %get3A_25 = arith.constant 0 : index
    %get3A_26 = vector.load %arg3[%get3A_24, %get3A_25] : memref<1024x128xf32, #tpu.memory_space<vmem>>, vector<1024x128xf32>
    %add3A_27 = arith.addf %add3A_23, %get3A_26 : vector<1024x128xf32>
    %mul3A = vector.broadcast %broadcast_in_dim3A : vector<1024x1xf32> to vector<1024x128xf32>
    %mul3A_28 = arith.mulf %mul3A, %add3A_27 : vector<1024x128xf32>
    %get3A_29 = arith.constant 0 : index
    %get3A_30 = arith.constant 0 : index
    %get3A_31 = vector.load %arg4[%get3A_29, %get3A_30] : memref<1x128xf32, #tpu.memory_space<vmem>>, vector<1x128xf32>
    %add3A_32 = vector.broadcast %get3A_31 : vector<1x128xf32> to vector<1024x128xf32>
    %add3A_33 = arith.addf %mul3A_28, %add3A_32 : vector<1024x128xf32>
    %ge3A = arith.constant 0.000000e+00 : f32
    %ge3A_34 = vector.broadcast %ge3A : f32 to vector<1024x128xf32>
    %ge3A_35 = arith.cmpf oge, %add3A_33, %ge3A_34 : vector<1024x128xf32>
    %mul3A_36 = vector.broadcast %get3A_12 : f32 to vector<1024x128xf32>
    %mul3A_37 = arith.mulf %mul3A_36, %add3A_33 : vector<1024x128xf32>
    %select_n3A = arith.select %ge3A_35, %add3A_33, %mul3A_37 : vector<1024x128xi1>, vector<1024x128xf32>
    %swap3A = arith.constant 0 : index
    %swap3A_38 = arith.constant 0 : index
    %swap3A_39 = vector.load %arg10[%swap3A, %swap3A_38] : memref<1024x128xf32, #tpu.memory_space<vmem>>, vector<1024x128xf32>
    tpu.vector_store %arg10[%swap3A, %swap3A_38], %select_n3A {strides = array<i32>} : memref<1024x128xf32, #tpu.memory_space<vmem>>, vector<1024x128xf32>,
    %get3A_40 = arith.constant 0 : index
    %get3A_41 = arith.constant 0 : index
    %get3A_42 = vector.load %arg6[%get3A_40, %get3A_41] : memref<128x128xf32, #tpu.memory_space<vmem>>, vector<128x128xf32>
    %dot_general3A = arith.constant dense<0.000000e+00> : vector<1024x128xf32>
    %dot_general3A_43 = tpu.matmul %select_n3A, %get3A_42, %dot_general3A {dimension_numbers = #tpu.dot_dimension_numbers<[1], [0], [0], [1], [0, 0, 1, 1], [], []>, transpose_lhs_hint = false} : vector<1024x128xf32>, vector<128x128xf32>, vector<1024x128xf32> -> vector<1024x128xf32>
    %get3A_44 = arith.constant 0 : index
    %get3A_45 = arith.constant 0 : index
    %get3A_46 = vector.load %arg7[%get3A_44, %get3A_45] : memref<1x128xf32, #tpu.memory_space<vmem>>, vector<1x128xf32>
    %add3A_47 = vector.broadcast %get3A_46 : vector<1x128xf32> to vector<1024x128xf32>
    %add3A_48 = arith.addf %dot_general3A_43, %add3A_47 : vector<1024x128xf32>
    %max3A = arith.constant 0.000000e+00 : f32
    %max3A_49 = vector.broadcast %max3A : f32 to vector<1024x128xf32>
    %max3A_50 = arith.maximumf %add3A_48, %max3A_49 : vector<1024x128xf32>
    %get3A_51 = arith.constant 0 : index
    %get3A_52 = arith.constant 0 : index
    %get3A_53 = vector.load %arg8[%get3A_51, %get3A_52] : memref<128x128xf32, #tpu.memory_space<vmem>>, vector<128x128xf32>
    %dot_general3A_54 = arith.constant dense<0.000000e+00> : vector<1024x128xf32>
    %dot_general3A_55 = tpu.matmul %max3A_50, %get3A_53, %dot_general3A_54 {dimension_numbers = #tpu.dot_dimension_numbers<[1], [0], [0], [1], [0, 0, 1, 1], [], []>, transpose_lhs_hint = false} : vector<1024x128xf32>, vector<128x128xf32>, vector<1024x128xf32> -> vector<1024x128xf32>
    %get3A_56 = arith.constant 0 : index
    %get3A_57 = arith.constant 0 : index
    %get3A_58 = vector.load %arg9[%get3A_56, %get3A_57] : memref<1x128xf32, #tpu.memory_space<vmem>>, vector<1x128xf32>
    %add3A_59 = vector.broadcast %get3A_58 : vector<1x128xf32> to vector<1024x128xf32>
    %add3A_60 = arith.addf %dot_general3A_55, %add3A_59 : vector<1024x128xf32>
    %swap3A_61 = arith.constant 0 : index
    %swap3A_62 = arith.constant 0 : index
    %swap3A_63 = vector.load %arg11[%swap3A_61, %swap3A_62] : memref<1024x128xf32, #tpu.memory_space<vmem>>, vector<1024x128xf32>
    tpu.vector_store %arg11[%swap3A_61, %swap3A_62], %add3A_60 {strides = array<i32>} : memref<1024x128xf32, #tpu.memory_space<vmem>>, vector<1024x128xf32>,
    return
  }
  func.func @transform_0(%arg0: i32) -> (i32, i32) {
    %c0_i32 = arith.constant 0 : i32
    %c0_i32_0 = arith.constant 0 : i32
    return %c0_i32, %arg0 : i32, i32
  }
  func.func @transform_1(%arg0: i32) -> (i32, i32, i32) {
    %c0_i32 = arith.constant 0 : i32
    %c0_i32_0 = arith.constant 0 : i32
    %c0_i32_1 = arith.constant 0 : i32
    return %c0_i32, %arg0, %c0_i32_0 : i32, i32, i32
  }
  func.func @transform_2(%arg0: i32) -> (i32, i32) {
    %c0_i32 = arith.constant 0 : i32
    %c0_i32_0 = arith.constant 0 : i32
    return %arg0, %c0_i32 : i32, i32
  }
  func.func @transform_3(%arg0: i32) -> (i32, i32) {
    %c0_i32 = arith.constant 0 : i32
    %c0_i32_0 = arith.constant 0 : i32
    %c0_i32_1 = arith.constant 0 : i32
    return %c0_i32, %c0_i32_0 : i32, i32
  }
  func.func @transform_4(%arg0: i32) -> (i32, i32) {
    %c0_i32 = arith.constant 0 : i32
    %c0_i32_0 = arith.constant 0 : i32
    %c0_i32_1 = arith.constant 0 : i32
    return %c0_i32, %c0_i32_0 : i32, i32
  }
  func.func @transform_5(%arg0: i32) -> (i32, i32) {
    %c0_i32 = arith.constant 0 : i32
    %c0_i32_0 = arith.constant 0 : i32
    %c0_i32_1 = arith.constant 0 : i32
    return %c0_i32, %c0_i32_0 : i32, i32
  }
  func.func @transform_6(%arg0: i32) -> (i32, i32) {
    %c0_i32 = arith.constant 0 : i32
    %c0_i32_0 = arith.constant 0 : i32
    %c0_i32_1 = arith.constant 0 : i32
    return %c0_i32, %c0_i32_0 : i32, i32
  }
  func.func @transform_7(%arg0: i32) -> (i32, i32) {
    %c0_i32 = arith.constant 0 : i32
    %c0_i32_0 = arith.constant 0 : i32
    %c0_i32_1 = arith.constant 0 : i32
    return %c0_i32, %c0_i32_0 : i32, i32
  }
  func.func @transform_8(%arg0: i32) -> (i32, i32) {
    %c0_i32 = arith.constant 0 : i32
    %c0_i32_0 = arith.constant 0 : i32
    %c0_i32_1 = arith.constant 0 : i32
    return %c0_i32, %c0_i32_0 : i32, i32
  }
  func.func @transform_9(%arg0: i32) -> (i32, i32) {
    %c0_i32 = arith.constant 0 : i32
    %c0_i32_0 = arith.constant 0 : i32
    return %arg0, %c0_i32 : i32, i32
  }
  func.func @transform_10(%arg0: i32) -> (i32, i32) {
    %c0_i32 = arith.constant 0 : i32
    %c0_i32_0 = arith.constant 0 : i32
    return %arg0, %c0_i32 : i32, i32
  }
}

</mosaic_0001>

<sc_bundles>
// kernel: kernel.11.cloned.1.call-start
scs
__scs_entry_jumppad:
0x0: {  	(pc) =	sbr.rel $0x88, $3  }
0x1: {  	(tag) =	ssettag $0x0;
	lr =	simm.s32 $0x1  }
0x2: {  	[smem:$0x3F96] =	sst lr;
	_ =	strace $0xD0000000  }
0x3: {  	_ = 	snop  }
0x4: {  	_ = 	snop  }
0x5: {  	_ = 	snop  }
0x6: {  	_ = 	snop  }
0x7: {  	_ = 	snop  }
__scs_overlays_trampoline_lowered:
0x8: {  	[smem:$0x3FA5] =	sst s0  }
0x9: {  	[smem:$0x3FA6] =	sst s1  }
0xa: {  	[smem:$0x3FA7] =	sst s2  }
0xb: {  	[smem:$0x3FA8] =	sst s3  }
0xc: {  	[smem:$0x3FA9] =	sst s4  }
0xd: {  	[smem:$0x3FAA] =	sst s5  }
0xe: {  	[smem:$0x3FAB] =	sst s6  }
0xf: {  	[smem:$0x3FAC] =	sst s7  }
0x10: {  	[smem:$0x3FAD] =	sst s8  }
0x11: {  	[smem:$0x3FAE] =	sst s9;
	s0 =	simm.s32 @!p0 $0x0  }
0x12: {  	s1 =	sld [smem:$0x3F94];
	s0 =	simm.s32 @p0 $0x1  }
0x13: {  	[smem:$0x3FAF] =	sst s0;
	s0 =	simm.s32 @!p1 $0x0  }
0x14: {  	s2 =	sld [smem:$0x3F93];
	s0 =	simm.s32 @p1 $0x1  }
0x15: {  	[smem:$0x3FB0] =	sst s0;
	s0 =	simm.s32 @!p2 $0x0  }
0x16: {  	s3 =	sld [smem:$0x3FDB];
	s0 =	simm.s32 @p2 $0x1  }
0x17: {  	s4 =	simm.s32 $0x1BF5;
	[smem:$0x3FB2] =	sst s0  }
0x18: {  	s0 =	sld [smem:$0x3F95];
	_ =	swait.ge [sflag:s4], $0x0  }
0x19: {  	s7 =	sld [smem:$0x3F96]  }
0x1a: {  	s8 =	sadd.s32 $0xFFFFE003, lr  }
0x1b: {  	s9 =	sadd.s32 $0xFFFFFEF7, lr;
	s5 =	simm.s32 $0xFFFFFFFF;
	p2 =	slt.u32 s8, $0xFFFFF086  }
0x1c: {  	p1 =	slt.u32 s9, $0xF7A;
	s5 =	simm.s32 @!p2 $0x0  }
0x1d: {  	s5 =	simm.s32 @p1 $0x1;
	p0 =	seq.s32 s7, s2  }
0x1e: {  	s7 =	smul.u32 @!p0 $0xF7A, s2;
	p2 =	seq.s32 @!p0 s5, $0x0  }
0x1f: {  	s9 =	smul.u32 $0xF7A, s1;
	s8 =	simm.s32 @!p0 $0x1BF5;
	p2 =	por !p2, p0  }
0x20: {  	[sflag:s8] =	ssyncset.s32 @!p0 $0xFFFFF086;
	s6 =	sadd.s32 @!p0 s3, s7;
	s7 =	simm.s32 @!p0 $0x108  }
0x21: {  	s3 =	sadd.s32 s3, s9;
	s6 =	sadd.s32 @!p0 $0x88, s6;
	s7 =	simm.s32 @p2 $0x1082  }
0x22: {  	[simem:s7], [sflag:s8] =	dma.local @!p0 [hbm:s6], $0xF7A  }
0x23: {  	s9 =	sor.u32 $0xD0000000, s2;
	s6 =	simm.s32 $0x108;
	_ =	swait.ge @!p0 [sflag:s8], $0x0  }
0x24: {  	s3 =	sadd.s32 $0x88, s3;
	s6 =	simm.s32 @!p1 $0x1082;
	[sflag:s4] =	ssyncset.s32 $0xFFFFF086  }
0x25: {  	[simem:s6], [sflag:s4] =	dma.local [hbm:s3], $0xF7A  }
0x26: {  	[smem:$0x3F96] =	sst s1;
	(tag) =	ssettag s2;
	_ =	strace s9  }
0x27: {  	s1 =	sld [smem:$0x3FA6]  }
0x28: {  	s2 =	sld [smem:$0x3FA7]  }
0x29: {  	s4 =	sld [smem:$0x3FA9]  }
0x2a: {  	p0 =	seq.s32 s5, $0x0;
	s5 =	sld [smem:$0x3FAA]  }
0x2b: {  	s6 =	sld [smem:$0x3FAB]  }
0x2c: {  	s7 =	sld [smem:$0x3FAC]  }
0x2d: {  	s3 =	simm.s32 $0x108;
	s8 =	sld [smem:$0x3FAD]  }
0x2e: {  	s3 =	simm.s32 @!p0 $0x1082;
	s9 =	sld [smem:$0x3FAE]  }
0x2f: {  	lr =	sadd.s32 s0, s3;
	s0 =	sld [smem:$0x3FA5]  }
0x30: {  	s3 =	sld [smem:$0x3FA8]  }
0x31: {  	[smem:$0x3FB1] =	sst s10  }
0x32: {  	s10 =	sld [smem:$0x3FAF];
	_ =	sdelay $0x3  }
0x33: {  	p0 =	seq.s32 s10, $0x1;
	s10 =	sld [smem:$0x3FB1];
	_ =	sdelay $0x3  }
0x34: {  	[smem:$0x3FB1] =	sst s10  }
0x35: {  	s10 =	sld [smem:$0x3FB0];
	_ =	sdelay $0x3  }
0x36: {  	p1 =	seq.s32 s10, $0x1;
	s10 =	sld [smem:$0x3FB1];
	_ =	sdelay $0x3  }
0x37: {  	[smem:$0x3FB1] =	sst s10  }
0x38: {  	s10 =	sld [smem:$0x3FB2]  }
0x39: {  	_ = 	snop;
	(pc) =	sbr.ind lr, $3  }
0x3a: {  	_ = 	snop  }
0x3b: {  	_ = 	snop  }
0x3c: {  	p2 =	seq.s32 s10, $0x1;
	s10 =	sld [smem:$0x3FB1]  }
0x3d: {  	_ =	shalt  }
0x3e: {  	_ =	shalt  }
0x3f: {  	_ =	shalt  }
0x40: {  	_ =	shalt  }
0x41: {  	_ =	shalt  }
0x42: {  	_ =	shalt  }
0x43: {  	_ =	shalt  }
0x44: {  	_ =	shalt  }
0x45: {  	_ =	shalt  }
0x46: {  	_ =	shalt  }
0x47: {  	_ =	shalt  }
0x48: {  	_ =	shalt  }
0x49: {  	_ =	shalt  }
0x4a: {  	_ =	shalt  }
0x4b: {  	_ =	shalt  }
0x4c: {  	_ =	shalt  }
0x4d: {  	_ =	shalt  }
0x4e: {  	_ =	shalt  }
0x4f: {  	_ =	shalt  }
0x50: {  	_ =	shalt  }
0x51: {  	_ =	shalt  }
0x52: {  	_ =	shalt  }
0x53: {  	_ =	shalt  }
0x54: {  	_ =	shalt  }
0x55: {  	_ =	shalt  }
0x56: {  	_ =	shalt  }
0x57: {  	_ =	shalt  }
0x58: {  	_ =	shalt  }
0x59: {  	_ =	shalt  }
0x5a: {  	_ =	shalt  }
0x5b: {  	_ =	shalt  }
0x5c: {  	_ =	shalt  }
0x5d: {  	_ =	shalt  }
0x5e: {  	_ =	shalt  }
0x5f: {  	_ =	shalt  }
0x60: {  	_ =	shalt  }
0x61: {  	_ =	shalt  }
0x62: {  	_ =	shalt  }
0x63: {  	_ =	shalt  }
0x64: {  	_ =	shalt  }
0x65: {  	_ =	shalt  }
0x66: {  	_ =	shalt  }
0x67: {  	_ =	shalt  }
0x68: {  	_ =	shalt  }
0x69: {  	_ =	shalt  }
0x6a: {  	_ =	shalt  }
0x6b: {  	_ =	shalt  }
0x6c: {  	_ =	shalt  }
0x6d: {  	_ =	shalt  }
0x6e: {  	_ =	shalt  }
0x6f: {  	_ =	shalt  }
0x70: {  	_ =	shalt  }
0x71: {  	_ =	shalt  }
0x72: {  	_ =	shalt  }
0x73: {  	_ =	shalt  }
0x74: {  	_ =	shalt  }
0x75: {  	_ =	shalt  }
0x76: {  	_ =	shalt  }
0x77: {  	_ =	shalt  }
0x78: {  	_ =	shalt  }
0x79: {  	_ =	shalt  }
0x7a: {  	_ =	shalt  }
0x7b: {  	_ =	shalt  }
0x7c: {  	_ =	shalt  }
0x7d: {  	_ =	shalt  }
0x7e: {  	_ =	shalt  }
0x7f: {  	_ =	shalt  }
0x80: {  	_ =	shalt  }
0x81: {  	_ =	shalt  }
0x82: {  	_ =	shalt  }
0x83: {  	_ =	shalt  }
0x84: {  	_ =	shalt  }
0x85: {  	_ =	shalt  }
0x86: {  	_ =	shalt  }
0x87: {  	_ =	shalt  }
.Lfunc_end0:
.L_simem_size_0:
called_computation.1_lowered:
.L_overlay_start_0:
0x88: {  	s2 =	sld [smem:$0x3FD9]  }
0x89: {  	s3 =	sld [smem:$0x3FFE];
	_ =	sdelay $0x1  }
0x8a: {  	s1 =	srdreg.scid  }
0x8b: {  	s0 =	sand.u32 $0x1, s1  }
0x8c: {  	s14 =	sshll.u32 s0, $0xA;
	s2 =	sadd.s32 s3, s2  }
0x8d: {  	s2 =	sadd.s32 s2, s14  }
0x8e: {  	[smem:$0x3FBD] =	sst s2  }
0x8f: {  	_ = 	snop  }
0x90: {  	s2 =	sld [smem:$0x3FD0];
	_ =	sdelay $0x2  }
0x91: {  	s15 =	simm.s32 $0xA;
	s4 =	simm.s32 $0x10  }
0x92: {  	[smem:s4], [sflag:s15] =	dma.local [hbm:s2], $0x1  }
0x93: {  	_ =	swait.eq [sflag:s15], $0x1  }
0x94: {  	[sflag:s15] =	ssyncset.done $0x0  }
0x95: {  	s16 =	sld [smem:$0x10];
	[sflag:s15] =	ssyncadd.s32 $0xFFFFFFFF  }
0x96: {  	s17 =	sld [smem:$0x11];
	(tm) =	ssettm $0x1  }
0x97: {  	s18 =	sld [smem:$0x3FFB];
	_ =	sdelay $0x3  }
0x98: {  	_ =	strace s18  }
0x99: {  	s4 =	sld [smem:$0x3FFC];
	_ =	sdelay $0x3  }
0x9a: {  	_ =	strace s4  }
0x9b: {  	s4 =	sld [smem:$0x3FFD];
	_ =	sdelay $0x3  }
0x9c: {  	_ =	strace s4  }
0x9d: {  	_ =	strace $0x8FFFFFFF  }
0x9e: {  	s19 =	sld [smem:$0x3FDB];
	_ =	sdelay $0x1  }
0x9f: {  	s5 =	simm.s32 $_scs_section_size  }
0xa0: {  	s6 =	simm.s32 $_size__tile_overlayer_lowered;
	s7 =	simm.s32 $_tile_overlayer_lowered  }
0xa1: {  	s22 =	simm.s32 $0x1BFF;
	s21 =	sshll.u32 s7, $0x1;
	s4 =	sadd.s32 s5, s19  }
0xa2: {  	s8 =	simm.s32 $0x0;
	s20 =	sshll.u32 s6, $0x1;
	s6 =	sadd.s32 s21, s4  }
0xa3: {  	[timem:s8], [sflag:s22] =	dma.local [hbm:s6], s20  }
0xa4: {  	_ =	swait.ge [sflag:s22], s20  }
0xa5: {  	s5 =	ssub.s32 $0x0, s20;
	[sflag:s22] =	ssyncset.done $0x0  }
0xa6: {  	[sflag:s22] =	ssyncadd.s32 s5;
	_ =	sdelay $0x1  }
0xa7: {  	s23 =	simm.s32 $0x1B8B  }
0xa8: {  	_ =	swait.ge [sflag:s23], $0x1  }
0xa9: {  	[sflag:s23] =	ssyncset.done $0x0  }
0xaa: {  	s25 =	simm.s32 $0x1B8E;
	s24 =	sld [smem:$0x3FFE];
	[sflag:s23] =	ssyncadd.s32 $0xFFFFFFFF  }
0xab: {  	s26 =	simm.s32 $execute0_lowered;
	[smem:$0x3FD2] =	sst s25  }
0xac: {  	s6 =	sshll.u32 s26, $0x1;
	_ =	strace $0x80000049;
	[dreg:$0x1] =	wrdreg $0xFFFFFFFF  }
0xad: {  	s28 =	simm.s32 $_size_execute0_lowered;
	s4 =	sadd.s32 s4, s6;
	[dreg:$0x0] =	wrdreg $0x0  }
0xae: {  	s6 =	sshll.u32 s28, $0x1;
	[dreg:$0x2] =	wrdreg s4  }
0xaf: {  	[dreg:$0x3] =	wrdreg s6  }
0xb0: {  	[dreg:$0x4] =	wrdreg $0xC0  }
0xb1: {  	_ =	task [dreg:s8], $0x5FFFF  }
0xb2: {  	[dreg:$0x1] =	wrdreg $0xFFFFFFFF  }
0xb3: {  	[dreg:$0x0] =	wrdreg $0x60  }
0xb4: {  	[dreg:$0x2] =	wrdreg s24  }
0xb5: {  	[dreg:$0x3] =	wrdreg s17  }
0xb6: {  	[dreg:$0x4] =	wrdreg s16  }
0xb7: {  	[dreg:$0x5] =	wrdreg $0xA8000  }
0xb8: {  	[dreg:$0x6] =	wrdreg $0x9  }
0xb9: {  	_ =	task.clear_ibuf [dreg:s8], $0x7FFFF;
	_ =	strace $0x90000049  }
0xba: {  	s29 =	simm.s32 $0x9;
	_ =	strace $0x8000004B  }
0xbb: {  	_ =	swait.ge [sflag:s29], $0x1  }
0xbc: {  	[sflag:s29] =	ssyncadd.s32 $0xFFFFFFFF  }
0xbd: {  	_ =	strace $0x9000004B  }
0xbe: {  	_ =	sfence  }
0xbf: {  	s30 =	sld [smem:$0x0];
	_ =	sdelay $0x2  }
0xc0: {  	s31 =	sshll.u32 s1, $0xD;
	s1 =	sshrl.u32 s1, $0x2  }
0xc1: {  	s3 =	sand.u32 $0x4000, s31;
	s1 =	sadd.s32 s1, s30  }
0xc2: {  	s0 =	sor.u32 s3, s0;
	s1 =	sshll.u32 s1, $0x11  }
0xc3: {  	s0 =	sor.u32 s1, s0  }
0xc4: {  	s0 =	sadd.s32 $0x8F2B, s0  }
0xc5: {  	[sflag:s0] =	ssyncadd.remote.s32 $0x1  }
0xc6: {  	_ =	sfence.sel $0xFFFF  }
0xc7: {  	[dreg:$0x0] =	wrdreg $0xFFFFFFFF;
	(pc) =	sbr.abs _section_cstart, $3  }
0xc8: {  	[dreg:$0x1] =	wrdreg $0xFFFFFFFF  }
0xc9: {  	_ =	task.clear_ibuf [dreg:s8], $0x2FFFF;
	_ =	strace $0x9FFFFFFF  }
0xca: {  	(tm) =	ssettm $0x7FFFFFFF  }
0xcb: {  	_ =	shalt  }
tec
execute0_lowered:
.L_overlay_start_1:
0x0: {  	(tag) =	ssettag $0x1  }
0x1: {  	s6 =	rddreg [dreg:$0x0]  }
0x2: {  	s12 =	rddreg [dreg:$0x1]  }
0x3: {  	s13 =	rddreg [dreg:$0x2]  }
0x4: {  	s2 =	rddreg [dreg:$0x3]  }
0x5: {  	s0 =	rddreg [dreg:$0x4]  }
0x6: {  	s4 =	srdreg.scid;
	s1 =	stileid.u32;
	s3 =	simm.s32 $0x0  }
0x7: {  	s17 =	simm.s32 $0x3;
	s18 =	simm.s32 $0x1400;
	s19 =	simm.s32 $0x80  }
0x8: {  	s20 =	simm.s32 $0x6800;
	s21 =	simm.s32 $0x1;
	s22 =	simm.s32 $0x2  }
0x9: {  	s23 =	simm.s32 $0x1380;
	s24 =	simm.s32 $0x2700;
	s7 =	smul.u32 $0x2800, s1  }
0xa: {  	s25 =	simm.s32 $0x2780;
	s5 =	sand.u32 $0x1, s4;
	s9 =	smul.u32 $0x50000, s1  }
0xb: {  	[smem:$0x7FF] =	sst s3;
	s4 =	sadd.s32 $0x3000, s6;
	s8 =	smul.u32 $0x28000, s5  }
0xc: {  	_ =	strace $0x8000004A;
	s29 =	sshll.u32 s5, $0x4;
	s10 =	ssub.s32 $0x2, s5  }
0xd: {  	s30 =	sshrl.u32 s9, $0x2;
	s31 =	sshrl.u32 s10, $0x1;
	s7 =	sadd.s32 s7, s8  }
0xe: {  	s8 =	sor.u32 s1, s29;
	s5 =	sadd.s32 s30, s2;
	s15 =	ssub.s32 s10, s31  }
0xf: {  	s11 =	smul.u32 $0x2800, s8;
	s14 =	sadd.s32 s7, s6;
	s6 =	sadd.s32 $0x4000, s5  }
0x10: {  	s7 =	sadd.s32 $0x8000, s5;
	s8 =	sadd.s32 $0xC000, s5;
	s9 =	sadd.s32 $0x10000, s5  }
0x11: {  	s15 =	smax.u32 s15, $0x1;
	s14 =	sadd.s32 $0x2B000, s14;
	s11 =	sshrl.u32 s11, $0x3  }
0x12: {  	s10 =	sadd.s32 s12, s11;
	s16 =	sadd.s32 $0x280, s11;
	s11 =	sadd.s32 s13, s11  }
0x13: {  	v0 =	vimm.f32 $0.0e+00;
	s12 =	sadd.s32 s12, s16;
	s13 =	sadd.s32 s13, s16;
	s16 =	simm.s32 $0x2800  }
.LBB2_1:
0x14: {  	s26 =	simm.s32 $0x0;
	s28 =	simm.s32 $0x200  }
.LBB2_2:
0x15: {  	p0 =	sne.s32 s28, $0xFE00;
	[tilespmem:s26+$0x2870] =	vst v0  }
0x16: {  	[tilespmem:s26+$0x2800] =	vst v0  }
0x17: {  	[tilespmem:s26+$0x2810] =	vst v0  }
.Ltmp0:
0x18: {  	[tilespmem:s26+$0x2820] =	vst v0;
	(pc) =	sbr.rel @p0 .LBB2_2-.Ltmp0, $4  }
0x19: {  	[tilespmem:s26+$0x2830] =	vst v0  }
0x1a: {  	[tilespmem:s26+$0x2840] =	vst v0  }
0x1b: {  	[tilespmem:s26+$0x2850] =	vst v0  }
0x1c: {  	[tilespmem:s26+$0x2860] =	vst v0;
	s26 =	sshra.s32 s28, $0x2;
	s28 =	sadd.s32 $0x200, s28  }
0x1d: {  	[tilespmem:s26+$0x2870] =	vst v0  }
0x1e: {  	[tilespmem:s26+$0x2800] =	vst v0  }
0x1f: {  	[tilespmem:s26+$0x2810] =	vst v0  }
0x20: {  	[tilespmem:s26+$0x2820] =	vst v0  }
0x21: {  	[tilespmem:s26+$0x2830] =	vst v0  }
0x22: {  	[tilespmem:s26+$0x2840] =	vst v0  }
0x23: {  	[tilespmem:s26+$0x2850] =	vst v0  }
0x24: {  	[tilespmem:s26+$0x2860] =	vst v0  }
0x25: {  	[spmem:s5] =	stream.linear.scatter [tilespmem:s16], [sflag:$0x3], $0x4000, $0x38;
	[tilespmem:$0x1E800] =	vst v63  }
0x26: {  	_ =	swait.ge [sflag:s17], $0x4000  }
0x27: {  	[sflag:s17] =	ssyncset.done $0x0  }
0x28: {  	[sflag:s17] =	ssyncadd.s32 $0xFFFFC000  }
0x29: {  	[spmem:s6] =	stream.linear.scatter [tilespmem:s16], [sflag:$0x3], $0x4000, $0x38;
	[tilespmem:$0x1E800] =	vst v63  }
0x2a: {  	_ =	swait.ge [sflag:s17], $0x4000  }
0x2b: {  	[sflag:s17] =	ssyncset.done $0x0  }
0x2c: {  	[sflag:s17] =	ssyncadd.s32 $0xFFFFC000  }
0x2d: {  	[spmem:s7] =	stream.linear.scatter [tilespmem:s16], [sflag:$0x3], $0x4000, $0x38;
	[tilespmem:$0x1E800] =	vst v63  }
0x2e: {  	_ =	swait.ge [sflag:s17], $0x4000  }
0x2f: {  	[sflag:s17] =	ssyncset.done $0x0  }
0x30: {  	[sflag:s17] =	ssyncadd.s32 $0xFFFFC000  }
0x31: {  	[spmem:s8] =	stream.linear.scatter [tilespmem:s16], [sflag:$0x3], $0x4000, $0x38;
	[tilespmem:$0x1E800] =	vst v63  }
0x32: {  	_ =	swait.ge [sflag:s17], $0x4000  }
0x33: {  	[sflag:s17] =	ssyncset.done $0x0  }
0x34: {  	[sflag:s17] =	ssyncadd.s32 $0xFFFFC000  }
0x35: {  	[spmem:s9] =	stream.linear.scatter [tilespmem:s16], [sflag:$0x3], $0x4000, $0x38;
	[tilespmem:$0x1E800] =	vst v63  }
0x36: {  	_ =	swait.ge [sflag:s17], $0x4000  }
0x37: {  	[sflag:s17] =	ssyncset.done $0x0  }
0x38: {  	[sflag:s17] =	ssyncadd.s32 $0xFFFFC000  }
0x39: {  	s30 =	simm.s32 $0x0;
	[bflag:$0x0] =	sbarrier.arrive $0xFFFF  }
0x3a: {  	[tilespmem:s30], [sflag:$0x3] =	stream.linear.gather [hbm4b:s10+s30], $0x1400, $0x38;
	[tilespmem:$0x1E800] =	vst v63  }
0x3b: {  	_ =	swait.ge [sflag:s17], $0x1400  }
0x3c: {  	[sflag:s17] =	ssyncset.done $0x0  }
0x3d: {  	[sflag:s17] =	ssyncadd.s32 $0xFFFFEC00  }
0x3e: {  	[tilespmem:s18], [sflag:$0x3] =	stream.linear.gather [hbm4b:s11+s30], $0x1400, $0x38;
	[tilespmem:$0x1E800] =	vst v63  }
0x3f: {  	_ =	swait.ge [sflag:s17], $0x1400  }
0x40: {  	[sflag:s17] =	ssyncset.done $0x0  }
0x41: {  	[sflag:s17] =	ssyncadd.s32 $0xFFFFEC00  }
0x42: {  	[tilespmem:s16], [sflag:$0x1] =	stream.indirect.gather [hbm4b:s4+s19], $0x80, s30, s19, $0xb8;
	[tilespmem:$0x1E800] =	vst v63  }
0x43: {  	s31 =	simm.s32 $0x80  }
0x44: {  	[tilespmem:s20], [sflag:$0x2] =	stream.indirect.gather [hbm4b:s4+s19], $0x80, s31, s19, $0xb8;
	[tilespmem:$0x1E800] =	vst v63  }
0x45: {  	_ =	swait.ge [sflag:s21], $0x4000  }
0x46: {  	[sflag:s21] =	ssyncset.done $0x0  }
0x47: {  	s29 =	simm.s32 $0x1400;
	[sflag:s21] =	ssyncadd.s32 $0xFFFFC000  }
0x48: {  	[spmem:s2] =	stream.indirect.scatter.add.f32 [tilespmem:s16], [sflag:$0x3], $0x80, s29, s19, $0xb8;
	[tilespmem:$0x1E800] =	vst v63  }
0x49: {  	_ =	swait.ge [sflag:s17], $0x4000  }
0x4a: {  	[sflag:s17] =	ssyncset.done $0x0  }
0x4b: {  	s30 =	simm.s32 $0x100;
	[sflag:s17] =	ssyncadd.s32 $0xFFFFC000  }
0x4c: {  	[tilespmem:s16], [sflag:$0x1] =	stream.indirect.gather [hbm4b:s4+s19], $0x80, s30, s19, $0xb8;
	[tilespmem:$0x1E800] =	vst v63  }
0x4d: {  	_ =	swait.ge [sflag:s22], $0x4000  }
0x4e: {  	[sflag:s22] =	ssyncset.done $0x0  }
0x4f: {  	s31 =	simm.s32 $0x1480;
	[sflag:s22] =	ssyncadd.s32 $0xFFFFC000  }
0x50: {  	[spmem:s2] =	stream.indirect.scatter.add.f32 [tilespmem:s20], [sflag:$0x3], $0x80, s31, s19, $0xb8;
	[tilespmem:$0x1E800] =	vst v63  }
0x51: {  	_ =	swait.ge [sflag:s17], $0x4000  }
0x52: {  	s28 =	simm.s32 $0x800;
	s26 =	simm.s32 $0x100;
	[sflag:s17] =	ssyncset.done $0x0  }
.LBB2_4:
0x53: {  	s29 =	sadd.s32 $0x80, s26  }
0x54: {  	[sflag:s17] =	ssyncadd.s32 $0xFFFFC000;
	s30 =	smov.u32 s28;
	s31 =	sadd.s32 $0x400, s28  }
0x55: {  	[tilespmem:s20], [sflag:$0x2] =	stream.indirect.gather [hbm4b:s4+s19], $0x80, s29, s19, $0xb8;
	[tilespmem:$0x1E800] =	vst v63  }
0x56: {  	p0 =	sne.s32 s28, $0x4800;
	_ =	swait.ge [sflag:s21], $0x4000  }
0x57: {  	[sflag:s21] =	ssyncset.done $0x0  }
0x58: {  	s28 =	sadd.s32 $0x1400, s26;
	[sflag:s21] =	ssyncadd.s32 $0xFFFFC000  }
0x59: {  	[spmem:s2] =	stream.indirect.scatter.add.f32 [tilespmem:s16], [sflag:$0x3], $0x80, s28, s19, $0xb8;
	[tilespmem:$0x1E800] =	vst v63  }
0x5a: {  	_ =	swait.ge [sflag:s17], $0x4000  }
0x5b: {  	[sflag:s17] =	ssyncset.done $0x0  }
0x5c: {  	s28 =	sadd.s32 $0x100, s26;
	[sflag:s17] =	ssyncadd.s32 $0xFFFFC000  }
0x5d: {  	[tilespmem:s16], [sflag:$0x1] =	stream.indirect.gather [hbm4b:s4+s19], $0x80, s28, s19, $0xb8;
	[tilespmem:$0x1E800] =	vst v63  }
0x5e: {  	_ =	swait.ge [sflag:s22], $0x4000  }
.Ltmp1:
0x5f: {  	[sflag:s22] =	ssyncset.done $0x0;
	(pc) =	sbr.rel @p0 .LBB2_4-.Ltmp1, $4  }
0x60: {  	s26 =	sadd.s32 $0x1480, s26;
	[sflag:s22] =	ssyncadd.s32 $0xFFFFC000  }
0x61: {  	[spmem:s2] =	stream.indirect.scatter.add.f32 [tilespmem:s20], [sflag:$0x3], $0x80, s26, s19, $0xb8;
	[tilespmem:$0x1E800] =	vst v63  }
0x62: {  	_ =	swait.ge [sflag:s17], $0x4000  }
0x63: {  	s28 =	smov.u32 s31;
	s26 =	sshra.s32 s30, $0x2;
	[sflag:s17] =	ssyncset.done $0x0  }
0x64: {  	s28 =	sadd.s32 $0x80, s26;
	[sflag:s17] =	ssyncadd.s32 $0xFFFFC000  }
0x65: {  	[tilespmem:s20], [sflag:$0x2] =	stream.indirect.gather [hbm4b:s4+s19], $0x80, s28, s19, $0xb8;
	[tilespmem:$0x1E800] =	vst v63  }
0x66: {  	_ =	swait.ge [sflag:s21], $0x4000  }
0x67: {  	[sflag:s21] =	ssyncset.done $0x0  }
0x68: {  	s28 =	sadd.s32 $0x1400, s26;
	[sflag:s21] =	ssyncadd.s32 $0xFFFFC000  }
0x69: {  	[spmem:s2] =	stream.indirect.scatter.add.f32 [tilespmem:s16], [sflag:$0x3], $0x80, s28, s19, $0xb8;
	[tilespmem:$0x1E800] =	vst v63  }
0x6a: {  	_ =	swait.ge [sflag:s17], $0x4000  }
0x6b: {  	[sflag:s17] =	ssyncset.done $0x0  }
0x6c: {  	s28 =	sadd.s32 $0x100, s26;
	[sflag:s17] =	ssyncadd.s32 $0xFFFFC000  }
0x6d: {  	[tilespmem:s16], [sflag:$0x1] =	stream.indirect.gather [hbm4b:s4+s19], $0x80, s28, s19, $0xb8;
	[tilespmem:$0x1E800] =	vst v63  }
0x6e: {  	_ =	swait.ge [sflag:s22], $0x4000  }
0x6f: {  	[sflag:s22] =	ssyncset.done $0x0  }
0x70: {  	s29 =	sadd.s32 $0x1480, s26;
	[sflag:s22] =	ssyncadd.s32 $0xFFFFC000  }
0x71: {  	[spmem:s2] =	stream.indirect.scatter.add.f32 [tilespmem:s20], [sflag:$0x3], $0x80, s29, s19, $0xb8;
	[tilespmem:$0x1E800] =	vst v63  }
0x72: {  	_ =	swait.ge [sflag:s17], $0x4000  }
0x73: {  	[sflag:s17] =	ssyncset.done $0x0  }
0x74: {  	[sflag:s17] =	ssyncadd.s32 $0xFFFFC000  }
0x75: {  	[tilespmem:s20], [sflag:$0x2] =	stream.indirect.gather [hbm4b:s4+s19], $0x80, s23, s19, $0xb8;
	[tilespmem:$0x1E800] =	vst v63  }
0x76: {  	_ =	swait.ge [sflag:s21], $0x4000  }
0x77: {  	[sflag:s21] =	ssyncset.done $0x0  }
0x78: {  	[sflag:s21] =	ssyncadd.s32 $0xFFFFC000  }
0x79: {  	[spmem:s2] =	stream.indirect.scatter.add.f32 [tilespmem:s16], [sflag:$0x3], $0x80, s24, s19, $0xb8;
	[tilespmem:$0x1E800] =	vst v63  }
0x7a: {  	_ =	swait.ge [sflag:s17], $0x4000  }
0x7b: {  	[sflag:s17] =	ssyncset.done $0x0  }
0x7c: {  	[sflag:s17] =	ssyncadd.s32 $0xFFFFC000  }
0x7d: {  	[tilespmem:s16], [sflag:$0x1] =	stream.indirect.gather [hbm4b:s4+s19], $0x80, s23, s19, $0xb8;
	[tilespmem:$0x1E800] =	vst v63  }
0x7e: {  	_ =	swait.ge [sflag:s22], $0x4000  }
0x7f: {  	[sflag:s22] =	ssyncset.done $0x0  }
0x80: {  	[sflag:s22] =	ssyncadd.s32 $0xFFFFC000  }
0x81: {  	[spmem:s2] =	stream.indirect.scatter.add.f32 [tilespmem:s20], [sflag:$0x3], $0x80, s25, s19, $0xb8;
	[tilespmem:$0x1E800] =	vst v63  }
0x82: {  	_ =	swait.ge [sflag:s17], $0x4000  }
0x83: {  	[sflag:s17] =	ssyncset.done $0x0  }
0x84: {  	[sflag:s17] =	ssyncadd.s32 $0xFFFFC000  }
0x85: {  	_ =	swait.ge [sflag:s21], $0x4000  }
0x86: {  	[sflag:s21] =	ssyncset.done $0x0  }
0x87: {  	s30 =	simm.s32 $0x0;
	[sflag:s21] =	ssyncadd.s32 $0xFFFFC000  }
0x88: {  	[tilespmem:s30], [sflag:$0x3] =	stream.linear.gather [hbm4b:s12+s30], $0x1400, $0x38;
	[tilespmem:$0x1E800] =	vst v63  }
0x89: {  	_ =	swait.ge [sflag:s17], $0x1400  }
0x8a: {  	[sflag:s17] =	ssyncset.done $0x0  }
0x8b: {  	[sflag:s17] =	ssyncadd.s32 $0xFFFFEC00  }
0x8c: {  	[tilespmem:s18], [sflag:$0x3] =	stream.linear.gather [hbm4b:s13+s30], $0x1400, $0x38;
	[tilespmem:$0x1E800] =	vst v63  }
0x8d: {  	_ =	swait.ge [sflag:s17], $0x1400  }
0x8e: {  	[sflag:s17] =	ssyncset.done $0x0  }
0x8f: {  	[sflag:s17] =	ssyncadd.s32 $0xFFFFEC00  }
0x90: {  	[tilespmem:s16], [sflag:$0x1] =	stream.indirect.gather [hbm4b:s4+s19], $0x80, s30, s19, $0xb8;
	[tilespmem:$0x1E800] =	vst v63  }
0x91: {  	s31 =	simm.s32 $0x80  }
0x92: {  	[tilespmem:s20], [sflag:$0x2] =	stream.indirect.gather [hbm4b:s4+s19], $0x80, s31, s19, $0xb8;
	[tilespmem:$0x1E800] =	vst v63  }
0x93: {  	_ =	swait.ge [sflag:s21], $0x4000  }
0x94: {  	[sflag:s21] =	ssyncset.done $0x0  }
0x95: {  	s29 =	simm.s32 $0x1400;
	[sflag:s21] =	ssyncadd.s32 $0xFFFFC000  }
0x96: {  	[spmem:s2] =	stream.indirect.scatter.add.f32 [tilespmem:s16], [sflag:$0x3], $0x80, s29, s19, $0xb8;
	[tilespmem:$0x1E800] =	vst v63  }
0x97: {  	_ =	swait.ge [sflag:s17], $0x4000  }
0x98: {  	[sflag:s17] =	ssyncset.done $0x0  }
0x99: {  	s30 =	simm.s32 $0x100;
	[sflag:s17] =	ssyncadd.s32 $0xFFFFC000  }
0x9a: {  	[tilespmem:s16], [sflag:$0x1] =	stream.indirect.gather [hbm4b:s4+s19], $0x80, s30, s19, $0xb8;
	[tilespmem:$0x1E800] =	vst v63  }
0x9b: {  	_ =	swait.ge [sflag:s22], $0x4000  }
0x9c: {  	[sflag:s22] =	ssyncset.done $0x0  }
0x9d: {  	s31 =	simm.s32 $0x1480;
	[sflag:s22] =	ssyncadd.s32 $0xFFFFC000  }
0x9e: {  	[spmem:s2] =	stream.indirect.scatter.add.f32 [tilespmem:s20], [sflag:$0x3], $0x80, s31, s19, $0xb8;
	[tilespmem:$0x1E800] =	vst v63  }
0x9f: {  	_ =	swait.ge [sflag:s17], $0x4000  }
0xa0: {  	s26 =	simm.s32 $0x100;
	s28 =	simm.s32 $0x800;
	[sflag:s17] =	ssyncset.done $0x0  }
.LBB2_6:
0xa1: {  	s29 =	sadd.s32 $0x80, s26  }
0xa2: {  	[sflag:s17] =	ssyncadd.s32 $0xFFFFC000;
	s30 =	smov.u32 s28;
	s31 =	sadd.s32 $0x400, s28  }
0xa3: {  	[tilespmem:s20], [sflag:$0x2] =	stream.indirect.gather [hbm4b:s4+s19], $0x80, s29, s19, $0xb8;
	[tilespmem:$0x1E800] =	vst v63  }
0xa4: {  	p0 =	sne.s32 s28, $0x4800;
	_ =	swait.ge [sflag:s21], $0x4000  }
0xa5: {  	[sflag:s21] =	ssyncset.done $0x0  }
0xa6: {  	s28 =	sadd.s32 $0x1400, s26;
	[sflag:s21] =	ssyncadd.s32 $0xFFFFC000  }
0xa7: {  	[spmem:s2] =	stream.indirect.scatter.add.f32 [tilespmem:s16], [sflag:$0x3], $0x80, s28, s19, $0xb8;
	[tilespmem:$0x1E800] =	vst v63  }
0xa8: {  	_ =	swait.ge [sflag:s17], $0x4000  }
0xa9: {  	[sflag:s17] =	ssyncset.done $0x0  }
0xaa: {  	s28 =	sadd.s32 $0x100, s26;
	[sflag:s17] =	ssyncadd.s32 $0xFFFFC000  }
0xab: {  	[tilespmem:s16], [sflag:$0x1] =	stream.indirect.gather [hbm4b:s4+s19], $0x80, s28, s19, $0xb8;
	[tilespmem:$0x1E800] =	vst v63  }
0xac: {  	_ =	swait.ge [sflag:s22], $0x4000  }
.Ltmp2:
0xad: {  	[sflag:s22] =	ssyncset.done $0x0;
	(pc) =	sbr.rel @p0 .LBB2_6-.Ltmp2, $4  }
0xae: {  	s26 =	sadd.s32 $0x1480, s26;
	[sflag:s22] =	ssyncadd.s32 $0xFFFFC000  }
0xaf: {  	[spmem:s2] =	stream.indirect.scatter.add.f32 [tilespmem:s20], [sflag:$0x3], $0x80, s26, s19, $0xb8;
	[tilespmem:$0x1E800] =	vst v63  }
0xb0: {  	_ =	swait.ge [sflag:s17], $0x4000  }
0xb1: {  	s28 =	smov.u32 s31;
	s26 =	sshra.s32 s30, $0x2;
	[sflag:s17] =	ssyncset.done $0x0  }
0xb2: {  	s28 =	sadd.s32 $0x80, s26;
	[sflag:s17] =	ssyncadd.s32 $0xFFFFC000  }
0xb3: {  	[tilespmem:s20], [sflag:$0x2] =	stream.indirect.gather [hbm4b:s4+s19], $0x80, s28, s19, $0xb8;
	[tilespmem:$0x1E800] =	vst v63  }
0xb4: {  	_ =	swait.ge [sflag:s21], $0x4000  }
0xb5: {  	[sflag:s21] =	ssyncset.done $0x0  }
0xb6: {  	s30 =	sadd.s32 $0x1400, s26;
	[sflag:s21] =	ssyncadd.s32 $0xFFFFC000  }
0xb7: {  	[spmem:s2] =	stream.indirect.scatter.add.f32 [tilespmem:s16], [sflag:$0x3], $0x80, s30, s19, $0xb8;
	[tilespmem:$0x1E800] =	vst v63  }
0xb8: {  	_ =	swait.ge [sflag:s17], $0x4000  }
0xb9: {  	[sflag:s17] =	ssyncset.done $0x0  }
0xba: {  	s31 =	sadd.s32 $0x100, s26;
	[sflag:s17] =	ssyncadd.s32 $0xFFFFC000  }
0xbb: {  	[tilespmem:s16], [sflag:$0x1] =	stream.indirect.gather [hbm4b:s4+s19], $0x80, s31, s19, $0xb8;
	[tilespmem:$0x1E800] =	vst v63  }
0xbc: {  	_ =	swait.ge [sflag:s22], $0x4000  }
0xbd: {  	[sflag:s22] =	ssyncset.done $0x0  }
0xbe: {  	s29 =	sadd.s32 $0x1480, s26;
	[sflag:s22] =	ssyncadd.s32 $0xFFFFC000  }
0xbf: {  	[spmem:s2] =	stream.indirect.scatter.add.f32 [tilespmem:s20], [sflag:$0x3], $0x80, s29, s19, $0xb8;
	[tilespmem:$0x1E800] =	vst v63  }
0xc0: {  	_ =	swait.ge [sflag:s17], $0x4000  }
0xc1: {  	[sflag:s17] =	ssyncset.done $0x0  }
0xc2: {  	[sflag:s17] =	ssyncadd.s32 $0xFFFFC000  }
0xc3: {  	[tilespmem:s20], [sflag:$0x2] =	stream.indirect.gather [hbm4b:s4+s19], $0x80, s23, s19, $0xb8;
	[tilespmem:$0x1E800] =	vst v63  }
0xc4: {  	_ =	swait.ge [sflag:s21], $0x4000  }
0xc5: {  	[sflag:s21] =	ssyncset.done $0x0  }
0xc6: {  	[sflag:s21] =	ssyncadd.s32 $0xFFFFC000  }
0xc7: {  	[spmem:s2] =	stream.indirect.scatter.add.f32 [tilespmem:s16], [sflag:$0x3], $0x80, s24, s19, $0xb8;
	[tilespmem:$0x1E800] =	vst v63  }
0xc8: {  	_ =	swait.ge [sflag:s17], $0x4000  }
0xc9: {  	[sflag:s17] =	ssyncset.done $0x0  }
0xca: {  	[sflag:s17] =	ssyncadd.s32 $0xFFFFC000  }
0xcb: {  	[tilespmem:s16], [sflag:$0x1] =	stream.indirect.gather [hbm4b:s4+s19], $0x80, s23, s19, $0xb8;
	[tilespmem:$0x1E800] =	vst v63  }
0xcc: {  	_ =	swait.ge [sflag:s22], $0x4000  }
0xcd: {  	[sflag:s22] =	ssyncset.done $0x0  }
0xce: {  	[sflag:s22] =	ssyncadd.s32 $0xFFFFC000  }
0xcf: {  	[spmem:s2] =	stream.indirect.scatter.add.f32 [tilespmem:s20], [sflag:$0x3], $0x80, s25, s19, $0xb8;
	[tilespmem:$0x1E800] =	vst v63  }
0xd0: {  	_ =	swait.ge [sflag:s17], $0x4000  }
0xd1: {  	[sflag:s17] =	ssyncset.done $0x0  }
0xd2: {  	[sflag:s17] =	ssyncadd.s32 $0xFFFFC000  }
0xd3: {  	_ =	swait.ge [sflag:s21], $0x4000  }
0xd4: {  	s3 =	sadd.s32 $0x1, s3;
	s30 =	sshll.u32 s1, $0x6;
	[sflag:s21] =	ssyncset.done $0x0  }
0xd5: {  	p0 =	sne.s32 s3, s15;
	s26 =	sor.u32 $0x1C03, s30;
	[sflag:s21] =	ssyncadd.s32 $0xFFFFC000  }
.Ltmp3:
0xd6: {  	s31 =	sshrl.u32 s5, $0x3;
	[bflag:$0x0] =	sbarrier.arrive $0xFFFF;
	(pc) =	sbr.rel @p0 .LBB2_1-.Ltmp3, $4  }
0xd7: {  	[hbm:s14], [sflag:s26] =	dma.local [spmem:s31], $0x2800  }
0xd8: {  	_ =	swait.ge [sflag:s17], $0x2800  }
0xd9: {  	[sflag:s17] =	ssyncset.done $0x0  }
0xda: {  	[sflag:s17] =	ssyncadd.s32 $0xFFFFD800  }
0xdb: {  	_ =	sfence.sel $0x180000  }
0xdc: {  	[bflag:$0x0] =	sbarrier.arrive $0xFFFF  }
0xdd: {  	p0 =	sne.s32 s1, $0x0;
	_ =	strace $0x9000004A  }
0xde: {  	s0 =	sadd.s32 @!p0 $0x100000, s0;
	[bflag:$0x2] =	sbarrier.arrive $0xFFFF  }
0xdf: {  	[sflag:s0] =	ssyncadd.tile.s32 @!p0 $0x1;
	_ =	shalt  }
.Lfunc_end2:
_tile_overlayer_lowered:
.L_overlay_start_2:
0xe0: {  	(tag) =	ssettag $0x2  }
0xe1: {  	s0 =	rddreg [dreg:$0x0];
	s2 =	stileid.u32  }
0xe2: {  	s1 =	rddreg [dreg:$0x1];
	p0 =	sne.s32 s2, $0x0  }
0xe3: {  	s3 =	rddreg [dreg:$0x2];
	[bflag:$0x3] =	sbarrier.arrive $0xFFFF;
	s2 =	simm.s32 @!p0 $0x1C03  }
0xe4: {  	[timem:s3], [sflag:s2] =	dma.local @!p0 [hbm:s0], s1  }
0xe5: {  	s0 =	simm.s32 @!p0 $0x3  }
0xe6: {  	_ =	swait.ge @!p0 [sflag:s0], s1  }
0xe7: {  	s1 =	ssub.s32 @!p0 $0x0, s1;
	[sflag:s0] =	ssyncset.done @!p0 $0x0  }
0xe8: {  	[sflag:s0] =	ssyncadd.s32 @!p0 s1  }
0xe9: {  	[bflag:$0x3] =	sbarrier.arrive $0xFFFF  }
0xea: {  	_ =	shalt  }

// kernel: kernel.14.cloned.1.call-start
scs
__scs_entry_jumppad:
0x0: {  	(pc) =	sbr.rel $0x88, $3  }
0x1: {  	(tag) =	ssettag $0x0;
	lr =	simm.s32 $0x1  }
0x2: {  	[smem:$0x3F96] =	sst lr;
	_ =	strace $0xD0000000  }
0x3: {  	_ = 	snop  }
0x4: {  	_ = 	snop  }
0x5: {  	_ = 	snop  }
0x6: {  	_ = 	snop  }
0x7: {  	_ = 	snop  }
__scs_overlays_trampoline_lowered:
0x8: {  	[smem:$0x3FA5] =	sst s0  }
0x9: {  	[smem:$0x3FA6] =	sst s1  }
0xa: {  	[smem:$0x3FA7] =	sst s2  }
0xb: {  	[smem:$0x3FA8] =	sst s3  }
0xc: {  	[smem:$0x3FA9] =	sst s4  }
0xd: {  	[smem:$0x3FAA] =	sst s5  }
0xe: {  	[smem:$0x3FAB] =	sst s6  }
0xf: {  	[smem:$0x3FAC] =	sst s7  }
0x10: {  	[smem:$0x3FAD] =	sst s8  }
0x11: {  	[smem:$0x3FAE] =	sst s9;
	s0 =	simm.s32 @!p0 $0x0  }
0x12: {  	s1 =	sld [smem:$0x3F94];
	s0 =	simm.s32 @p0 $0x1  }
0x13: {  	[smem:$0x3FAF] =	sst s0;
	s0 =	simm.s32 @!p1 $0x0  }
0x14: {  	s2 =	sld [smem:$0x3F93];
	s0 =	simm.s32 @p1 $0x1  }
0x15: {  	[smem:$0x3FB0] =	sst s0;
	s0 =	simm.s32 @!p2 $0x0  }
0x16: {  	s3 =	sld [smem:$0x3FDB];
	s0 =	simm.s32 @p2 $0x1  }
0x17: {  	s4 =	simm.s32 $0x1BF5;
	[smem:$0x3FB2] =	sst s0  }
0x18: {  	s0 =	sld [smem:$0x3F95];
	_ =	swait.ge [sflag:s4], $0x0  }
0x19: {  	s7 =	sld [smem:$0x3F96]  }
0x1a: {  	s8 =	sadd.s32 $0xFFFFE003, lr  }
0x1b: {  	s9 =	sadd.s32 $0xFFFFFEF7, lr;
	s5 =	simm.s32 $0xFFFFFFFF;
	p2 =	slt.u32 s8, $0xFFFFF086  }
0x1c: {  	p1 =	slt.u32 s9, $0xF7A;
	s5 =	simm.s32 @!p2 $0x0  }
0x1d: {  	s5 =	simm.s32 @p1 $0x1;
	p0 =	seq.s32 s7, s2  }
0x1e: {  	s7 =	smul.u32 @!p0 $0xF7A, s2;
	p2 =	seq.s32 @!p0 s5, $0x0  }
0x1f: {  	s9 =	smul.u32 $0xF7A, s1;
	s8 =	simm.s32 @!p0 $0x1BF5;
	p2 =	por !p2, p0  }
0x20: {  	[sflag:s8] =	ssyncset.s32 @!p0 $0xFFFFF086;
	s6 =	sadd.s32 @!p0 s3, s7;
	s7 =	simm.s32 @!p0 $0x108  }
0x21: {  	s3 =	sadd.s32 s3, s9;
	s6 =	sadd.s32 @!p0 $0x88, s6;
	s7 =	simm.s32 @p2 $0x1082  }
0x22: {  	[simem:s7], [sflag:s8] =	dma.local @!p0 [hbm:s6], $0xF7A  }
0x23: {  	s9 =	sor.u32 $0xD0000000, s2;
	s6 =	simm.s32 $0x108;
	_ =	swait.ge @!p0 [sflag:s8], $0x0  }
0x24: {  	s3 =	sadd.s32 $0x88, s3;
	s6 =	simm.s32 @!p1 $0x1082;
	[sflag:s4] =	ssyncset.s32 $0xFFFFF086  }
0x25: {  	[simem:s6], [sflag:s4] =	dma.local [hbm:s3], $0xF7A  }
0x26: {  	[smem:$0x3F96] =	sst s1;
	(tag) =	ssettag s2;
	_ =	strace s9  }
0x27: {  	s1 =	sld [smem:$0x3FA6]  }
0x28: {  	s2 =	sld [smem:$0x3FA7]  }
0x29: {  	s4 =	sld [smem:$0x3FA9]  }
0x2a: {  	p0 =	seq.s32 s5, $0x0;
	s5 =	sld [smem:$0x3FAA]  }
0x2b: {  	s6 =	sld [smem:$0x3FAB]  }
0x2c: {  	s7 =	sld [smem:$0x3FAC]  }
0x2d: {  	s3 =	simm.s32 $0x108;
	s8 =	sld [smem:$0x3FAD]  }
0x2e: {  	s3 =	simm.s32 @!p0 $0x1082;
	s9 =	sld [smem:$0x3FAE]  }
0x2f: {  	lr =	sadd.s32 s0, s3;
	s0 =	sld [smem:$0x3FA5]  }
0x30: {  	s3 =	sld [smem:$0x3FA8]  }
0x31: {  	[smem:$0x3FB1] =	sst s10  }
0x32: {  	s10 =	sld [smem:$0x3FAF];
	_ =	sdelay $0x3  }
0x33: {  	p0 =	seq.s32 s10, $0x1;
	s10 =	sld [smem:$0x3FB1];
	_ =	sdelay $0x3  }
0x34: {  	[smem:$0x3FB1] =	sst s10  }
0x35: {  	s10 =	sld [smem:$0x3FB0];
	_ =	sdelay $0x3  }
0x36: {  	p1 =	seq.s32 s10, $0x1;
	s10 =	sld [smem:$0x3FB1];
	_ =	sdelay $0x3  }
0x37: {  	[smem:$0x3FB1] =	sst s10  }
0x38: {  	s10 =	sld [smem:$0x3FB2]  }
0x39: {  	_ = 	snop;
	(pc) =	sbr.ind lr, $3  }
0x3a: {  	_ = 	snop  }
0x3b: {  	_ = 	snop  }
0x3c: {  	p2 =	seq.s32 s10, $0x1;
	s10 =	sld [smem:$0x3FB1]  }
0x3d: {  	_ =	shalt  }
0x3e: {  	_ =	shalt  }
0x3f: {  	_ =	shalt  }
0x40: {  	_ =	shalt  }
0x41: {  	_ =	shalt  }
0x42: {  	_ =	shalt  }
0x43: {  	_ =	shalt  }
0x44: {  	_ =	shalt  }
0x45: {  	_ =	shalt  }
0x46: {  	_ =	shalt  }
0x47: {  	_ =	shalt  }
0x48: {  	_ =	shalt  }
0x49: {  	_ =	shalt  }
0x4a: {  	_ =	shalt  }
0x4b: {  	_ =	shalt  }
0x4c: {  	_ =	shalt  }
0x4d: {  	_ =	shalt  }
0x4e: {  	_ =	shalt  }
0x4f: {  	_ =	shalt  }
0x50: {  	_ =	shalt  }
0x51: {  	_ =	shalt  }
0x52: {  	_ =	shalt  }
0x53: {  	_ =	shalt  }
0x54: {  	_ =	shalt  }
0x55: {  	_ =	shalt  }
0x56: {  	_ =	shalt  }
0x57: {  	_ =	shalt  }
0x58: {  	_ =	shalt  }
0x59: {  	_ =	shalt  }
0x5a: {  	_ =	shalt  }
0x5b: {  	_ =	shalt  }
0x5c: {  	_ =	shalt  }
0x5d: {  	_ =	shalt  }
0x5e: {  	_ =	shalt  }
0x5f: {  	_ =	shalt  }
0x60: {  	_ =	shalt  }
0x61: {  	_ =	shalt  }
0x62: {  	_ =	shalt  }
0x63: {  	_ =	shalt  }
0x64: {  	_ =	shalt  }
0x65: {  	_ =	shalt  }
0x66: {  	_ =	shalt  }
0x67: {  	_ =	shalt  }
0x68: {  	_ =	shalt  }
0x69: {  	_ =	shalt  }
0x6a: {  	_ =	shalt  }
0x6b: {  	_ =	shalt  }
0x6c: {  	_ =	shalt  }
0x6d: {  	_ =	shalt  }
0x6e: {  	_ =	shalt  }
0x6f: {  	_ =	shalt  }
0x70: {  	_ =	shalt  }
0x71: {  	_ =	shalt  }
0x72: {  	_ =	shalt  }
0x73: {  	_ =	shalt  }
0x74: {  	_ =	shalt  }
0x75: {  	_ =	shalt  }
0x76: {  	_ =	shalt  }
0x77: {  	_ =	shalt  }
0x78: {  	_ =	shalt  }
0x79: {  	_ =	shalt  }
0x7a: {  	_ =	shalt  }
0x7b: {  	_ =	shalt  }
0x7c: {  	_ =	shalt  }
0x7d: {  	_ =	shalt  }
0x7e: {  	_ =	shalt  }
0x7f: {  	_ =	shalt  }
0x80: {  	_ =	shalt  }
0x81: {  	_ =	shalt  }
0x82: {  	_ =	shalt  }
0x83: {  	_ =	shalt  }
0x84: {  	_ =	shalt  }
0x85: {  	_ =	shalt  }
0x86: {  	_ =	shalt  }
0x87: {  	_ =	shalt  }
.Lfunc_end0:
.L_simem_size_0:
called_computation.2_lowered:
.L_overlay_start_0:
0x88: {  	s2 =	sld [smem:$0x3FD9]  }
0x89: {  	s3 =	sld [smem:$0x3FFE];
	_ =	sdelay $0x1  }
0x8a: {  	s1 =	srdreg.scid  }
0x8b: {  	s0 =	sand.u32 $0x1, s1  }
0x8c: {  	s14 =	sshll.u32 s0, $0xA;
	s2 =	sadd.s32 s3, s2  }
0x8d: {  	s2 =	sadd.s32 s2, s14  }
0x8e: {  	[smem:$0x3FBD] =	sst s2  }
0x8f: {  	_ = 	snop  }
0x90: {  	s2 =	sld [smem:$0x3FD0];
	_ =	sdelay $0x2  }
0x91: {  	s15 =	simm.s32 $0xA;
	s4 =	simm.s32 $0x10  }
0x92: {  	[smem:s4], [sflag:s15] =	dma.local [hbm:s2], $0x1  }
0x93: {  	_ =	swait.eq [sflag:s15], $0x1  }
0x94: {  	[sflag:s15] =	ssyncset.done $0x0  }
0x95: {  	s16 =	sld [smem:$0x10];
	[sflag:s15] =	ssyncadd.s32 $0xFFFFFFFF  }
0x96: {  	s17 =	sld [smem:$0x11];
	(tm) =	ssettm $0x1  }
0x97: {  	s18 =	sld [smem:$0x3FFB];
	_ =	sdelay $0x3  }
0x98: {  	_ =	strace s18  }
0x99: {  	s4 =	sld [smem:$0x3FFC];
	_ =	sdelay $0x3  }
0x9a: {  	_ =	strace s4  }
0x9b: {  	s4 =	sld [smem:$0x3FFD];
	_ =	sdelay $0x3  }
0x9c: {  	_ =	strace s4  }
0x9d: {  	_ =	strace $0x8FFFFFFF  }
0x9e: {  	s19 =	sld [smem:$0x3FDB];
	_ =	sdelay $0x1  }
0x9f: {  	s5 =	simm.s32 $_scs_section_size  }
0xa0: {  	s6 =	simm.s32 $_size__tile_overlayer_lowered;
	s7 =	simm.s32 $_tile_overlayer_lowered  }
0xa1: {  	s22 =	simm.s32 $0x1BFF;
	s21 =	sshll.u32 s7, $0x1;
	s4 =	sadd.s32 s5, s19  }
0xa2: {  	s8 =	simm.s32 $0x0;
	s20 =	sshll.u32 s6, $0x1;
	s6 =	sadd.s32 s21, s4  }
0xa3: {  	[timem:s8], [sflag:s22] =	dma.local [hbm:s6], s20  }
0xa4: {  	_ =	swait.ge [sflag:s22], s20  }
0xa5: {  	s5 =	ssub.s32 $0x0, s20;
	[sflag:s22] =	ssyncset.done $0x0  }
0xa6: {  	[sflag:s22] =	ssyncadd.s32 s5;
	_ =	sdelay $0x1  }
0xa7: {  	s23 =	simm.s32 $0x1B8B  }
0xa8: {  	_ =	swait.ge [sflag:s23], $0x1  }
0xa9: {  	[sflag:s23] =	ssyncset.done $0x0  }
0xaa: {  	s25 =	simm.s32 $0x1B8E;
	s24 =	sld [smem:$0x3FFE];
	[sflag:s23] =	ssyncadd.s32 $0xFFFFFFFF  }
0xab: {  	s26 =	simm.s32 $execute0_lowered;
	[smem:$0x3FD2] =	sst s25  }
0xac: {  	s6 =	sshll.u32 s26, $0x1;
	_ =	strace $0x8000004C;
	[dreg:$0x1] =	wrdreg $0xFFFFFFFF  }
0xad: {  	s28 =	simm.s32 $_size_execute0_lowered;
	s4 =	sadd.s32 s4, s6;
	[dreg:$0x0] =	wrdreg $0x0  }
0xae: {  	s6 =	sshll.u32 s28, $0x1;
	[dreg:$0x2] =	wrdreg s4  }
0xaf: {  	[dreg:$0x3] =	wrdreg s6  }
0xb0: {  	[dreg:$0x4] =	wrdreg $0xC0  }
0xb1: {  	_ =	task [dreg:s8], $0x5FFFF  }
0xb2: {  	[dreg:$0x1] =	wrdreg $0xFFFFFFFF  }
0xb3: {  	[dreg:$0x0] =	wrdreg $0x60  }
0xb4: {  	[dreg:$0x2] =	wrdreg s24  }
0xb5: {  	[dreg:$0x3] =	wrdreg s17  }
0xb6: {  	[dreg:$0x4] =	wrdreg s16  }
0xb7: {  	[dreg:$0x5] =	wrdreg $0xA8000  }
0xb8: {  	[dreg:$0x6] =	wrdreg $0x9  }
0xb9: {  	_ =	task.clear_ibuf [dreg:s8], $0x7FFFF;
	_ =	strace $0x9000004C  }
0xba: {  	s29 =	simm.s32 $0x9;
	_ =	strace $0x8000004E  }
0xbb: {  	_ =	swait.ge [sflag:s29], $0x1  }
0xbc: {  	[sflag:s29] =	ssyncadd.s32 $0xFFFFFFFF  }
0xbd: {  	_ =	strace $0x9000004E  }
0xbe: {  	_ =	sfence  }
0xbf: {  	s30 =	sld [smem:$0x0];
	_ =	sdelay $0x2  }
0xc0: {  	s31 =	sshll.u32 s1, $0xD;
	s1 =	sshrl.u32 s1, $0x2  }
0xc1: {  	s3 =	sand.u32 $0x4000, s31;
	s1 =	sadd.s32 s1, s30  }
0xc2: {  	s0 =	sor.u32 s3, s0;
	s1 =	sshll.u32 s1, $0x11  }
0xc3: {  	s0 =	sor.u32 s1, s0  }
0xc4: {  	s0 =	sadd.s32 $0x8F2B, s0  }
0xc5: {  	[sflag:s0] =	ssyncadd.remote.s32 $0x1  }
0xc6: {  	_ =	sfence.sel $0xFFFF  }
0xc7: {  	[dreg:$0x0] =	wrdreg $0xFFFFFFFF;
	(pc) =	sbr.abs _section_cstart, $3  }
0xc8: {  	[dreg:$0x1] =	wrdreg $0xFFFFFFFF  }
0xc9: {  	_ =	task.clear_ibuf [dreg:s8], $0x2FFFF;
	_ =	strace $0x9FFFFFFF  }
0xca: {  	(tm) =	ssettm $0x7FFFFFFF  }
0xcb: {  	_ =	shalt  }
tec
execute0_lowered:
.L_overlay_start_1:
0x0: {  	(tag) =	ssettag $0x1  }
0x1: {  	s6 =	rddreg [dreg:$0x0]  }
0x2: {  	s12 =	rddreg [dreg:$0x1]  }
0x3: {  	s13 =	rddreg [dreg:$0x2]  }
0x4: {  	s2 =	rddreg [dreg:$0x3]  }
0x5: {  	s0 =	rddreg [dreg:$0x4]  }
0x6: {  	s4 =	srdreg.scid;
	s1 =	stileid.u32;
	s3 =	simm.s32 $0x0  }
0x7: {  	s17 =	simm.s32 $0x3;
	s18 =	simm.s32 $0x1400;
	s19 =	simm.s32 $0x80  }
0x8: {  	s20 =	simm.s32 $0x6800;
	s21 =	simm.s32 $0x1;
	s22 =	simm.s32 $0x2  }
0x9: {  	s23 =	simm.s32 $0x1380;
	s24 =	simm.s32 $0x2700;
	s7 =	smul.u32 $0x2800, s1  }
0xa: {  	s25 =	simm.s32 $0x2780;
	s5 =	sand.u32 $0x1, s4;
	s9 =	smul.u32 $0x50000, s1  }
0xb: {  	[smem:$0x7FF] =	sst s3;
	s4 =	sadd.s32 $0x3000, s6;
	s8 =	smul.u32 $0x28000, s5  }
0xc: {  	_ =	strace $0x8000004D;
	s29 =	sshll.u32 s5, $0x4;
	s10 =	ssub.s32 $0x2, s5  }
0xd: {  	s30 =	sshrl.u32 s9, $0x2;
	s31 =	sshrl.u32 s10, $0x1;
	s7 =	sadd.s32 s7, s8  }
0xe: {  	s8 =	sor.u32 s1, s29;
	s5 =	sadd.s32 s30, s2;
	s15 =	ssub.s32 s10, s31  }
0xf: {  	s11 =	smul.u32 $0x2800, s8;
	s14 =	sadd.s32 s7, s6;
	s6 =	sadd.s32 $0x4000, s5  }
0x10: {  	s7 =	sadd.s32 $0x8000, s5;
	s8 =	sadd.s32 $0xC000, s5;
	s9 =	sadd.s32 $0x10000, s5  }
0x11: {  	s15 =	smax.u32 s15, $0x1;
	s14 =	sadd.s32 $0x2B000, s14;
	s11 =	sshrl.u32 s11, $0x3  }
0x12: {  	s10 =	sadd.s32 s12, s11;
	s16 =	sadd.s32 $0x280, s11;
	s11 =	sadd.s32 s13, s11  }
0x13: {  	v0 =	vimm.f32 $0.0e+00;
	s12 =	sadd.s32 s12, s16;
	s13 =	sadd.s32 s13, s16;
	s16 =	simm.s32 $0x2800  }
.LBB2_1:
0x14: {  	s26 =	simm.s32 $0x0;
	s28 =	simm.s32 $0x200  }
.LBB2_2:
0x15: {  	p0 =	sne.s32 s28, $0xFE00;
	[tilespmem:s26+$0x2870] =	vst v0  }
0x16: {  	[tilespmem:s26+$0x2800] =	vst v0  }
0x17: {  	[tilespmem:s26+$0x2810] =	vst v0  }
.Ltmp0:
0x18: {  	[tilespmem:s26+$0x2820] =	vst v0;
	(pc) =	sbr.rel @p0 .LBB2_2-.Ltmp0, $4  }
0x19: {  	[tilespmem:s26+$0x2830] =	vst v0  }
0x1a: {  	[tilespmem:s26+$0x2840] =	vst v0  }
0x1b: {  	[tilespmem:s26+$0x2850] =	vst v0  }
0x1c: {  	[tilespmem:s26+$0x2860] =	vst v0;
	s26 =	sshra.s32 s28, $0x2;
	s28 =	sadd.s32 $0x200, s28  }
0x1d: {  	[tilespmem:s26+$0x2870] =	vst v0  }
0x1e: {  	[tilespmem:s26+$0x2800] =	vst v0  }
0x1f: {  	[tilespmem:s26+$0x2810] =	vst v0  }
0x20: {  	[tilespmem:s26+$0x2820] =	vst v0  }
0x21: {  	[tilespmem:s26+$0x2830] =	vst v0  }
0x22: {  	[tilespmem:s26+$0x2840] =	vst v0  }
0x23: {  	[tilespmem:s26+$0x2850] =	vst v0  }
0x24: {  	[tilespmem:s26+$0x2860] =	vst v0  }
0x25: {  	[spmem:s5] =	stream.linear.scatter [tilespmem:s16], [sflag:$0x3], $0x4000, $0x38;
	[tilespmem:$0x1E800] =	vst v63  }
0x26: {  	_ =	swait.ge [sflag:s17], $0x4000  }
0x27: {  	[sflag:s17] =	ssyncset.done $0x0  }
0x28: {  	[sflag:s17] =	ssyncadd.s32 $0xFFFFC000  }
0x29: {  	[spmem:s6] =	stream.linear.scatter [tilespmem:s16], [sflag:$0x3], $0x4000, $0x38;
	[tilespmem:$0x1E800] =	vst v63  }
0x2a: {  	_ =	swait.ge [sflag:s17], $0x4000  }
0x2b: {  	[sflag:s17] =	ssyncset.done $0x0  }
0x2c: {  	[sflag:s17] =	ssyncadd.s32 $0xFFFFC000  }
0x2d: {  	[spmem:s7] =	stream.linear.scatter [tilespmem:s16], [sflag:$0x3], $0x4000, $0x38;
	[tilespmem:$0x1E800] =	vst v63  }
0x2e: {  	_ =	swait.ge [sflag:s17], $0x4000  }
0x2f: {  	[sflag:s17] =	ssyncset.done $0x0  }
0x30: {  	[sflag:s17] =	ssyncadd.s32 $0xFFFFC000  }
0x31: {  	[spmem:s8] =	stream.linear.scatter [tilespmem:s16], [sflag:$0x3], $0x4000, $0x38;
	[tilespmem:$0x1E800] =	vst v63  }
0x32: {  	_ =	swait.ge [sflag:s17], $0x4000  }
0x33: {  	[sflag:s17] =	ssyncset.done $0x0  }
0x34: {  	[sflag:s17] =	ssyncadd.s32 $0xFFFFC000  }
0x35: {  	[spmem:s9] =	stream.linear.scatter [tilespmem:s16], [sflag:$0x3], $0x4000, $0x38;
	[tilespmem:$0x1E800] =	vst v63  }
0x36: {  	_ =	swait.ge [sflag:s17], $0x4000  }
0x37: {  	[sflag:s17] =	ssyncset.done $0x0  }
0x38: {  	[sflag:s17] =	ssyncadd.s32 $0xFFFFC000  }
0x39: {  	s30 =	simm.s32 $0x0;
	[bflag:$0x0] =	sbarrier.arrive $0xFFFF  }
0x3a: {  	[tilespmem:s30], [sflag:$0x3] =	stream.linear.gather [hbm4b:s10+s30], $0x1400, $0x38;
	[tilespmem:$0x1E800] =	vst v63  }
0x3b: {  	_ =	swait.ge [sflag:s17], $0x1400  }
0x3c: {  	[sflag:s17] =	ssyncset.done $0x0  }
0x3d: {  	[sflag:s17] =	ssyncadd.s32 $0xFFFFEC00  }
0x3e: {  	[tilespmem:s18], [sflag:$0x3] =	stream.linear.gather [hbm4b:s11+s30], $0x1400, $0x38;
	[tilespmem:$0x1E800] =	vst v63  }
0x3f: {  	_ =	swait.ge [sflag:s17], $0x1400  }
0x40: {  	[sflag:s17] =	ssyncset.done $0x0  }
0x41: {  	[sflag:s17] =	ssyncadd.s32 $0xFFFFEC00  }
0x42: {  	[tilespmem:s16], [sflag:$0x1] =	stream.indirect.gather [hbm4b:s4+s19], $0x80, s30, s19, $0xb8;
	[tilespmem:$0x1E800] =	vst v63  }
0x43: {  	s31 =	simm.s32 $0x80  }
0x44: {  	[tilespmem:s20], [sflag:$0x2] =	stream.indirect.gather [hbm4b:s4+s19], $0x80, s31, s19, $0xb8;
	[tilespmem:$0x1E800] =	vst v63  }
0x45: {  	_ =	swait.ge [sflag:s21], $0x4000  }
0x46: {  	[sflag:s21] =	ssyncset.done $0x0  }
0x47: {  	s29 =	simm.s32 $0x1400;
	[sflag:s21] =	ssyncadd.s32 $0xFFFFC000  }
0x48: {  	[spmem:s2] =	stream.indirect.scatter.add.f32 [tilespmem:s16], [sflag:$0x3], $0x80, s29, s19, $0xb8;
	[tilespmem:$0x1E800] =	vst v63  }
0x49: {  	_ =	swait.ge [sflag:s17], $0x4000  }
0x4a: {  	[sflag:s17] =	ssyncset.done $0x0  }
0x4b: {  	s30 =	simm.s32 $0x100;
	[sflag:s17] =	ssyncadd.s32 $0xFFFFC000  }
0x4c: {  	[tilespmem:s16], [sflag:$0x1] =	stream.indirect.gather [hbm4b:s4+s19], $0x80, s30, s19, $0xb8;
	[tilespmem:$0x1E800] =	vst v63  }
0x4d: {  	_ =	swait.ge [sflag:s22], $0x4000  }
0x4e: {  	[sflag:s22] =	ssyncset.done $0x0  }
0x4f: {  	s31 =	simm.s32 $0x1480;
	[sflag:s22] =	ssyncadd.s32 $0xFFFFC000  }
0x50: {  	[spmem:s2] =	stream.indirect.scatter.add.f32 [tilespmem:s20], [sflag:$0x3], $0x80, s31, s19, $0xb8;
	[tilespmem:$0x1E800] =	vst v63  }
0x51: {  	_ =	swait.ge [sflag:s17], $0x4000  }
0x52: {  	s28 =	simm.s32 $0x800;
	s26 =	simm.s32 $0x100;
	[sflag:s17] =	ssyncset.done $0x0  }
.LBB2_4:
0x53: {  	s29 =	sadd.s32 $0x80, s26  }
0x54: {  	[sflag:s17] =	ssyncadd.s32 $0xFFFFC000;
	s30 =	smov.u32 s28;
	s31 =	sadd.s32 $0x400, s28  }
0x55: {  	[tilespmem:s20], [sflag:$0x2] =	stream.indirect.gather [hbm4b:s4+s19], $0x80, s29, s19, $0xb8;
	[tilespmem:$0x1E800] =	vst v63  }
0x56: {  	p0 =	sne.s32 s28, $0x4800;
	_ =	swait.ge [sflag:s21], $0x4000  }
0x57: {  	[sflag:s21] =	ssyncset.done $0x0  }
0x58: {  	s28 =	sadd.s32 $0x1400, s26;
	[sflag:s21] =	ssyncadd.s32 $0xFFFFC000  }
0x59: {  	[spmem:s2] =	stream.indirect.scatter.add.f32 [tilespmem:s16], [sflag:$0x3], $0x80, s28, s19, $0xb8;
	[tilespmem:$0x1E800] =	vst v63  }
0x5a: {  	_ =	swait.ge [sflag:s17], $0x4000  }
0x5b: {  	[sflag:s17] =	ssyncset.done $0x0  }
0x5c: {  	s28 =	sadd.s32 $0x100, s26;
	[sflag:s17] =	ssyncadd.s32 $0xFFFFC000  }
0x5d: {  	[tilespmem:s16], [sflag:$0x1] =	stream.indirect.gather [hbm4b:s4+s19], $0x80, s28, s19, $0xb8;
	[tilespmem:$0x1E800] =	vst v63  }
0x5e: {  	_ =	swait.ge [sflag:s22], $0x4000  }
.Ltmp1:
0x5f: {  	[sflag:s22] =	ssyncset.done $0x0;
	(pc) =	sbr.rel @p0 .LBB2_4-.Ltmp1, $4  }
0x60: {  	s26 =	sadd.s32 $0x1480, s26;
	[sflag:s22] =	ssyncadd.s32 $0xFFFFC000  }
0x61: {  	[spmem:s2] =	stream.indirect.scatter.add.f32 [tilespmem:s20], [sflag:$0x3], $0x80, s26, s19, $0xb8;
	[tilespmem:$0x1E800] =	vst v63  }
0x62: {  	_ =	swait.ge [sflag:s17], $0x4000  }
0x63: {  	s28 =	smov.u32 s31;
	s26 =	sshra.s32 s30, $0x2;
	[sflag:s17] =	ssyncset.done $0x0  }
0x64: {  	s28 =	sadd.s32 $0x80, s26;
	[sflag:s17] =	ssyncadd.s32 $0xFFFFC000  }
0x65: {  	[tilespmem:s20], [sflag:$0x2] =	stream.indirect.gather [hbm4b:s4+s19], $0x80, s28, s19, $0xb8;
	[tilespmem:$0x1E800] =	vst v63  }
0x66: {  	_ =	swait.ge [sflag:s21], $0x4000  }
0x67: {  	[sflag:s21] =	ssyncset.done $0x0  }
0x68: {  	s28 =	sadd.s32 $0x1400, s26;
	[sflag:s21] =	ssyncadd.s32 $0xFFFFC000  }
0x69: {  	[spmem:s2] =	stream.indirect.scatter.add.f32 [tilespmem:s16], [sflag:$0x3], $0x80, s28, s19, $0xb8;
	[tilespmem:$0x1E800] =	vst v63  }
0x6a: {  	_ =	swait.ge [sflag:s17], $0x4000  }
0x6b: {  	[sflag:s17] =	ssyncset.done $0x0  }
0x6c: {  	s28 =	sadd.s32 $0x100, s26;
	[sflag:s17] =	ssyncadd.s32 $0xFFFFC000  }
0x6d: {  	[tilespmem:s16], [sflag:$0x1] =	stream.indirect.gather [hbm4b:s4+s19], $0x80, s28, s19, $0xb8;
	[tilespmem:$0x1E800] =	vst v63  }
0x6e: {  	_ =	swait.ge [sflag:s22], $0x4000  }
0x6f: {  	[sflag:s22] =	ssyncset.done $0x0  }
0x70: {  	s29 =	sadd.s32 $0x1480, s26;
	[sflag:s22] =	ssyncadd.s32 $0xFFFFC000  }
0x71: {  	[spmem:s2] =	stream.indirect.scatter.add.f32 [tilespmem:s20], [sflag:$0x3], $0x80, s29, s19, $0xb8;
	[tilespmem:$0x1E800] =	vst v63  }
0x72: {  	_ =	swait.ge [sflag:s17], $0x4000  }
0x73: {  	[sflag:s17] =	ssyncset.done $0x0  }
0x74: {  	[sflag:s17] =	ssyncadd.s32 $0xFFFFC000  }
0x75: {  	[tilespmem:s20], [sflag:$0x2] =	stream.indirect.gather [hbm4b:s4+s19], $0x80, s23, s19, $0xb8;
	[tilespmem:$0x1E800] =	vst v63  }
0x76: {  	_ =	swait.ge [sflag:s21], $0x4000  }
0x77: {  	[sflag:s21] =	ssyncset.done $0x0  }
0x78: {  	[sflag:s21] =	ssyncadd.s32 $0xFFFFC000  }
0x79: {  	[spmem:s2] =	stream.indirect.scatter.add.f32 [tilespmem:s16], [sflag:$0x3], $0x80, s24, s19, $0xb8;
	[tilespmem:$0x1E800] =	vst v63  }
0x7a: {  	_ =	swait.ge [sflag:s17], $0x4000  }
0x7b: {  	[sflag:s17] =	ssyncset.done $0x0  }
0x7c: {  	[sflag:s17] =	ssyncadd.s32 $0xFFFFC000  }
0x7d: {  	[tilespmem:s16], [sflag:$0x1] =	stream.indirect.gather [hbm4b:s4+s19], $0x80, s23, s19, $0xb8;
	[tilespmem:$0x1E800] =	vst v63  }
0x7e: {  	_ =	swait.ge [sflag:s22], $0x4000  }
0x7f: {  	[sflag:s22] =	ssyncset.done $0x0  }
0x80: {  	[sflag:s22] =	ssyncadd.s32 $0xFFFFC000  }
0x81: {  	[spmem:s2] =	stream.indirect.scatter.add.f32 [tilespmem:s20], [sflag:$0x3], $0x80, s25, s19, $0xb8;
	[tilespmem:$0x1E800] =	vst v63  }
0x82: {  	_ =	swait.ge [sflag:s17], $0x4000  }
0x83: {  	[sflag:s17] =	ssyncset.done $0x0  }
0x84: {  	[sflag:s17] =	ssyncadd.s32 $0xFFFFC000  }
0x85: {  	_ =	swait.ge [sflag:s21], $0x4000  }
0x86: {  	[sflag:s21] =	ssyncset.done $0x0  }
0x87: {  	s30 =	simm.s32 $0x0;
	[sflag:s21] =	ssyncadd.s32 $0xFFFFC000  }
0x88: {  	[tilespmem:s30], [sflag:$0x3] =	stream.linear.gather [hbm4b:s12+s30], $0x1400, $0x38;
	[tilespmem:$0x1E800] =	vst v63  }
0x89: {  	_ =	swait.ge [sflag:s17], $0x1400  }
0x8a: {  	[sflag:s17] =	ssyncset.done $0x0  }
0x8b: {  	[sflag:s17] =	ssyncadd.s32 $0xFFFFEC00  }
0x8c: {  	[tilespmem:s18], [sflag:$0x3] =	stream.linear.gather [hbm4b:s13+s30], $0x1400, $0x38;
	[tilespmem:$0x1E800] =	vst v63  }
0x8d: {  	_ =	swait.ge [sflag:s17], $0x1400  }
0x8e: {  	[sflag:s17] =	ssyncset.done $0x0  }
0x8f: {  	[sflag:s17] =	ssyncadd.s32 $0xFFFFEC00  }
0x90: {  	[tilespmem:s16], [sflag:$0x1] =	stream.indirect.gather [hbm4b:s4+s19], $0x80, s30, s19, $0xb8;
	[tilespmem:$0x1E800] =	vst v63  }
0x91: {  	s31 =	simm.s32 $0x80  }
0x92: {  	[tilespmem:s20], [sflag:$0x2] =	stream.indirect.gather [hbm4b:s4+s19], $0x80, s31, s19, $0xb8;
	[tilespmem:$0x1E800] =	vst v63  }
0x93: {  	_ =	swait.ge [sflag:s21], $0x4000  }
0x94: {  	[sflag:s21] =	ssyncset.done $0x0  }
0x95: {  	s29 =	simm.s32 $0x1400;
	[sflag:s21] =	ssyncadd.s32 $0xFFFFC000  }
0x96: {  	[spmem:s2] =	stream.indirect.scatter.add.f32 [tilespmem:s16], [sflag:$0x3], $0x80, s29, s19, $0xb8;
	[tilespmem:$0x1E800] =	vst v63  }
0x97: {  	_ =	swait.ge [sflag:s17], $0x4000  }
0x98: {  	[sflag:s17] =	ssyncset.done $0x0  }
0x99: {  	s30 =	simm.s32 $0x100;
	[sflag:s17] =	ssyncadd.s32 $0xFFFFC000  }
0x9a: {  	[tilespmem:s16], [sflag:$0x1] =	stream.indirect.gather [hbm4b:s4+s19], $0x80, s30, s19, $0xb8;
	[tilespmem:$0x1E800] =	vst v63  }
0x9b: {  	_ =	swait.ge [sflag:s22], $0x4000  }
0x9c: {  	[sflag:s22] =	ssyncset.done $0x0  }
0x9d: {  	s31 =	simm.s32 $0x1480;
	[sflag:s22] =	ssyncadd.s32 $0xFFFFC000  }
0x9e: {  	[spmem:s2] =	stream.indirect.scatter.add.f32 [tilespmem:s20], [sflag:$0x3], $0x80, s31, s19, $0xb8;
	[tilespmem:$0x1E800] =	vst v63  }
0x9f: {  	_ =	swait.ge [sflag:s17], $0x4000  }
0xa0: {  	s26 =	simm.s32 $0x100;
	s28 =	simm.s32 $0x800;
	[sflag:s17] =	ssyncset.done $0x0  }
.LBB2_6:
0xa1: {  	s29 =	sadd.s32 $0x80, s26  }
0xa2: {  	[sflag:s17] =	ssyncadd.s32 $0xFFFFC000;
	s30 =	smov.u32 s28;
	s31 =	sadd.s32 $0x400, s28  }
0xa3: {  	[tilespmem:s20], [sflag:$0x2] =	stream.indirect.gather [hbm4b:s4+s19], $0x80, s29, s19, $0xb8;
	[tilespmem:$0x1E800] =	vst v63  }
0xa4: {  	p0 =	sne.s32 s28, $0x4800;
	_ =	swait.ge [sflag:s21], $0x4000  }
0xa5: {  	[sflag:s21] =	ssyncset.done $0x0  }
0xa6: {  	s28 =	sadd.s32 $0x1400, s26;
	[sflag:s21] =	ssyncadd.s32 $0xFFFFC000  }
0xa7: {  	[spmem:s2] =	stream.indirect.scatter.add.f32 [tilespmem:s16], [sflag:$0x3], $0x80, s28, s19, $0xb8;
	[tilespmem:$0x1E800] =	vst v63  }
0xa8: {  	_ =	swait.ge [sflag:s17], $0x4000  }
0xa9: {  	[sflag:s17] =	ssyncset.done $0x0  }
0xaa: {  	s28 =	sadd.s32 $0x100, s26;
	[sflag:s17] =	ssyncadd.s32 $0xFFFFC000  }
0xab: {  	[tilespmem:s16], [sflag:$0x1] =	stream.indirect.gather [hbm4b:s4+s19], $0x80, s28, s19, $0xb8;
	[tilespmem:$0x1E800] =	vst v63  }
0xac: {  	_ =	swait.ge [sflag:s22], $0x4000  }
.Ltmp2:
0xad: {  	[sflag:s22] =	ssyncset.done $0x0;
	(pc) =	sbr.rel @p0 .LBB2_6-.Ltmp2, $4  }
0xae: {  	s26 =	sadd.s32 $0x1480, s26;
	[sflag:s22] =	ssyncadd.s32 $0xFFFFC000  }
0xaf: {  	[spmem:s2] =	stream.indirect.scatter.add.f32 [tilespmem:s20], [sflag:$0x3], $0x80, s26, s19, $0xb8;
	[tilespmem:$0x1E800] =	vst v63  }
0xb0: {  	_ =	swait.ge [sflag:s17], $0x4000  }
0xb1: {  	s28 =	smov.u32 s31;
	s26 =	sshra.s32 s30, $0x2;
	[sflag:s17] =	ssyncset.done $0x0  }
0xb2: {  	s28 =	sadd.s32 $0x80, s26;
	[sflag:s17] =	ssyncadd.s32 $0xFFFFC000  }
0xb3: {  	[tilespmem:s20], [sflag:$0x2] =	stream.indirect.gather [hbm4b:s4+s19], $0x80, s28, s19, $0xb8;
	[tilespmem:$0x1E800] =	vst v63  }
0xb4: {  	_ =	swait.ge [sflag:s21], $0x4000  }
0xb5: {  	[sflag:s21] =	ssyncset.done $0x0  }
0xb6: {  	s30 =	sadd.s32 $0x1400, s26;
	[sflag:s21] =	ssyncadd.s32 $0xFFFFC000  }
0xb7: {  	[spmem:s2] =	stream.indirect.scatter.add.f32 [tilespmem:s16], [sflag:$0x3], $0x80, s30, s19, $0xb8;
	[tilespmem:$0x1E800] =	vst v63  }
0xb8: {  	_ =	swait.ge [sflag:s17], $0x4000  }
0xb9: {  	[sflag:s17] =	ssyncset.done $0x0  }
0xba: {  	s31 =	sadd.s32 $0x100, s26;
	[sflag:s17] =	ssyncadd.s32 $0xFFFFC000  }
0xbb: {  	[tilespmem:s16], [sflag:$0x1] =	stream.indirect.gather [hbm4b:s4+s19], $0x80, s31, s19, $0xb8;
	[tilespmem:$0x1E800] =	vst v63  }
0xbc: {  	_ =	swait.ge [sflag:s22], $0x4000  }
0xbd: {  	[sflag:s22] =	ssyncset.done $0x0  }
0xbe: {  	s29 =	sadd.s32 $0x1480, s26;
	[sflag:s22] =	ssyncadd.s32 $0xFFFFC000  }
0xbf: {  	[spmem:s2] =	stream.indirect.scatter.add.f32 [tilespmem:s20], [sflag:$0x3], $0x80, s29, s19, $0xb8;
	[tilespmem:$0x1E800] =	vst v63  }
0xc0: {  	_ =	swait.ge [sflag:s17], $0x4000  }
0xc1: {  	[sflag:s17] =	ssyncset.done $0x0  }
0xc2: {  	[sflag:s17] =	ssyncadd.s32 $0xFFFFC000  }
0xc3: {  	[tilespmem:s20], [sflag:$0x2] =	stream.indirect.gather [hbm4b:s4+s19], $0x80, s23, s19, $0xb8;
	[tilespmem:$0x1E800] =	vst v63  }
0xc4: {  	_ =	swait.ge [sflag:s21], $0x4000  }
0xc5: {  	[sflag:s21] =	ssyncset.done $0x0  }
0xc6: {  	[sflag:s21] =	ssyncadd.s32 $0xFFFFC000  }
0xc7: {  	[spmem:s2] =	stream.indirect.scatter.add.f32 [tilespmem:s16], [sflag:$0x3], $0x80, s24, s19, $0xb8;
	[tilespmem:$0x1E800] =	vst v63  }
0xc8: {  	_ =	swait.ge [sflag:s17], $0x4000  }
0xc9: {  	[sflag:s17] =	ssyncset.done $0x0  }
0xca: {  	[sflag:s17] =	ssyncadd.s32 $0xFFFFC000  }
0xcb: {  	[tilespmem:s16], [sflag:$0x1] =	stream.indirect.gather [hbm4b:s4+s19], $0x80, s23, s19, $0xb8;
	[tilespmem:$0x1E800] =	vst v63  }
0xcc: {  	_ =	swait.ge [sflag:s22], $0x4000  }
0xcd: {  	[sflag:s22] =	ssyncset.done $0x0  }
0xce: {  	[sflag:s22] =	ssyncadd.s32 $0xFFFFC000  }
0xcf: {  	[spmem:s2] =	stream.indirect.scatter.add.f32 [tilespmem:s20], [sflag:$0x3], $0x80, s25, s19, $0xb8;
	[tilespmem:$0x1E800] =	vst v63  }
0xd0: {  	_ =	swait.ge [sflag:s17], $0x4000  }
0xd1: {  	[sflag:s17] =	ssyncset.done $0x0  }
0xd2: {  	[sflag:s17] =	ssyncadd.s32 $0xFFFFC000  }
0xd3: {  	_ =	swait.ge [sflag:s21], $0x4000  }
0xd4: {  	s3 =	sadd.s32 $0x1, s3;
	s30 =	sshll.u32 s1, $0x6;
	[sflag:s21] =	ssyncset.done $0x0  }
0xd5: {  	p0 =	sne.s32 s3, s15;
	s26 =	sor.u32 $0x1C03, s30;
	[sflag:s21] =	ssyncadd.s32 $0xFFFFC000  }
.Ltmp3:
0xd6: {  	s31 =	sshrl.u32 s5, $0x3;
	[bflag:$0x0] =	sbarrier.arrive $0xFFFF;
	(pc) =	sbr.rel @p0 .LBB2_1-.Ltmp3, $4  }
0xd7: {  	[hbm:s14], [sflag:s26] =	dma.local [spmem:s31], $0x2800  }
0xd8: {  	_ =	swait.ge [sflag:s17], $0x2800  }
0xd9: {  	[sflag:s17] =	ssyncset.done $0x0  }
0xda: {  	[sflag:s17] =	ssyncadd.s32 $0xFFFFD800  }
0xdb: {  	_ =	sfence.sel $0x180000  }
0xdc: {  	[bflag:$0x0] =	sbarrier.arrive $0xFFFF  }
0xdd: {  	p0 =	sne.s32 s1, $0x0;
	_ =	strace $0x9000004D  }
0xde: {  	s0 =	sadd.s32 @!p0 $0x100000, s0;
	[bflag:$0x2] =	sbarrier.arrive $0xFFFF  }
0xdf: {  	[sflag:s0] =	ssyncadd.tile.s32 @!p0 $0x1;
	_ =	shalt  }
.Lfunc_end2:
_tile_overlayer_lowered:
.L_overlay_start_2:
0xe0: {  	(tag) =	ssettag $0x2  }
0xe1: {  	s0 =	rddreg [dreg:$0x0];
	s2 =	stileid.u32  }
0xe2: {  	s1 =	rddreg [dreg:$0x1];
	p0 =	sne.s32 s2, $0x0  }
0xe3: {  	s3 =	rddreg [dreg:$0x2];
	[bflag:$0x3] =	sbarrier.arrive $0xFFFF;
	s2 =	simm.s32 @!p0 $0x1C03  }
0xe4: {  	[timem:s3], [sflag:s2] =	dma.local @!p0 [hbm:s0], s1  }
0xe5: {  	s0 =	simm.s32 @!p0 $0x3  }
0xe6: {  	_ =	swait.ge @!p0 [sflag:s0], s1  }
0xe7: {  	s1 =	ssub.s32 @!p0 $0x0, s1;
	[sflag:s0] =	ssyncset.done @!p0 $0x0  }
0xe8: {  	[sflag:s0] =	ssyncadd.s32 @!p0 s1  }
0xe9: {  	[bflag:$0x3] =	sbarrier.arrive $0xFFFF  }
0xea: {  	_ =	shalt  }

// kernel: kernel.8.cloned.1.call-start
scs
__scs_entry_jumppad:
0x0: {  	(pc) =	sbr.rel $0x88, $3  }
0x1: {  	(tag) =	ssettag $0x0;
	lr =	simm.s32 $0x1  }
0x2: {  	[smem:$0x3F96] =	sst lr;
	_ =	strace $0xD0000000  }
0x3: {  	_ = 	snop  }
0x4: {  	_ = 	snop  }
0x5: {  	_ = 	snop  }
0x6: {  	_ = 	snop  }
0x7: {  	_ = 	snop  }
__scs_overlays_trampoline_lowered:
0x8: {  	[smem:$0x3FA5] =	sst s0  }
0x9: {  	[smem:$0x3FA6] =	sst s1  }
0xa: {  	[smem:$0x3FA7] =	sst s2  }
0xb: {  	[smem:$0x3FA8] =	sst s3  }
0xc: {  	[smem:$0x3FA9] =	sst s4  }
0xd: {  	[smem:$0x3FAA] =	sst s5  }
0xe: {  	[smem:$0x3FAB] =	sst s6  }
0xf: {  	[smem:$0x3FAC] =	sst s7  }
0x10: {  	[smem:$0x3FAD] =	sst s8  }
0x11: {  	[smem:$0x3FAE] =	sst s9;
	s0 =	simm.s32 @!p0 $0x0  }
0x12: {  	s1 =	sld [smem:$0x3F94];
	s0 =	simm.s32 @p0 $0x1  }
0x13: {  	[smem:$0x3FAF] =	sst s0;
	s0 =	simm.s32 @!p1 $0x0  }
0x14: {  	s2 =	sld [smem:$0x3F93];
	s0 =	simm.s32 @p1 $0x1  }
0x15: {  	[smem:$0x3FB0] =	sst s0;
	s0 =	simm.s32 @!p2 $0x0  }
0x16: {  	s3 =	sld [smem:$0x3FDB];
	s0 =	simm.s32 @p2 $0x1  }
0x17: {  	s4 =	simm.s32 $0x1BF5;
	[smem:$0x3FB2] =	sst s0  }
0x18: {  	s0 =	sld [smem:$0x3F95];
	_ =	swait.ge [sflag:s4], $0x0  }
0x19: {  	s7 =	sld [smem:$0x3F96]  }
0x1a: {  	s8 =	sadd.s32 $0xFFFFE003, lr  }
0x1b: {  	s9 =	sadd.s32 $0xFFFFFEF7, lr;
	s5 =	simm.s32 $0xFFFFFFFF;
	p2 =	slt.u32 s8, $0xFFFFF086  }
0x1c: {  	p1 =	slt.u32 s9, $0xF7A;
	s5 =	simm.s32 @!p2 $0x0  }
0x1d: {  	s5 =	simm.s32 @p1 $0x1;
	p0 =	seq.s32 s7, s2  }
0x1e: {  	s7 =	smul.u32 @!p0 $0xF7A, s2;
	p2 =	seq.s32 @!p0 s5, $0x0  }
0x1f: {  	s9 =	smul.u32 $0xF7A, s1;
	s8 =	simm.s32 @!p0 $0x1BF5;
	p2 =	por !p2, p0  }
0x20: {  	[sflag:s8] =	ssyncset.s32 @!p0 $0xFFFFF086;
	s6 =	sadd.s32 @!p0 s3, s7;
	s7 =	simm.s32 @!p0 $0x108  }
0x21: {  	s3 =	sadd.s32 s3, s9;
	s6 =	sadd.s32 @!p0 $0x88, s6;
	s7 =	simm.s32 @p2 $0x1082  }
0x22: {  	[simem:s7], [sflag:s8] =	dma.local @!p0 [hbm:s6], $0xF7A  }
0x23: {  	s9 =	sor.u32 $0xD0000000, s2;
	s6 =	simm.s32 $0x108;
	_ =	swait.ge @!p0 [sflag:s8], $0x0  }
0x24: {  	s3 =	sadd.s32 $0x88, s3;
	s6 =	simm.s32 @!p1 $0x1082;
	[sflag:s4] =	ssyncset.s32 $0xFFFFF086  }
0x25: {  	[simem:s6], [sflag:s4] =	dma.local [hbm:s3], $0xF7A  }
0x26: {  	[smem:$0x3F96] =	sst s1;
	(tag) =	ssettag s2;
	_ =	strace s9  }
0x27: {  	s1 =	sld [smem:$0x3FA6]  }
0x28: {  	s2 =	sld [smem:$0x3FA7]  }
0x29: {  	s4 =	sld [smem:$0x3FA9]  }
0x2a: {  	p0 =	seq.s32 s5, $0x0;
	s5 =	sld [smem:$0x3FAA]  }
0x2b: {  	s6 =	sld [smem:$0x3FAB]  }
0x2c: {  	s7 =	sld [smem:$0x3FAC]  }
0x2d: {  	s3 =	simm.s32 $0x108;
	s8 =	sld [smem:$0x3FAD]  }
0x2e: {  	s3 =	simm.s32 @!p0 $0x1082;
	s9 =	sld [smem:$0x3FAE]  }
0x2f: {  	lr =	sadd.s32 s0, s3;
	s0 =	sld [smem:$0x3FA5]  }
0x30: {  	s3 =	sld [smem:$0x3FA8]  }
0x31: {  	[smem:$0x3FB1] =	sst s10  }
0x32: {  	s10 =	sld [smem:$0x3FAF];
	_ =	sdelay $0x3  }
0x33: {  	p0 =	seq.s32 s10, $0x1;
	s10 =	sld [smem:$0x3FB1];
	_ =	sdelay $0x3  }
0x34: {  	[smem:$0x3FB1] =	sst s10  }
0x35: {  	s10 =	sld [smem:$0x3FB0];
	_ =	sdelay $0x3  }
0x36: {  	p1 =	seq.s32 s10, $0x1;
	s10 =	sld [smem:$0x3FB1];
	_ =	sdelay $0x3  }
0x37: {  	[smem:$0x3FB1] =	sst s10  }
0x38: {  	s10 =	sld [smem:$0x3FB2]  }
0x39: {  	_ = 	snop;
	(pc) =	sbr.ind lr, $3  }
0x3a: {  	_ = 	snop  }
0x3b: {  	_ = 	snop  }
0x3c: {  	p2 =	seq.s32 s10, $0x1;
	s10 =	sld [smem:$0x3FB1]  }
0x3d: {  	_ =	shalt  }
0x3e: {  	_ =	shalt  }
0x3f: {  	_ =	shalt  }
0x40: {  	_ =	shalt  }
0x41: {  	_ =	shalt  }
0x42: {  	_ =	shalt  }
0x43: {  	_ =	shalt  }
0x44: {  	_ =	shalt  }
0x45: {  	_ =	shalt  }
0x46: {  	_ =	shalt  }
0x47: {  	_ =	shalt  }
0x48: {  	_ =	shalt  }
0x49: {  	_ =	shalt  }
0x4a: {  	_ =	shalt  }
0x4b: {  	_ =	shalt  }
0x4c: {  	_ =	shalt  }
0x4d: {  	_ =	shalt  }
0x4e: {  	_ =	shalt  }
0x4f: {  	_ =	shalt  }
0x50: {  	_ =	shalt  }
0x51: {  	_ =	shalt  }
0x52: {  	_ =	shalt  }
0x53: {  	_ =	shalt  }
0x54: {  	_ =	shalt  }
0x55: {  	_ =	shalt  }
0x56: {  	_ =	shalt  }
0x57: {  	_ =	shalt  }
0x58: {  	_ =	shalt  }
0x59: {  	_ =	shalt  }
0x5a: {  	_ =	shalt  }
0x5b: {  	_ =	shalt  }
0x5c: {  	_ =	shalt  }
0x5d: {  	_ =	shalt  }
0x5e: {  	_ =	shalt  }
0x5f: {  	_ =	shalt  }
0x60: {  	_ =	shalt  }
0x61: {  	_ =	shalt  }
0x62: {  	_ =	shalt  }
0x63: {  	_ =	shalt  }
0x64: {  	_ =	shalt  }
0x65: {  	_ =	shalt  }
0x66: {  	_ =	shalt  }
0x67: {  	_ =	shalt  }
0x68: {  	_ =	shalt  }
0x69: {  	_ =	shalt  }
0x6a: {  	_ =	shalt  }
0x6b: {  	_ =	shalt  }
0x6c: {  	_ =	shalt  }
0x6d: {  	_ =	shalt  }
0x6e: {  	_ =	shalt  }
0x6f: {  	_ =	shalt  }
0x70: {  	_ =	shalt  }
0x71: {  	_ =	shalt  }
0x72: {  	_ =	shalt  }
0x73: {  	_ =	shalt  }
0x74: {  	_ =	shalt  }
0x75: {  	_ =	shalt  }
0x76: {  	_ =	shalt  }
0x77: {  	_ =	shalt  }
0x78: {  	_ =	shalt  }
0x79: {  	_ =	shalt  }
0x7a: {  	_ =	shalt  }
0x7b: {  	_ =	shalt  }
0x7c: {  	_ =	shalt  }
0x7d: {  	_ =	shalt  }
0x7e: {  	_ =	shalt  }
0x7f: {  	_ =	shalt  }
0x80: {  	_ =	shalt  }
0x81: {  	_ =	shalt  }
0x82: {  	_ =	shalt  }
0x83: {  	_ =	shalt  }
0x84: {  	_ =	shalt  }
0x85: {  	_ =	shalt  }
0x86: {  	_ =	shalt  }
0x87: {  	_ =	shalt  }
.Lfunc_end0:
.L_simem_size_0:
called_computation_lowered:
.L_overlay_start_0:
0x88: {  	s2 =	sld [smem:$0x3FD9]  }
0x89: {  	s3 =	sld [smem:$0x3FFE];
	_ =	sdelay $0x1  }
0x8a: {  	s1 =	srdreg.scid  }
0x8b: {  	s0 =	sand.u32 $0x1, s1  }
0x8c: {  	s14 =	sshll.u32 s0, $0xA;
	s2 =	sadd.s32 s3, s2  }
0x8d: {  	s2 =	sadd.s32 s2, s14  }
0x8e: {  	[smem:$0x3FBD] =	sst s2  }
0x8f: {  	_ = 	snop  }
0x90: {  	s2 =	sld [smem:$0x3FD0];
	_ =	sdelay $0x2  }
0x91: {  	s15 =	simm.s32 $0xA;
	s4 =	simm.s32 $0x10  }
0x92: {  	[smem:s4], [sflag:s15] =	dma.local [hbm:s2], $0x1  }
0x93: {  	_ =	swait.eq [sflag:s15], $0x1  }
0x94: {  	[sflag:s15] =	ssyncset.done $0x0  }
0x95: {  	[sflag:s15] =	ssyncadd.s32 $0xFFFFFFFF  }
0x96: {  	s16 =	sld [smem:$0x10];
	(tm) =	ssettm $0x1  }
0x97: {  	s17 =	sld [smem:$0x3FFB];
	_ =	sdelay $0x3  }
0x98: {  	_ =	strace s17  }
0x99: {  	s3 =	sld [smem:$0x3FFC];
	_ =	sdelay $0x3  }
0x9a: {  	_ =	strace s3  }
0x9b: {  	s3 =	sld [smem:$0x3FFD];
	_ =	sdelay $0x3  }
0x9c: {  	_ =	strace s3  }
0x9d: {  	_ =	strace $0x8FFFFFFF  }
0x9e: {  	s18 =	sld [smem:$0x3FDB];
	_ =	sdelay $0x1  }
0x9f: {  	s19 =	simm.s32 $_scs_section_size  }
0xa0: {  	s5 =	simm.s32 $_size__tile_overlayer_lowered;
	s6 =	simm.s32 $_tile_overlayer_lowered  }
0xa1: {  	s22 =	simm.s32 $0x1BFF;
	s21 =	sshll.u32 s6, $0x1;
	s3 =	sadd.s32 s19, s18  }
0xa2: {  	s7 =	simm.s32 $0x0;
	s20 =	sshll.u32 s5, $0x1;
	s5 =	sadd.s32 s21, s3  }
0xa3: {  	[timem:s7], [sflag:s22] =	dma.local [hbm:s5], s20  }
0xa4: {  	_ =	swait.ge [sflag:s22], s20  }
0xa5: {  	s4 =	ssub.s32 $0x0, s20;
	[sflag:s22] =	ssyncset.done $0x0  }
0xa6: {  	[sflag:s22] =	ssyncadd.s32 s4;
	_ =	sdelay $0x1  }
0xa7: {  	s23 =	simm.s32 $0x1B8B  }
0xa8: {  	_ =	swait.ge [sflag:s23], $0x1  }
0xa9: {  	[sflag:s23] =	ssyncset.done $0x0  }
0xaa: {  	s25 =	simm.s32 $0x1B8E;
	s24 =	sld [smem:$0x3FFE];
	[sflag:s23] =	ssyncadd.s32 $0xFFFFFFFF  }
0xab: {  	s26 =	simm.s32 $execute0_lowered;
	[smem:$0x3FD2] =	sst s25  }
0xac: {  	s5 =	sshll.u32 s26, $0x1;
	_ =	strace $0x80000046;
	[dreg:$0x1] =	wrdreg $0xFFFFFFFF  }
0xad: {  	s28 =	simm.s32 $_size_execute0_lowered;
	s3 =	sadd.s32 s3, s5;
	[dreg:$0x0] =	wrdreg $0x0  }
0xae: {  	s5 =	sshll.u32 s28, $0x1;
	[dreg:$0x2] =	wrdreg s3  }
0xaf: {  	[dreg:$0x3] =	wrdreg s5  }
0xb0: {  	[dreg:$0x4] =	wrdreg $0xC0  }
0xb1: {  	_ =	task [dreg:s7], $0x5FFFF  }
0xb2: {  	[dreg:$0x1] =	wrdreg $0xFFFFFFFF  }
0xb3: {  	[dreg:$0x0] =	wrdreg $0x60  }
0xb4: {  	[dreg:$0x2] =	wrdreg s16  }
0xb5: {  	[dreg:$0x3] =	wrdreg s24  }
0xb6: {  	[dreg:$0x4] =	wrdreg $0x17000  }
0xb7: {  	[dreg:$0x5] =	wrdreg $0x9  }
0xb8: {  	_ =	task.clear_ibuf [dreg:s7], $0x6FFFF;
	_ =	strace $0x90000046  }
0xb9: {  	s29 =	simm.s32 $0x9;
	_ =	strace $0x80000048  }
0xba: {  	_ =	swait.ge [sflag:s29], $0x1  }
0xbb: {  	[sflag:s29] =	ssyncadd.s32 $0xFFFFFFFF  }
0xbc: {  	_ =	strace $0x90000048  }
0xbd: {  	_ =	sfence  }
0xbe: {  	s30 =	sld [smem:$0x0];
	_ =	sdelay $0x2  }
0xbf: {  	s31 =	sshll.u32 s1, $0xD;
	s1 =	sshrl.u32 s1, $0x2  }
0xc0: {  	s3 =	sand.u32 $0x4000, s31;
	s1 =	sadd.s32 s1, s30  }
0xc1: {  	s0 =	sor.u32 s3, s0;
	s1 =	sshll.u32 s1, $0x11  }
0xc2: {  	s0 =	sor.u32 s1, s0  }
0xc3: {  	s0 =	sadd.s32 $0x8F2B, s0  }
0xc4: {  	[sflag:s0] =	ssyncadd.remote.s32 $0x1  }
0xc5: {  	_ =	sfence.sel $0xFFFF  }
0xc6: {  	[dreg:$0x0] =	wrdreg $0xFFFFFFFF;
	(pc) =	sbr.abs _section_cstart, $3  }
0xc7: {  	[dreg:$0x1] =	wrdreg $0xFFFFFFFF  }
0xc8: {  	_ =	task.clear_ibuf [dreg:s7], $0x2FFFF;
	_ =	strace $0x9FFFFFFF  }
0xc9: {  	(tm) =	ssettm $0x7FFFFFFF  }
tec
execute0_lowered:
.L_overlay_start_1:
0x0: {  	(tag) =	ssettag $0x1  }
0x1: {  	s0 =	rddreg [dreg:$0x0]  }
0x2: {  	s1 =	rddreg [dreg:$0x1];
	s3 =	srdreg.scid  }
0x3: {  	s2 =	rddreg [dreg:$0x2];
	s8 =	stileid.u32;
	s10 =	simm.s32 $0x2  }
0x4: {  	s11 =	simm.s32 $0x80;
	s12 =	simm.s32 $0x1400;
	s30 =	simm.s32 $0x100  }
0x5: {  	s31 =	simm.s32 $0x180;
	s9 =	simm.s32 $0xB00;
	s13 =	simm.s32 $0xD00  }
0x6: {  	s14 =	simm.s32 $0xD80;
	s15 =	simm.s32 $0xE00;
	s16 =	simm.s32 $0xF00  }
0x7: {  	s17 =	simm.s32 $0xF80;
	s18 =	simm.s32 $0x1000;
	s19 =	simm.s32 $0x1080  }
0x8: {  	s20 =	simm.s32 $0x1100;
	s21 =	simm.s32 $0x1180;
	s22 =	simm.s32 $0x1200  }
0x9: {  	s23 =	simm.s32 $0x1280;
	s24 =	simm.s32 $0x1300;
	s28 =	simm.s32 $0x0  }
0xa: {  	s4 =	sand.u32 $0x1, s3;
	s5 =	smul.u32 $0x280, s8;
	s3 =	simm.s32 $0x0  }
0xb: {  	s6 =	sshll.u32 s4, $0x4;
	s7 =	smul.u32 $0x2800, s4;
	[smem:$0x7FF] =	sst s3  }
0xc: {  	s4 =	ssub.s32 $0x2, s4;
	s6 =	sor.u32 s8, s6;
	_ =	strace $0x80000047  }
0xd: {  	s25 =	sshrl.u32 s4, $0x1;
	s8 =	simm.s32 $0xC80;
	s6 =	smul.u32 $0x2800, s6  }
0xe: {  	s7 =	sadd.s32 s5, s7;
	s4 =	ssub.s32 s4, s25;
	s5 =	sadd.s32 s5, s2  }
0xf: {  	s25 =	simm.s32 $0x1380;
	s7 =	sshrl.u32 s7, $0x3;
	s29 =	smax.u32 s4, $0x1  }
0x10: {  	s4 =	simm.s32 $0xE80;
	s6 =	sshrl.u32 s6, $0x3;
	s1 =	sadd.s32 s7, s1  }
0x11: {  	[dreg:$0x7] =	wrdreg s29;
	s7 =	simm.s32 $0xC00;
	s0 =	sadd.s32 s0, s6  }
0x12: {  	s26 =	sadd.s32 $0x3000, s1;
	s1 =	simm.s32 $0xA80;
	[dreg:$0x4] =	wrdreg s0  }
0x13: {  	s6 =	simm.s32 $0xB80;
	s0 =	sadd.s32 $0x280, s0;
	[dreg:$0x6] =	wrdreg s26  }
0x14: {  	v0 =	vimm.f32 $1.000000000e+00;
	v1 =	vimm.f32 $0.0e+00;
	s26 =	simm.s32 $0x1;
	[dreg:$0x5] =	wrdreg s0;
	s0 =	simm.s32 $0xA00  }
.LBB2_1:
0x15: {  	[tilespmem:$0x1400] =	vst v0  }
0x16: {  	[tilespmem:$0x1410] =	vst v0  }
0x17: {  	[tilespmem:$0x1420] =	vst v0  }
0x18: {  	[tilespmem:$0x1430] =	vst v0  }
0x19: {  	[tilespmem:$0x1440] =	vst v0  }
0x1a: {  	[tilespmem:$0x1450] =	vst v0  }
0x1b: {  	[tilespmem:$0x1460] =	vst v0  }
0x1c: {  	[tilespmem:$0x1470] =	vst v0  }
0x1d: {  	[tilespmem:$0x1480] =	vst v1  }
0x1e: {  	[tilespmem:$0x1490] =	vst v1  }
0x1f: {  	[tilespmem:$0x14A0] =	vst v1  }
0x20: {  	[tilespmem:$0x14B0] =	vst v1  }
0x21: {  	[tilespmem:$0x14C0] =	vst v1  }
0x22: {  	[tilespmem:$0x14D0] =	vst v1  }
0x23: {  	[tilespmem:$0x14E0] =	vst v1  }
0x24: {  	[tilespmem:$0x14F0] =	vst v1  }
0x25: {  	[tilespmem:$0x1500] =	vst v1  }
0x26: {  	[tilespmem:$0x1510] =	vst v1  }
0x27: {  	[tilespmem:$0x1520] =	vst v1  }
0x28: {  	[tilespmem:$0x1530] =	vst v1  }
0x29: {  	[tilespmem:$0x1540] =	vst v1  }
0x2a: {  	[tilespmem:$0x1550] =	vst v1  }
0x2b: {  	[tilespmem:$0x1560] =	vst v1  }
0x2c: {  	[tilespmem:$0x1570] =	vst v1  }
0x2d: {  	[tilespmem:$0x1580] =	vst v1  }
0x2e: {  	[tilespmem:$0x1590] =	vst v1  }
0x2f: {  	[tilespmem:$0x15A0] =	vst v1  }
0x30: {  	[tilespmem:$0x15B0] =	vst v1  }
0x31: {  	[tilespmem:$0x15C0] =	vst v1  }
0x32: {  	[tilespmem:$0x15D0] =	vst v1  }
0x33: {  	[tilespmem:$0x15E0] =	vst v1  }
0x34: {  	[tilespmem:$0x15F0] =	vst v1  }
0x35: {  	[tilespmem:$0x1600] =	vst v1  }
0x36: {  	[tilespmem:$0x1610] =	vst v1  }
0x37: {  	[tilespmem:$0x1620] =	vst v1  }
0x38: {  	[tilespmem:$0x1630] =	vst v1  }
0x39: {  	[tilespmem:$0x1640] =	vst v1  }
0x3a: {  	[tilespmem:$0x1650] =	vst v1  }
0x3b: {  	[tilespmem:$0x1660] =	vst v1  }
0x3c: {  	[tilespmem:$0x1670] =	vst v1  }
0x3d: {  	[tilespmem:$0x1680] =	vst v1  }
0x3e: {  	[tilespmem:$0x1690] =	vst v1  }
0x3f: {  	[tilespmem:$0x16A0] =	vst v1  }
0x40: {  	[tilespmem:$0x16B0] =	vst v1  }
0x41: {  	[tilespmem:$0x16C0] =	vst v1  }
0x42: {  	[tilespmem:$0x16D0] =	vst v1  }
0x43: {  	[tilespmem:$0x16E0] =	vst v1  }
0x44: {  	[tilespmem:$0x16F0] =	vst v1;
	s29 =	simm.s32 $0x1480  }
0x45: {  	[spmem:s5] =	stream.linear.scatter [tilespmem:s29], [sflag:$0x2], $0x280, $0x38;
	[tilespmem:$0x1980] =	vst v63  }
0x46: {  	_ =	swait.ge [sflag:s10], $0x280  }
0x47: {  	[sflag:s10] =	ssyncset.done $0x0  }
0x48: {  	[sflag:s10] =	ssyncadd.s32 $0xFFFFFD80  }
0x49: {  	[bflag:$0x0] =	sbarrier.arrive $0xFFFF  }
0x4a: {  	s29 =	rddreg [dreg:$0x4]  }
0x4b: {  	[tilespmem:s3], [sflag:$0x2] =	stream.linear.gather [hbm4b:s29+s3], $0x1400, $0x38;
	[tilespmem:$0x1980] =	vst v63  }
0x4c: {  	_ =	swait.ge [sflag:s10], $0x1400  }
0x4d: {  	[sflag:s10] =	ssyncset.done $0x0  }
0x4e: {  	[sflag:s10] =	ssyncadd.s32 $0xFFFFEC00  }
0x4f: {  	[spmem:s2] =	stream.indirect.scatter.add.f32 [tilespmem:s12], [sflag:$0x1], $0x1, s3, s11, $0xb8;
	[tilespmem:$0x1980] =	vst v63  }
0x50: {  	_ = 	snop  }
0x51: {  	[spmem:s2] =	stream.indirect.scatter.add.f32 [tilespmem:s12], [sflag:$0x1], $0x1, s11, s11, $0xb8;
	[tilespmem:$0x1980] =	vst v63  }
0x52: {  	_ = 	snop  }
0x53: {  	[spmem:s2] =	stream.indirect.scatter.add.f32 [tilespmem:s12], [sflag:$0x1], $0x1, s30, s11, $0xb8;
	[tilespmem:$0x1980] =	vst v63  }
0x54: {  	_ = 	snop  }
0x55: {  	[spmem:s2] =	stream.indirect.scatter.add.f32 [tilespmem:s12], [sflag:$0x1], $0x1, s31, s11, $0xb8;
	[tilespmem:$0x1980] =	vst v63  }
0x56: {  	s29 =	simm.s32 $0x200  }
0x57: {  	[spmem:s2] =	stream.indirect.scatter.add.f32 [tilespmem:s12], [sflag:$0x1], $0x1, s29, s11, $0xb8;
	[tilespmem:$0x1980] =	vst v63  }
0x58: {  	s29 =	simm.s32 $0x280  }
0x59: {  	[spmem:s2] =	stream.indirect.scatter.add.f32 [tilespmem:s12], [sflag:$0x1], $0x1, s29, s11, $0xb8;
	[tilespmem:$0x1980] =	vst v63  }
0x5a: {  	s29 =	simm.s32 $0x300  }
0x5b: {  	[spmem:s2] =	stream.indirect.scatter.add.f32 [tilespmem:s12], [sflag:$0x1], $0x1, s29, s11, $0xb8;
	[tilespmem:$0x1980] =	vst v63  }
0x5c: {  	s29 =	simm.s32 $0x380  }
0x5d: {  	[spmem:s2] =	stream.indirect.scatter.add.f32 [tilespmem:s12], [sflag:$0x1], $0x1, s29, s11, $0xb8;
	[tilespmem:$0x1980] =	vst v63  }
0x5e: {  	s29 =	simm.s32 $0x400  }
0x5f: {  	[spmem:s2] =	stream.indirect.scatter.add.f32 [tilespmem:s12], [sflag:$0x1], $0x1, s29, s11, $0xb8;
	[tilespmem:$0x1980] =	vst v63  }
0x60: {  	s29 =	simm.s32 $0x480  }
0x61: {  	[spmem:s2] =	stream.indirect.scatter.add.f32 [tilespmem:s12], [sflag:$0x1], $0x1, s29, s11, $0xb8;
	[tilespmem:$0x1980] =	vst v63  }
0x62: {  	s29 =	simm.s32 $0x500  }
0x63: {  	[spmem:s2] =	stream.indirect.scatter.add.f32 [tilespmem:s12], [sflag:$0x1], $0x1, s29, s11, $0xb8;
	[tilespmem:$0x1980] =	vst v63  }
0x64: {  	s29 =	simm.s32 $0x580  }
0x65: {  	[spmem:s2] =	stream.indirect.scatter.add.f32 [tilespmem:s12], [sflag:$0x1], $0x1, s29, s11, $0xb8;
	[tilespmem:$0x1980] =	vst v63  }
0x66: {  	s29 =	simm.s32 $0x600  }
0x67: {  	[spmem:s2] =	stream.indirect.scatter.add.f32 [tilespmem:s12], [sflag:$0x1], $0x1, s29, s11, $0xb8;
	[tilespmem:$0x1980] =	vst v63  }
0x68: {  	s29 =	simm.s32 $0x680  }
0x69: {  	[spmem:s2] =	stream.indirect.scatter.add.f32 [tilespmem:s12], [sflag:$0x1], $0x1, s29, s11, $0xb8;
	[tilespmem:$0x1980] =	vst v63  }
0x6a: {  	s29 =	simm.s32 $0x700  }
0x6b: {  	[spmem:s2] =	stream.indirect.scatter.add.f32 [tilespmem:s12], [sflag:$0x1], $0x1, s29, s11, $0xb8;
	[tilespmem:$0x1980] =	vst v63  }
0x6c: {  	s29 =	simm.s32 $0x780  }
0x6d: {  	[spmem:s2] =	stream.indirect.scatter.add.f32 [tilespmem:s12], [sflag:$0x1], $0x1, s29, s11, $0xb8;
	[tilespmem:$0x1980] =	vst v63  }
0x6e: {  	s29 =	simm.s32 $0x800  }
0x6f: {  	[spmem:s2] =	stream.indirect.scatter.add.f32 [tilespmem:s12], [sflag:$0x1], $0x1, s29, s11, $0xb8;
	[tilespmem:$0x1980] =	vst v63  }
0x70: {  	s29 =	simm.s32 $0x880  }
0x71: {  	[spmem:s2] =	stream.indirect.scatter.add.f32 [tilespmem:s12], [sflag:$0x1], $0x1, s29, s11, $0xb8;
	[tilespmem:$0x1980] =	vst v63  }
0x72: {  	s29 =	simm.s32 $0x900  }
0x73: {  	[spmem:s2] =	stream.indirect.scatter.add.f32 [tilespmem:s12], [sflag:$0x1], $0x1, s29, s11, $0xb8;
	[tilespmem:$0x1980] =	vst v63  }
0x74: {  	s29 =	simm.s32 $0x980  }
0x75: {  	[spmem:s2] =	stream.indirect.scatter.add.f32 [tilespmem:s12], [sflag:$0x1], $0x1, s29, s11, $0xb8;
	[tilespmem:$0x1980] =	vst v63  }
0x76: {  	_ = 	snop  }
0x77: {  	[spmem:s2] =	stream.indirect.scatter.add.f32 [tilespmem:s12], [sflag:$0x1], $0x1, s0, s11, $0xb8;
	[tilespmem:$0x1980] =	vst v63  }
0x78: {  	_ = 	snop  }
0x79: {  	[spmem:s2] =	stream.indirect.scatter.add.f32 [tilespmem:s12], [sflag:$0x1], $0x1, s1, s11, $0xb8;
	[tilespmem:$0x1980] =	vst v63  }
0x7a: {  	_ = 	snop  }
0x7b: {  	[spmem:s2] =	stream.indirect.scatter.add.f32 [tilespmem:s12], [sflag:$0x1], $0x1, s9, s11, $0xb8;
	[tilespmem:$0x1980] =	vst v63  }
0x7c: {  	_ = 	snop  }
0x7d: {  	[spmem:s2] =	stream.indirect.scatter.add.f32 [tilespmem:s12], [sflag:$0x1], $0x1, s6, s11, $0xb8;
	[tilespmem:$0x1980] =	vst v63  }
0x7e: {  	_ = 	snop  }
0x7f: {  	[spmem:s2] =	stream.indirect.scatter.add.f32 [tilespmem:s12], [sflag:$0x1], $0x1, s7, s11, $0xb8;
	[tilespmem:$0x1980] =	vst v63  }
0x80: {  	_ = 	snop  }
0x81: {  	[spmem:s2] =	stream.indirect.scatter.add.f32 [tilespmem:s12], [sflag:$0x1], $0x1, s8, s11, $0xb8;
	[tilespmem:$0x1980] =	vst v63  }
0x82: {  	_ = 	snop  }
0x83: {  	[spmem:s2] =	stream.indirect.scatter.add.f32 [tilespmem:s12], [sflag:$0x1], $0x1, s13, s11, $0xb8;
	[tilespmem:$0x1980] =	vst v63  }
0x84: {  	_ = 	snop  }
0x85: {  	[spmem:s2] =	stream.indirect.scatter.add.f32 [tilespmem:s12], [sflag:$0x1], $0x1, s14, s11, $0xb8;
	[tilespmem:$0x1980] =	vst v63  }
0x86: {  	_ = 	snop  }
0x87: {  	[spmem:s2] =	stream.indirect.scatter.add.f32 [tilespmem:s12], [sflag:$0x1], $0x1, s15, s11, $0xb8;
	[tilespmem:$0x1980] =	vst v63  }
0x88: {  	_ = 	snop  }
0x89: {  	[spmem:s2] =	stream.indirect.scatter.add.f32 [tilespmem:s12], [sflag:$0x1], $0x1, s4, s11, $0xb8;
	[tilespmem:$0x1980] =	vst v63  }
0x8a: {  	_ = 	snop  }
0x8b: {  	[spmem:s2] =	stream.indirect.scatter.add.f32 [tilespmem:s12], [sflag:$0x1], $0x1, s16, s11, $0xb8;
	[tilespmem:$0x1980] =	vst v63  }
0x8c: {  	_ = 	snop  }
0x8d: {  	[spmem:s2] =	stream.indirect.scatter.add.f32 [tilespmem:s12], [sflag:$0x1], $0x1, s17, s11, $0xb8;
	[tilespmem:$0x1980] =	vst v63  }
0x8e: {  	_ = 	snop  }
0x8f: {  	[spmem:s2] =	stream.indirect.scatter.add.f32 [tilespmem:s12], [sflag:$0x1], $0x1, s18, s11, $0xb8;
	[tilespmem:$0x1980] =	vst v63  }
0x90: {  	_ = 	snop  }
0x91: {  	[spmem:s2] =	stream.indirect.scatter.add.f32 [tilespmem:s12], [sflag:$0x1], $0x1, s19, s11, $0xb8;
	[tilespmem:$0x1980] =	vst v63  }
0x92: {  	_ = 	snop  }
0x93: {  	[spmem:s2] =	stream.indirect.scatter.add.f32 [tilespmem:s12], [sflag:$0x1], $0x1, s20, s11, $0xb8;
	[tilespmem:$0x1980] =	vst v63  }
0x94: {  	_ = 	snop  }
0x95: {  	[spmem:s2] =	stream.indirect.scatter.add.f32 [tilespmem:s12], [sflag:$0x1], $0x1, s21, s11, $0xb8;
	[tilespmem:$0x1980] =	vst v63  }
0x96: {  	_ = 	snop  }
0x97: {  	[spmem:s2] =	stream.indirect.scatter.add.f32 [tilespmem:s12], [sflag:$0x1], $0x1, s22, s11, $0xb8;
	[tilespmem:$0x1980] =	vst v63  }
0x98: {  	_ = 	snop  }
0x99: {  	[spmem:s2] =	stream.indirect.scatter.add.f32 [tilespmem:s12], [sflag:$0x1], $0x1, s23, s11, $0xb8;
	[tilespmem:$0x1980] =	vst v63  }
0x9a: {  	_ = 	snop  }
0x9b: {  	[spmem:s2] =	stream.indirect.scatter.add.f32 [tilespmem:s12], [sflag:$0x1], $0x1, s24, s11, $0xb8;
	[tilespmem:$0x1980] =	vst v63  }
0x9c: {  	_ = 	snop  }
0x9d: {  	[spmem:s2] =	stream.indirect.scatter.add.f32 [tilespmem:s12], [sflag:$0x1], $0x1, s25, s11, $0xb8;
	[tilespmem:$0x1980] =	vst v63  }
0x9e: {  	_ =	swait.ge [sflag:s26], $0x80  }
0x9f: {  	s29 =	simm.s32 $0x27;
	[sflag:s26] =	ssyncset.done $0x0  }
.LBB2_2:
0xa0: {  	p0 =	sne.s32 s29, $0x1;
	s29 =	sadd.s32 $0xFFFFFFFF, s29;
	[sflag:s26] =	ssyncadd.s32 $0xFFFFFF80  }
.Ltmp0:
0xa1: {  	(pc) =	sbr.rel @p0 .LBB2_2-.Ltmp0, $3  }
0xa2: {  	_ =	sdelay $0x1  }
0xa3: {  	_ =	swait.ge [sflag:s26], $0x80  }
0xa4: {  	[sflag:s26] =	ssyncset.done $0x0  }
0xa5: {  	[sflag:s26] =	ssyncadd.s32 $0xFFFFFF80;
	s29 =	rddreg [dreg:$0x5]  }
0xa6: {  	[tilespmem:s3], [sflag:$0x2] =	stream.linear.gather [hbm4b:s29+s3], $0x1400, $0x38;
	[tilespmem:$0x1980] =	vst v63  }
0xa7: {  	_ =	swait.ge [sflag:s10], $0x1400  }
0xa8: {  	[sflag:s10] =	ssyncset.done $0x0  }
0xa9: {  	[sflag:s10] =	ssyncadd.s32 $0xFFFFEC00  }
0xaa: {  	[spmem:s2] =	stream.indirect.scatter.add.f32 [tilespmem:s12], [sflag:$0x1], $0x1, s3, s11, $0xb8;
	[tilespmem:$0x1980] =	vst v63  }
0xab: {  	_ = 	snop  }
0xac: {  	[spmem:s2] =	stream.indirect.scatter.add.f32 [tilespmem:s12], [sflag:$0x1], $0x1, s11, s11, $0xb8;
	[tilespmem:$0x1980] =	vst v63  }
0xad: {  	_ = 	snop  }
0xae: {  	[spmem:s2] =	stream.indirect.scatter.add.f32 [tilespmem:s12], [sflag:$0x1], $0x1, s30, s11, $0xb8;
	[tilespmem:$0x1980] =	vst v63  }
0xaf: {  	_ = 	snop  }
0xb0: {  	[spmem:s2] =	stream.indirect.scatter.add.f32 [tilespmem:s12], [sflag:$0x1], $0x1, s31, s11, $0xb8;
	[tilespmem:$0x1980] =	vst v63  }
0xb1: {  	s29 =	simm.s32 $0x200  }
0xb2: {  	[spmem:s2] =	stream.indirect.scatter.add.f32 [tilespmem:s12], [sflag:$0x1], $0x1, s29, s11, $0xb8;
	[tilespmem:$0x1980] =	vst v63  }
0xb3: {  	s29 =	simm.s32 $0x280  }
0xb4: {  	[spmem:s2] =	stream.indirect.scatter.add.f32 [tilespmem:s12], [sflag:$0x1], $0x1, s29, s11, $0xb8;
	[tilespmem:$0x1980] =	vst v63  }
0xb5: {  	s29 =	simm.s32 $0x300  }
0xb6: {  	[spmem:s2] =	stream.indirect.scatter.add.f32 [tilespmem:s12], [sflag:$0x1], $0x1, s29, s11, $0xb8;
	[tilespmem:$0x1980] =	vst v63  }
0xb7: {  	s29 =	simm.s32 $0x380  }
0xb8: {  	[spmem:s2] =	stream.indirect.scatter.add.f32 [tilespmem:s12], [sflag:$0x1], $0x1, s29, s11, $0xb8;
	[tilespmem:$0x1980] =	vst v63  }
0xb9: {  	s29 =	simm.s32 $0x400  }
0xba: {  	[spmem:s2] =	stream.indirect.scatter.add.f32 [tilespmem:s12], [sflag:$0x1], $0x1, s29, s11, $0xb8;
	[tilespmem:$0x1980] =	vst v63  }
0xbb: {  	s29 =	simm.s32 $0x480  }
0xbc: {  	[spmem:s2] =	stream.indirect.scatter.add.f32 [tilespmem:s12], [sflag:$0x1], $0x1, s29, s11, $0xb8;
	[tilespmem:$0x1980] =	vst v63  }
0xbd: {  	s29 =	simm.s32 $0x500  }
0xbe: {  	[spmem:s2] =	stream.indirect.scatter.add.f32 [tilespmem:s12], [sflag:$0x1], $0x1, s29, s11, $0xb8;
	[tilespmem:$0x1980] =	vst v63  }
0xbf: {  	s29 =	simm.s32 $0x580  }
0xc0: {  	[spmem:s2] =	stream.indirect.scatter.add.f32 [tilespmem:s12], [sflag:$0x1], $0x1, s29, s11, $0xb8;
	[tilespmem:$0x1980] =	vst v63  }
0xc1: {  	s29 =	simm.s32 $0x600  }
0xc2: {  	[spmem:s2] =	stream.indirect.scatter.add.f32 [tilespmem:s12], [sflag:$0x1], $0x1, s29, s11, $0xb8;
	[tilespmem:$0x1980] =	vst v63  }
0xc3: {  	s29 =	simm.s32 $0x680  }
0xc4: {  	[spmem:s2] =	stream.indirect.scatter.add.f32 [tilespmem:s12], [sflag:$0x1], $0x1, s29, s11, $0xb8;
	[tilespmem:$0x1980] =	vst v63  }
0xc5: {  	s29 =	simm.s32 $0x700  }
0xc6: {  	[spmem:s2] =	stream.indirect.scatter.add.f32 [tilespmem:s12], [sflag:$0x1], $0x1, s29, s11, $0xb8;
	[tilespmem:$0x1980] =	vst v63  }
0xc7: {  	s29 =	simm.s32 $0x780  }
0xc8: {  	[spmem:s2] =	stream.indirect.scatter.add.f32 [tilespmem:s12], [sflag:$0x1], $0x1, s29, s11, $0xb8;
	[tilespmem:$0x1980] =	vst v63  }
0xc9: {  	s29 =	simm.s32 $0x800  }
0xca: {  	[spmem:s2] =	stream.indirect.scatter.add.f32 [tilespmem:s12], [sflag:$0x1], $0x1, s29, s11, $0xb8;
	[tilespmem:$0x1980] =	vst v63  }
0xcb: {  	s29 =	simm.s32 $0x880  }
0xcc: {  	[spmem:s2] =	stream.indirect.scatter.add.f32 [tilespmem:s12], [sflag:$0x1], $0x1, s29, s11, $0xb8;
	[tilespmem:$0x1980] =	vst v63  }
0xcd: {  	s29 =	simm.s32 $0x900  }
0xce: {  	[spmem:s2] =	stream.indirect.scatter.add.f32 [tilespmem:s12], [sflag:$0x1], $0x1, s29, s11, $0xb8;
	[tilespmem:$0x1980] =	vst v63  }
0xcf: {  	s29 =	simm.s32 $0x980  }
0xd0: {  	[spmem:s2] =	stream.indirect.scatter.add.f32 [tilespmem:s12], [sflag:$0x1], $0x1, s29, s11, $0xb8;
	[tilespmem:$0x1980] =	vst v63  }
0xd1: {  	_ = 	snop  }
0xd2: {  	[spmem:s2] =	stream.indirect.scatter.add.f32 [tilespmem:s12], [sflag:$0x1], $0x1, s0, s11, $0xb8;
	[tilespmem:$0x1980] =	vst v63  }
0xd3: {  	_ = 	snop  }
0xd4: {  	[spmem:s2] =	stream.indirect.scatter.add.f32 [tilespmem:s12], [sflag:$0x1], $0x1, s1, s11, $0xb8;
	[tilespmem:$0x1980] =	vst v63  }
0xd5: {  	_ = 	snop  }
0xd6: {  	[spmem:s2] =	stream.indirect.scatter.add.f32 [tilespmem:s12], [sflag:$0x1], $0x1, s9, s11, $0xb8;
	[tilespmem:$0x1980] =	vst v63  }
0xd7: {  	_ = 	snop  }
0xd8: {  	[spmem:s2] =	stream.indirect.scatter.add.f32 [tilespmem:s12], [sflag:$0x1], $0x1, s6, s11, $0xb8;
	[tilespmem:$0x1980] =	vst v63  }
0xd9: {  	_ = 	snop  }
0xda: {  	[spmem:s2] =	stream.indirect.scatter.add.f32 [tilespmem:s12], [sflag:$0x1], $0x1, s7, s11, $0xb8;
	[tilespmem:$0x1980] =	vst v63  }
0xdb: {  	_ = 	snop  }
0xdc: {  	[spmem:s2] =	stream.indirect.scatter.add.f32 [tilespmem:s12], [sflag:$0x1], $0x1, s8, s11, $0xb8;
	[tilespmem:$0x1980] =	vst v63  }
0xdd: {  	_ = 	snop  }
0xde: {  	[spmem:s2] =	stream.indirect.scatter.add.f32 [tilespmem:s12], [sflag:$0x1], $0x1, s13, s11, $0xb8;
	[tilespmem:$0x1980] =	vst v63  }
0xdf: {  	_ = 	snop  }
0xe0: {  	[spmem:s2] =	stream.indirect.scatter.add.f32 [tilespmem:s12], [sflag:$0x1], $0x1, s14, s11, $0xb8;
	[tilespmem:$0x1980] =	vst v63  }
0xe1: {  	_ = 	snop  }
0xe2: {  	[spmem:s2] =	stream.indirect.scatter.add.f32 [tilespmem:s12], [sflag:$0x1], $0x1, s15, s11, $0xb8;
	[tilespmem:$0x1980] =	vst v63  }
0xe3: {  	_ = 	snop  }
0xe4: {  	[spmem:s2] =	stream.indirect.scatter.add.f32 [tilespmem:s12], [sflag:$0x1], $0x1, s4, s11, $0xb8;
	[tilespmem:$0x1980] =	vst v63  }
0xe5: {  	_ = 	snop  }
0xe6: {  	[spmem:s2] =	stream.indirect.scatter.add.f32 [tilespmem:s12], [sflag:$0x1], $0x1, s16, s11, $0xb8;
	[tilespmem:$0x1980] =	vst v63  }
0xe7: {  	_ = 	snop  }
0xe8: {  	[spmem:s2] =	stream.indirect.scatter.add.f32 [tilespmem:s12], [sflag:$0x1], $0x1, s17, s11, $0xb8;
	[tilespmem:$0x1980] =	vst v63  }
0xe9: {  	_ = 	snop  }
0xea: {  	[spmem:s2] =	stream.indirect.scatter.add.f32 [tilespmem:s12], [sflag:$0x1], $0x1, s18, s11, $0xb8;
	[tilespmem:$0x1980] =	vst v63  }
0xeb: {  	_ = 	snop  }
0xec: {  	[spmem:s2] =	stream.indirect.scatter.add.f32 [tilespmem:s12], [sflag:$0x1], $0x1, s19, s11, $0xb8;
	[tilespmem:$0x1980] =	vst v63  }
0xed: {  	_ = 	snop  }
0xee: {  	[spmem:s2] =	stream.indirect.scatter.add.f32 [tilespmem:s12], [sflag:$0x1], $0x1, s20, s11, $0xb8;
	[tilespmem:$0x1980] =	vst v63  }
0xef: {  	_ = 	snop  }
0xf0: {  	[spmem:s2] =	stream.indirect.scatter.add.f32 [tilespmem:s12], [sflag:$0x1], $0x1, s21, s11, $0xb8;
	[tilespmem:$0x1980] =	vst v63  }
0xf1: {  	_ = 	snop  }
0xf2: {  	[spmem:s2] =	stream.indirect.scatter.add.f32 [tilespmem:s12], [sflag:$0x1], $0x1, s22, s11, $0xb8;
	[tilespmem:$0x1980] =	vst v63  }
0xf3: {  	_ = 	snop  }
0xf4: {  	[spmem:s2] =	stream.indirect.scatter.add.f32 [tilespmem:s12], [sflag:$0x1], $0x1, s23, s11, $0xb8;
	[tilespmem:$0x1980] =	vst v63  }
0xf5: {  	_ = 	snop  }
0xf6: {  	[spmem:s2] =	stream.indirect.scatter.add.f32 [tilespmem:s12], [sflag:$0x1], $0x1, s24, s11, $0xb8;
	[tilespmem:$0x1980] =	vst v63  }
0xf7: {  	_ = 	snop  }
0xf8: {  	[spmem:s2] =	stream.indirect.scatter.add.f32 [tilespmem:s12], [sflag:$0x1], $0x1, s25, s11, $0xb8;
	[tilespmem:$0x1980] =	vst v63  }
0xf9: {  	_ =	swait.ge [sflag:s26], $0x80  }
0xfa: {  	s29 =	simm.s32 $0x27;
	[sflag:s26] =	ssyncset.done $0x0  }
.LBB2_4:
0xfb: {  	p0 =	sne.s32 s29, $0x1;
	s29 =	sadd.s32 $0xFFFFFFFF, s29;
	[sflag:s26] =	ssyncadd.s32 $0xFFFFFF80  }
.Ltmp1:
0xfc: {  	(pc) =	sbr.rel @p0 .LBB2_4-.Ltmp1, $3  }
0xfd: {  	_ =	sdelay $0x1  }
0xfe: {  	_ =	swait.ge [sflag:s26], $0x80  }
0xff: {  	[sflag:s26] =	ssyncset.done $0x0  }
0x100: {  	[sflag:s26] =	ssyncadd.s32 $0xFFFFFF80;
	s29 =	stileid.u32  }
0x101: {  	s29 =	sshll.u32 s29, $0x6;
	[bflag:$0x0] =	sbarrier.arrive $0xFFFF  }
0x102: {  	s30 =	sshrl.u32 s5, $0x3;
	s29 =	sor.u32 $0x1C02, s29;
	s31 =	rddreg [dreg:$0x6]  }
0x103: {  	[hbm:s31], [sflag:s29] =	dma.local [spmem:s30], $0x50  }
0x104: {  	_ =	swait.ge [sflag:s10], $0x50  }
0x105: {  	s28 =	sadd.s32 $0x1, s28;
	s29 =	rddreg [dreg:$0x7]  }
0x106: {  	p0 =	sne.s32 s28, s29  }
.Ltmp2:
0x107: {  	_ = 	snop;
	(pc) =	sbr.rel @p0 .LBB2_1-.Ltmp2, $3  }
0x108: {  	_ =	sdelay $0x1  }
0x109: {  	[sflag:s10] =	ssyncset.done $0x0  }
0x10a: {  	s30 =	simm.s32 $0x100;
	s31 =	simm.s32 $0x180;
	[sflag:s10] =	ssyncadd.s32 $0xFFFFFFB0  }
0x10b: {  	_ =	sfence.sel $0x180000  }
0x10c: {  	[bflag:$0x0] =	sbarrier.arrive $0xFFFF  }
0x10d: {  	_ =	strace $0x90000047  }
0x10e: {  	s0 =	stileid.u32;
	[bflag:$0x2] =	sbarrier.arrive $0xFFFF  }
0x10f: {  	p0 =	sne.s32 s0, $0x0;
	s0 =	rddreg [dreg:$0x3]  }
0x110: {  	s0 =	sadd.s32 @!p0 $0x100000, s0  }
0x111: {  	[sflag:s0] =	ssyncadd.tile.s32 @!p0 $0x1;
	_ =	shalt  }
.Lfunc_end2:
_tile_overlayer_lowered:
.L_overlay_start_2:
0x112: {  	(tag) =	ssettag $0x2  }
0x113: {  	s0 =	rddreg [dreg:$0x0];
	s2 =	stileid.u32  }
0x114: {  	s1 =	rddreg [dreg:$0x1];
	p0 =	sne.s32 s2, $0x0  }
0x115: {  	s3 =	rddreg [dreg:$0x2];
	[bflag:$0x3] =	sbarrier.arrive $0xFFFF;
	s2 =	simm.s32 @!p0 $0x1C02  }
0x116: {  	[timem:s3], [sflag:s2] =	dma.local @!p0 [hbm:s0], s1  }
0x117: {  	s0 =	simm.s32 @!p0 $0x2  }
0x118: {  	_ =	swait.ge @!p0 [sflag:s0], s1  }
0x119: {  	s1 =	ssub.s32 @!p0 $0x0, s1;
	[sflag:s0] =	ssyncset.done @!p0 $0x0  }
0x11a: {  	[sflag:s0] =	ssyncadd.s32 @!p0 s1  }
0x11b: {  	[bflag:$0x3] =	sbarrier.arrive $0xFFFF  }
0x11c: {  	_ =	shalt  }

</sc_bundles>
